<compile_context>
chip_gen: v7x
topology: tpu7x:2x2x1
jax: 0.10.2.dev20260603
libtpu: 0.0.44.dev20260713+nightly
codegen_flags: <defaults>
</compile_context>

<pallas_src>
import functools

import jax
import jax.numpy as jnp
from jax import lax
from jax.experimental import pallas as pl
from jax.experimental.pallas import tpu as pltpu
from jax.experimental.pallas import tpu_sc as plsc

BATCH = 4096
SEQ_LEN = 200
WORD_DIM = 64

_NUM_CORES = 2
_NUM_SUBCORES = 16
_NUM_WORKERS = _NUM_CORES * _NUM_SUBCORES
_ROWS_PER_WORKER = BATCH // _NUM_WORKERS
_IDS_PER_WORKER = _ROWS_PER_WORKER * SEQ_LEN

_CHUNK0 = 128
_CHUNK1 = SEQ_LEN - _CHUNK0

_NBUF = 4
_QUADS = _ROWS_PER_WORKER // _NBUF


def _sc_kernel(ids_hbm, table_hbm, pos_hbm, out_hbm,
               idxall, pos_v, out_bufs, g_sems, st_sems):
    cid = lax.axis_index("c")
    sid = lax.axis_index("s")
    wid = sid * _NUM_CORES + cid
    flat_base = wid * _IDS_PER_WORKER

    pltpu.sync_copy(pos_hbm.at[pl.ds(0, SEQ_LEN)], pos_v)
    pltpu.sync_copy(ids_hbm.at[pl.ds(flat_base, _IDS_PER_WORKER)], idxall)

    def fire_gather(r_loc, j):
        o = r_loc * SEQ_LEN
        pltpu.async_copy(table_hbm.at[idxall.at[pl.ds(o, _CHUNK0)]],
                         out_bufs[j].at[pl.ds(0, _CHUNK0)], g_sems[j])
        pltpu.async_copy(table_hbm.at[idxall.at[pl.ds(o + _CHUNK0, _CHUNK1)]],
                         out_bufs[j].at[pl.ds(_CHUNK0, _CHUNK1)], g_sems[j])

    def wait_gather(j):
        pltpu.make_async_copy(table_hbm.at[pl.ds(0, SEQ_LEN)],
                              out_bufs[j], g_sems[j]).wait()

    def fire_store(r_loc, j):
        pltpu.async_copy(out_bufs[j],
                         out_hbm.at[pl.ds(flat_base + r_loc * SEQ_LEN, SEQ_LEN),
                                    pl.ds(0, WORD_DIM)],
                         st_sems[j])

    def wait_store(j):
        pltpu.make_async_copy(out_bufs[j],
                              out_hbm.at[pl.ds(0, SEQ_LEN),
                                         pl.ds(0, WORD_DIM)],
                              st_sems[j]).wait()

    def add_pos(j):
        def body8(r8, c):
            r = r8 * 8
            for rr in range(8):
                for k in range(WORD_DIM // 16):
                    plsc.addupdate(out_bufs[j].at[r + rr, pl.ds(k * 16, 16)],
                                   pos_v[r + rr, pl.ds(k * 16, 16)])
            return c
        lax.fori_loop(0, SEQ_LEN // 8, body8, 0)

    for j in range(_NBUF):
        fire_gather(j, j)

    def quad_body(i, carry):
        for j in range(_NBUF):
            r = i * _NBUF + j
            wait_gather(j)
            add_pos(j)
            fire_store(r, j)
            if j >= 1:
                @pl.when(i < _QUADS - 1)
                def _():
                    wait_store(j - 1)
                    fire_gather(i * _NBUF + _NBUF + (j - 1), j - 1)

        @pl.when(i < _QUADS - 1)
        def _():
            wait_store(_NBUF - 1)
            fire_gather(i * _NBUF + _NBUF + (_NBUF - 1), _NBUF - 1)
        return carry

    lax.fori_loop(0, _QUADS, quad_body, 0)

    for j in range(_NBUF):
        wait_store(j)


def _wrapped(ids_hbm, table_hbm, pos_hbm, out_hbm,
             idxall, pos_v, b0, b1, b2, b3,
             g0, g1, g2, g3, s0, s1, s2, s3):
    _sc_kernel(ids_hbm, table_hbm, pos_hbm, out_hbm, idxall, pos_v,
               [b0, b1, b2, b3], [g0, g1, g2, g3], [s0, s1, s2, s3])


@jax.jit
def _run(ids_flat, word_table, pos_table):
    mesh = plsc.VectorSubcoreMesh(core_axis_name="c", subcore_axis_name="s")
    f = functools.partial(
        pl.kernel,
        mesh=mesh,
        out_type=jax.ShapeDtypeStruct((BATCH * SEQ_LEN, 128), jnp.float32),
        scratch_types=(
            [pltpu.VMEM((_IDS_PER_WORKER,), jnp.int32),
             pltpu.VMEM((SEQ_LEN, WORD_DIM), jnp.float32)]
            + [pltpu.VMEM((SEQ_LEN, WORD_DIM), jnp.float32)] * _NBUF
            + [pltpu.SemaphoreType.DMA] * (2 * _NBUF)
        ),
        compiler_params=pltpu.CompilerParams(use_tc_tiling_on_sc=False),
    )(_wrapped)
    return f(ids_flat, word_table, pos_table)


def kernel(input_ids, word_table, pos_table):
    ids_flat = input_ids.reshape(-1).astype(jnp.int32)
    out = _run(ids_flat, word_table, pos_table)
    return out.reshape(BATCH, SEQ_LEN, 128)[:, :, :WORD_DIM]

# --- scband reference (transcript-rebuilt; emitter-appended) ---
"""Pipeline reference for scband-learned-positional-embedding-with-word-embedding-70342974373915 (READ-ONLY COPY).

The authoritative reference and input builder live on the scoring server;
editing this copy changes nothing except your own understanding.
"""

import jax, jax.numpy as jnp
import numpy as np

VOCAB = 1000000
WORD_DIM = 64
MAX_SEQ_LEN = 512
BATCH = 4096
SEQ_LEN = 200


def setup_inputs(seed: int = 0) -> dict:
    key = jax.random.key(seed)
    k1, k2, k3 = jax.random.split(key, 3)
    input_ids = jax.random.randint(k1, (BATCH, SEQ_LEN), 0, VOCAB, dtype=jnp.int64 if jax.config.jax_enable_x64 else jnp.int32)
    word_table = jax.random.normal(k2, (VOCAB, WORD_DIM), dtype=jnp.float32)
    pos_table = jax.random.normal(k3, (MAX_SEQ_LEN, WORD_DIM), dtype=jnp.float32)
    return {"input_ids": input_ids, "word_table": word_table, "pos_table": pos_table}


def reference(input_ids, word_table, pos_table):
    # word embedding lookup
    word_emb = jnp.take(word_table, input_ids, axis=0)  # [B, L, D]
    # learned positional embedding
    positions = jnp.arange(input_ids.shape[1])[None, :]  # [1, L]
    pos_emb = jnp.take(pos_table, positions, axis=0)  # [1, L, D]
    return word_emb + pos_emb

if __name__ == "__main__":
    import jax
    _d = setup_inputs()
    print(jax.jit(kernel)(*tuple(_d.values())))

</pallas_src>

<mosaic_0001>
#map = affine_map<(d0, d1) -> (0)>
#map1 = affine_map<(d0, d1) -> (0, 0)>
module attributes {stable_mosaic.version = 14 : i64} {
  func.func @_wrapped(%arg0: i32, %arg1: i32, %arg2: memref<819200xi32, #tpu.memory_space<hbm>>, %arg3: memref<1000000x64xf32, #tpu.memory_space<hbm>>, %arg4: memref<512x64xf32, #tpu.memory_space<hbm>>, %arg5: memref<819200x128xf32, #tpu.memory_space<hbm>>, %arg6: memref<25600xi32, #tpu.memory_space<vmem>>, %arg7: memref<200x64xf32, #tpu.memory_space<vmem>>, %arg8: memref<200x64xf32, #tpu.memory_space<vmem>>, %arg9: memref<200x64xf32, #tpu.memory_space<vmem>>, %arg10: memref<200x64xf32, #tpu.memory_space<vmem>>, %arg11: memref<200x64xf32, #tpu.memory_space<vmem>>, %arg12: memref<!tpu.dma_semaphore, #tpu.memory_space<semaphore_mem>>, %arg13: memref<!tpu.dma_semaphore, #tpu.memory_space<semaphore_mem>>, %arg14: memref<!tpu.dma_semaphore, #tpu.memory_space<semaphore_mem>>, %arg15: memref<!tpu.dma_semaphore, #tpu.memory_space<semaphore_mem>>, %arg16: memref<!tpu.dma_semaphore, #tpu.memory_space<semaphore_mem>>, %arg17: memref<!tpu.dma_semaphore, #tpu.memory_space<semaphore_mem>>, %arg18: memref<!tpu.dma_semaphore, #tpu.memory_space<semaphore_mem>>, %arg19: memref<!tpu.dma_semaphore, #tpu.memory_space<semaphore_mem>>) attributes {dimension_semantics = [#tpu.dimension_semantics<core_parallel>, #tpu.dimension_semantics<subcore_parallel>], iteration_bounds = array<i64: 2, 16>, scalar_prefetch = 0 : i64, scratch_operands = 14 : i64, tpu.core_type = #tpu.core_type<sc_vector_subcore>, window_params = [{transform_indices = #map}, {transform_indices = #map1}, {transform_indices = #map1}, {transform_indices = #map1}]} {
    %mul3A = arith.constant 2 : i32
    %mul3A_0 = arith.muli %arg1, %mul3A : i32
    %add3A = arith.addi %mul3A_0, %arg0 : i32
    %mul3A_1 = arith.constant 25600 : i32
    %mul3A_2 = arith.muli %add3A, %mul3A_1 : i32
    "tpu.region"() ({
      %run_scoped3A = tpu.sem_alloc : memref<!tpu.dma_semaphore, #tpu.memory_space<semaphore_mem>>
      %dma_start3A_94 = arith.constant 0 : i32
      %dma_start3A_95 = arith.constant 0 : i32
      %dma_start3A_96 = tpu.memref_slice %arg4[%dma_start3A_94, %dma_start3A_95] : memref<512x64xf32, #tpu.memory_space<hbm>> -> memref<200x64xf32, #tpu.memory_space<hbm>>
      %dma_start3A_97 = arith.constant 0 : i32
      %dma_start3A_98 = arith.constant 0 : i32
      %dma_start3A_99 = tpu.memref_slice %arg4[%dma_start3A_97, %dma_start3A_98] : memref<512x64xf32, #tpu.memory_space<hbm>> -> memref<200x64xf32, #tpu.memory_space<hbm>>
      tpu.enqueue_dma source(%dma_start3A_99 : memref<200x64xf32, #tpu.memory_space<hbm>>) target(%arg7 : memref<200x64xf32, #tpu.memory_space<vmem>>) target_semaphore(%run_scoped3A : memref<!tpu.dma_semaphore, #tpu.memory_space<semaphore_mem>>)
      %dma_wait3A_100 = arith.constant 0 : i32
      %dma_wait3A_101 = arith.constant 0 : i32
      %dma_wait3A_102 = tpu.memref_slice %arg4[%dma_wait3A_100, %dma_wait3A_101] : memref<512x64xf32, #tpu.memory_space<hbm>> -> memref<200x64xf32, #tpu.memory_space<hbm>>
      %dma_wait3A_103 = arith.constant 0 : i32
      %dma_wait3A_104 = arith.constant 0 : i32
      %dma_wait3A_105 = tpu.memref_slice %arg4[%dma_wait3A_103, %dma_wait3A_104] : memref<512x64xf32, #tpu.memory_space<hbm>> -> memref<200x64xf32, #tpu.memory_space<hbm>>
      tpu.wait_dma2 semaphore(%run_scoped3A : memref<!tpu.dma_semaphore, #tpu.memory_space<semaphore_mem>>) src(%dma_wait3A_105 : memref<200x64xf32, #tpu.memory_space<hbm>>) dst(%arg7 : memref<200x64xf32, #tpu.memory_space<vmem>>)
      tpu.yield
    }) : () -> ()
    "tpu.region"() ({
      %run_scoped3A = tpu.sem_alloc : memref<!tpu.dma_semaphore, #tpu.memory_space<semaphore_mem>>
      %dma_start3A_94 = tpu.memref_slice %arg2[%mul3A_2] : memref<819200xi32, #tpu.memory_space<hbm>> -> memref<25600xi32, #tpu.memory_space<hbm>>
      %dma_start3A_95 = tpu.memref_slice %arg2[%mul3A_2] : memref<819200xi32, #tpu.memory_space<hbm>> -> memref<25600xi32, #tpu.memory_space<hbm>>
      tpu.enqueue_dma source(%dma_start3A_95 : memref<25600xi32, #tpu.memory_space<hbm>>) target(%arg6 : memref<25600xi32, #tpu.memory_space<vmem>>) target_semaphore(%run_scoped3A : memref<!tpu.dma_semaphore, #tpu.memory_space<semaphore_mem>>)
      %dma_wait3A_96 = tpu.memref_slice %arg2[%mul3A_2] : memref<819200xi32, #tpu.memory_space<hbm>> -> memref<25600xi32, #tpu.memory_space<hbm>>
      %dma_wait3A_97 = tpu.memref_slice %arg2[%mul3A_2] : memref<819200xi32, #tpu.memory_space<hbm>> -> memref<25600xi32, #tpu.memory_space<hbm>>
      tpu.wait_dma2 semaphore(%run_scoped3A : memref<!tpu.dma_semaphore, #tpu.memory_space<semaphore_mem>>) src(%dma_wait3A_97 : memref<25600xi32, #tpu.memory_space<hbm>>) dst(%arg6 : memref<25600xi32, #tpu.memory_space<vmem>>)
      tpu.yield
    }) : () -> ()
    %dma_start3A = arith.constant 0 : i32
    %dma_start3A_3 = arith.constant 0 : i32
    %dma_start3A_4 = tpu.memref_slice %arg8[%dma_start3A, %dma_start3A_3] : memref<200x64xf32, #tpu.memory_space<vmem>> -> memref<128x64xf32, #tpu.memory_space<vmem>>
    %dma_start3A_5 = arith.constant 0 : i32
    %dma_start3A_6 = tpu.memref_slice %arg6[%dma_start3A_5] : memref<25600xi32, #tpu.memory_space<vmem>> -> memref<128xi32, #tpu.memory_space<vmem>>
    %dma_start3A_7 = arith.constant 0 : i32
    %dma_start3A_8 = arith.constant 0 : i32
    %dma_start3A_9 = tpu.memref_slice %arg3[%dma_start3A_7, %dma_start3A_8] : memref<1000000x64xf32, #tpu.memory_space<hbm>> -> memref<1000000x64xf32, #tpu.memory_space<hbm>>
    tpu.enqueue_indirect_dma source(%dma_start3A_9 : memref<1000000x64xf32, #tpu.memory_space<hbm>>) target(%dma_start3A_4 : memref<128x64xf32, #tpu.memory_space<vmem>>) offsets(%dma_start3A_6 : memref<128xi32, #tpu.memory_space<vmem>>) semaphore(%arg12 : memref<!tpu.dma_semaphore, #tpu.memory_space<semaphore_mem>>)
    %dma_start3A_10 = arith.constant 128 : i32
    %dma_start3A_11 = arith.constant 0 : i32
    %dma_start3A_12 = tpu.memref_slice %arg8[%dma_start3A_10, %dma_start3A_11] : memref<200x64xf32, #tpu.memory_space<vmem>> -> memref<72x64xf32, #tpu.memory_space<vmem>>
    %dma_start3A_13 = arith.constant 128 : i32
    %dma_start3A_14 = tpu.memref_slice %arg6[%dma_start3A_13] : memref<25600xi32, #tpu.memory_space<vmem>> -> memref<72xi32, #tpu.memory_space<vmem>>
    %dma_start3A_15 = arith.constant 0 : i32
    %dma_start3A_16 = arith.constant 0 : i32
    %dma_start3A_17 = tpu.memref_slice %arg3[%dma_start3A_15, %dma_start3A_16] : memref<1000000x64xf32, #tpu.memory_space<hbm>> -> memref<1000000x64xf32, #tpu.memory_space<hbm>>
    tpu.enqueue_indirect_dma source(%dma_start3A_17 : memref<1000000x64xf32, #tpu.memory_space<hbm>>) target(%dma_start3A_12 : memref<72x64xf32, #tpu.memory_space<vmem>>) offsets(%dma_start3A_14 : memref<72xi32, #tpu.memory_space<vmem>>) semaphore(%arg12 : memref<!tpu.dma_semaphore, #tpu.memory_space<semaphore_mem>>)
    %dma_start3A_18 = arith.constant 0 : i32
    %dma_start3A_19 = arith.constant 0 : i32
    %dma_start3A_20 = tpu.memref_slice %arg9[%dma_start3A_18, %dma_start3A_19] : memref<200x64xf32, #tpu.memory_space<vmem>> -> memref<128x64xf32, #tpu.memory_space<vmem>>
    %dma_start3A_21 = arith.constant 200 : i32
    %dma_start3A_22 = tpu.memref_slice %arg6[%dma_start3A_21] : memref<25600xi32, #tpu.memory_space<vmem>> -> memref<128xi32, #tpu.memory_space<vmem>>
    %dma_start3A_23 = arith.constant 0 : i32
    %dma_start3A_24 = arith.constant 0 : i32
    %dma_start3A_25 = tpu.memref_slice %arg3[%dma_start3A_23, %dma_start3A_24] : memref<1000000x64xf32, #tpu.memory_space<hbm>> -> memref<1000000x64xf32, #tpu.memory_space<hbm>>
    tpu.enqueue_indirect_dma source(%dma_start3A_25 : memref<1000000x64xf32, #tpu.memory_space<hbm>>) target(%dma_start3A_20 : memref<128x64xf32, #tpu.memory_space<vmem>>) offsets(%dma_start3A_22 : memref<128xi32, #tpu.memory_space<vmem>>) semaphore(%arg13 : memref<!tpu.dma_semaphore, #tpu.memory_space<semaphore_mem>>)
    %dma_start3A_26 = arith.constant 128 : i32
    %dma_start3A_27 = arith.constant 0 : i32
    %dma_start3A_28 = tpu.memref_slice %arg9[%dma_start3A_26, %dma_start3A_27] : memref<200x64xf32, #tpu.memory_space<vmem>> -> memref<72x64xf32, #tpu.memory_space<vmem>>
    %dma_start3A_29 = arith.constant 328 : i32
    %dma_start3A_30 = tpu.memref_slice %arg6[%dma_start3A_29] : memref<25600xi32, #tpu.memory_space<vmem>> -> memref<72xi32, #tpu.memory_space<vmem>>
    %dma_start3A_31 = arith.constant 0 : i32
    %dma_start3A_32 = arith.constant 0 : i32
    %dma_start3A_33 = tpu.memref_slice %arg3[%dma_start3A_31, %dma_start3A_32] : memref<1000000x64xf32, #tpu.memory_space<hbm>> -> memref<1000000x64xf32, #tpu.memory_space<hbm>>
    tpu.enqueue_indirect_dma source(%dma_start3A_33 : memref<1000000x64xf32, #tpu.memory_space<hbm>>) target(%dma_start3A_28 : memref<72x64xf32, #tpu.memory_space<vmem>>) offsets(%dma_start3A_30 : memref<72xi32, #tpu.memory_space<vmem>>) semaphore(%arg13 : memref<!tpu.dma_semaphore, #tpu.memory_space<semaphore_mem>>)
    %dma_start3A_34 = arith.constant 0 : i32
    %dma_start3A_35 = arith.constant 0 : i32
    %dma_start3A_36 = tpu.memref_slice %arg10[%dma_start3A_34, %dma_start3A_35] : memref<200x64xf32, #tpu.memory_space<vmem>> -> memref<128x64xf32, #tpu.memory_space<vmem>>
    %dma_start3A_37 = arith.constant 400 : i32
    %dma_start3A_38 = tpu.memref_slice %arg6[%dma_start3A_37] : memref<25600xi32, #tpu.memory_space<vmem>> -> memref<128xi32, #tpu.memory_space<vmem>>
    %dma_start3A_39 = arith.constant 0 : i32
    %dma_start3A_40 = arith.constant 0 : i32
    %dma_start3A_41 = tpu.memref_slice %arg3[%dma_start3A_39, %dma_start3A_40] : memref<1000000x64xf32, #tpu.memory_space<hbm>> -> memref<1000000x64xf32, #tpu.memory_space<hbm>>
    tpu.enqueue_indirect_dma source(%dma_start3A_41 : memref<1000000x64xf32, #tpu.memory_space<hbm>>) target(%dma_start3A_36 : memref<128x64xf32, #tpu.memory_space<vmem>>) offsets(%dma_start3A_38 : memref<128xi32, #tpu.memory_space<vmem>>) semaphore(%arg14 : memref<!tpu.dma_semaphore, #tpu.memory_space<semaphore_mem>>)
    %dma_start3A_42 = arith.constant 128 : i32
    %dma_start3A_43 = arith.constant 0 : i32
    %dma_start3A_44 = tpu.memref_slice %arg10[%dma_start3A_42, %dma_start3A_43] : memref<200x64xf32, #tpu.memory_space<vmem>> -> memref<72x64xf32, #tpu.memory_space<vmem>>
    %dma_start3A_45 = arith.constant 528 : i32
    %dma_start3A_46 = tpu.memref_slice %arg6[%dma_start3A_45] : memref<25600xi32, #tpu.memory_space<vmem>> -> memref<72xi32, #tpu.memory_space<vmem>>
    %dma_start3A_47 = arith.constant 0 : i32
    %dma_start3A_48 = arith.constant 0 : i32
    %dma_start3A_49 = tpu.memref_slice %arg3[%dma_start3A_47, %dma_start3A_48] : memref<1000000x64xf32, #tpu.memory_space<hbm>> -> memref<1000000x64xf32, #tpu.memory_space<hbm>>
    tpu.enqueue_indirect_dma source(%dma_start3A_49 : memref<1000000x64xf32, #tpu.memory_space<hbm>>) target(%dma_start3A_44 : memref<72x64xf32, #tpu.memory_space<vmem>>) offsets(%dma_start3A_46 : memref<72xi32, #tpu.memory_space<vmem>>) semaphore(%arg14 : memref<!tpu.dma_semaphore, #tpu.memory_space<semaphore_mem>>)
    %dma_start3A_50 = arith.constant 0 : i32
    %dma_start3A_51 = arith.constant 0 : i32
    %dma_start3A_52 = tpu.memref_slice %arg11[%dma_start3A_50, %dma_start3A_51] : memref<200x64xf32, #tpu.memory_space<vmem>> -> memref<128x64xf32, #tpu.memory_space<vmem>>
    %dma_start3A_53 = arith.constant 600 : i32
    %dma_start3A_54 = tpu.memref_slice %arg6[%dma_start3A_53] : memref<25600xi32, #tpu.memory_space<vmem>> -> memref<128xi32, #tpu.memory_space<vmem>>
    %dma_start3A_55 = arith.constant 0 : i32
    %dma_start3A_56 = arith.constant 0 : i32
    %dma_start3A_57 = tpu.memref_slice %arg3[%dma_start3A_55, %dma_start3A_56] : memref<1000000x64xf32, #tpu.memory_space<hbm>> -> memref<1000000x64xf32, #tpu.memory_space<hbm>>
    tpu.enqueue_indirect_dma source(%dma_start3A_57 : memref<1000000x64xf32, #tpu.memory_space<hbm>>) target(%dma_start3A_52 : memref<128x64xf32, #tpu.memory_space<vmem>>) offsets(%dma_start3A_54 : memref<128xi32, #tpu.memory_space<vmem>>) semaphore(%arg15 : memref<!tpu.dma_semaphore, #tpu.memory_space<semaphore_mem>>)
    %dma_start3A_58 = arith.constant 128 : i32
    %dma_start3A_59 = arith.constant 0 : i32
    %dma_start3A_60 = tpu.memref_slice %arg11[%dma_start3A_58, %dma_start3A_59] : memref<200x64xf32, #tpu.memory_space<vmem>> -> memref<72x64xf32, #tpu.memory_space<vmem>>
    %dma_start3A_61 = arith.constant 728 : i32
    %dma_start3A_62 = tpu.memref_slice %arg6[%dma_start3A_61] : memref<25600xi32, #tpu.memory_space<vmem>> -> memref<72xi32, #tpu.memory_space<vmem>>
    %dma_start3A_63 = arith.constant 0 : i32
    %dma_start3A_64 = arith.constant 0 : i32
    %dma_start3A_65 = tpu.memref_slice %arg3[%dma_start3A_63, %dma_start3A_64] : memref<1000000x64xf32, #tpu.memory_space<hbm>> -> memref<1000000x64xf32, #tpu.memory_space<hbm>>
    tpu.enqueue_indirect_dma source(%dma_start3A_65 : memref<1000000x64xf32, #tpu.memory_space<hbm>>) target(%dma_start3A_60 : memref<72x64xf32, #tpu.memory_space<vmem>>) offsets(%dma_start3A_62 : memref<72xi32, #tpu.memory_space<vmem>>) semaphore(%arg15 : memref<!tpu.dma_semaphore, #tpu.memory_space<semaphore_mem>>)
    %scan3A = arith.constant 0 : i32
    %scan3A_66 = arith.constant 0 : i32
    %scan3A_67 = arith.constant 32 : i32
    %scan3A_68 = arith.addi %scan3A_66, %scan3A_67 : i32
    %scan3A_69 = arith.constant 1 : i32
    scf.for %scan3A_94 = %scan3A_66 to %scan3A_68 step %scan3A_69  : i32 {
      %mul3A_95 = arith.constant 4 : i32
      %mul3A_96 = arith.muli %scan3A_94, %mul3A_95 : i32
      %add3A_97 = arith.constant 0 : i32
      %add3A_98 = arith.addi %mul3A_96, %add3A_97 : i32
      %dma_wait3A_99 = arith.constant 0 : i32
      %dma_wait3A_100 = arith.constant 0 : i32
      %dma_wait3A_101 = tpu.memref_slice %arg3[%dma_wait3A_99, %dma_wait3A_100] : memref<1000000x64xf32, #tpu.memory_space<hbm>> -> memref<200x64xf32, #tpu.memory_space<hbm>>
      %dma_wait3A_102 = arith.constant 0 : i32
      %dma_wait3A_103 = arith.constant 0 : i32
      %dma_wait3A_104 = tpu.memref_slice %arg3[%dma_wait3A_102, %dma_wait3A_103] : memref<1000000x64xf32, #tpu.memory_space<hbm>> -> memref<200x64xf32, #tpu.memory_space<hbm>>
      tpu.wait_dma2 semaphore(%arg12 : memref<!tpu.dma_semaphore, #tpu.memory_space<semaphore_mem>>) src(%dma_wait3A_104 : memref<200x64xf32, #tpu.memory_space<hbm>>) dst(%arg8 : memref<200x64xf32, #tpu.memory_space<vmem>>)
      %scan3A_105 = arith.constant 0 : i32
      %scan3A_106 = arith.constant 0 : i32
      %scan3A_107 = arith.constant 25 : i32
      %scan3A_108 = arith.addi %scan3A_106, %scan3A_107 : i32
      %scan3A_109 = arith.constant 1 : i32
      scf.for %scan3A_204 = %scan3A_106 to %scan3A_108 step %scan3A_109  : i32 {
        %mul3A_205 = arith.constant 8 : i32
        %mul3A_206 = arith.muli %scan3A_204, %mul3A_205 : i32
        %add3A_207 = arith.constant 0 : i32
        %add3A_208 = arith.addi %mul3A_206, %add3A_207 : i32
        %add3A_209 = arith.constant 0 : i32
        %add3A_210 = arith.addi %mul3A_206, %add3A_209 : i32
        %get3A = arith.index_cast %add3A_210 : i32 to index
        %get3A_211 = arith.constant 0 : index
        %get3A_212 = tpu.vector_load %arg7[%get3A, %get3A_211] {strides = array<i32>} : memref<200x64xf32, #tpu.memory_space<vmem>>, vector<1x16xf32>,
        %get3A_213 = vector.shape_cast %get3A_212 : vector<1x16xf32> to vector<16xf32>
        %swap3A = arith.index_cast %add3A_208 : i32 to index
        %swap3A_214 = arith.constant 0 : index
        %swap3A_215 = tpu.vector_load %arg8[%swap3A, %swap3A_214] {strides = array<i32>} : memref<200x64xf32, #tpu.memory_space<vmem>>, vector<1x16xf32>,
        %swap3A_216 = vector.shape_cast %swap3A_215 : vector<1x16xf32> to vector<16xf32>
        %swap3A_217 = vector.shape_cast %get3A_213 : vector<16xf32> to vector<1x16xf32>
        tpu.vector_store %arg8[%swap3A, %swap3A_214], %swap3A_217 {add = true, strides = array<i32>} : memref<200x64xf32, #tpu.memory_space<vmem>>, vector<1x16xf32>,
        %add3A_218 = arith.constant 0 : i32
        %add3A_219 = arith.addi %mul3A_206, %add3A_218 : i32
        %add3A_220 = arith.constant 0 : i32
        %add3A_221 = arith.addi %mul3A_206, %add3A_220 : i32
        %get3A_222 = arith.index_cast %add3A_221 : i32 to index
        %get3A_223 = arith.constant 16 : index
        %get3A_224 = tpu.vector_load %arg7[%get3A_222, %get3A_223] {strides = array<i32>} : memref<200x64xf32, #tpu.memory_space<vmem>>, vector<1x16xf32>,
        %get3A_225 = vector.shape_cast %get3A_224 : vector<1x16xf32> to vector<16xf32>
        %swap3A_226 = arith.index_cast %add3A_219 : i32 to index
        %swap3A_227 = arith.constant 16 : index
        %swap3A_228 = tpu.vector_load %arg8[%swap3A_226, %swap3A_227] {strides = array<i32>} : memref<200x64xf32, #tpu.memory_space<vmem>>, vector<1x16xf32>,
        %swap3A_229 = vector.shape_cast %swap3A_228 : vector<1x16xf32> to vector<16xf32>
        %swap3A_230 = vector.shape_cast %get3A_225 : vector<16xf32> to vector<1x16xf32>
        tpu.vector_store %arg8[%swap3A_226, %swap3A_227], %swap3A_230 {add = true, strides = array<i32>} : memref<200x64xf32, #tpu.memory_space<vmem>>, vector<1x16xf32>,
        %add3A_231 = arith.constant 0 : i32
        %add3A_232 = arith.addi %mul3A_206, %add3A_231 : i32
        %add3A_233 = arith.constant 0 : i32
        %add3A_234 = arith.addi %mul3A_206, %add3A_233 : i32
        %get3A_235 = arith.index_cast %add3A_234 : i32 to index
        %get3A_236 = arith.constant 32 : index
        %get3A_237 = tpu.vector_load %arg7[%get3A_235, %get3A_236] {strides = array<i32>} : memref<200x64xf32, #tpu.memory_space<vmem>>, vector<1x16xf32>,
        %get3A_238 = vector.shape_cast %get3A_237 : vector<1x16xf32> to vector<16xf32>
        %swap3A_239 = arith.index_cast %add3A_232 : i32 to index
        %swap3A_240 = arith.constant 32 : index
        %swap3A_241 = tpu.vector_load %arg8[%swap3A_239, %swap3A_240] {strides = array<i32>} : memref<200x64xf32, #tpu.memory_space<vmem>>, vector<1x16xf32>,
        %swap3A_242 = vector.shape_cast %swap3A_241 : vector<1x16xf32> to vector<16xf32>
        %swap3A_243 = vector.shape_cast %get3A_238 : vector<16xf32> to vector<1x16xf32>
        tpu.vector_store %arg8[%swap3A_239, %swap3A_240], %swap3A_243 {add = true, strides = array<i32>} : memref<200x64xf32, #tpu.memory_space<vmem>>, vector<1x16xf32>,
        %add3A_244 = arith.constant 0 : i32
        %add3A_245 = arith.addi %mul3A_206, %add3A_244 : i32
        %add3A_246 = arith.constant 0 : i32
        %add3A_247 = arith.addi %mul3A_206, %add3A_246 : i32
        %get3A_248 = arith.index_cast %add3A_247 : i32 to index
        %get3A_249 = arith.constant 48 : index
        %get3A_250 = tpu.vector_load %arg7[%get3A_248, %get3A_249] {strides = array<i32>} : memref<200x64xf32, #tpu.memory_space<vmem>>, vector<1x16xf32>,
        %get3A_251 = vector.shape_cast %get3A_250 : vector<1x16xf32> to vector<16xf32>
        %swap3A_252 = arith.index_cast %add3A_245 : i32 to index
        %swap3A_253 = arith.constant 48 : index
        %swap3A_254 = tpu.vector_load %arg8[%swap3A_252, %swap3A_253] {strides = array<i32>} : memref<200x64xf32, #tpu.memory_space<vmem>>, vector<1x16xf32>,
        %swap3A_255 = vector.shape_cast %swap3A_254 : vector<1x16xf32> to vector<16xf32>
        %swap3A_256 = vector.shape_cast %get3A_251 : vector<16xf32> to vector<1x16xf32>
        tpu.vector_store %arg8[%swap3A_252, %swap3A_253], %swap3A_256 {add = true, strides = array<i32>} : memref<200x64xf32, #tpu.memory_space<vmem>>, vector<1x16xf32>,
        %add3A_257 = arith.constant 1 : i32
        %add3A_258 = arith.addi %mul3A_206, %add3A_257 : i32
        %add3A_259 = arith.constant 1 : i32
        %add3A_260 = arith.addi %mul3A_206, %add3A_259 : i32
        %get3A_261 = arith.index_cast %add3A_260 : i32 to index
        %get3A_262 = arith.constant 0 : index
        %get3A_263 = tpu.vector_load %arg7[%get3A_261, %get3A_262] {strides = array<i32>} : memref<200x64xf32, #tpu.memory_space<vmem>>, vector<1x16xf32>,
        %get3A_264 = vector.shape_cast %get3A_263 : vector<1x16xf32> to vector<16xf32>
        %swap3A_265 = arith.index_cast %add3A_258 : i32 to index
        %swap3A_266 = arith.constant 0 : index
        %swap3A_267 = tpu.vector_load %arg8[%swap3A_265, %swap3A_266] {strides = array<i32>} : memref<200x64xf32, #tpu.memory_space<vmem>>, vector<1x16xf32>,
        %swap3A_268 = vector.shape_cast %swap3A_267 : vector<1x16xf32> to vector<16xf32>
        %swap3A_269 = vector.shape_cast %get3A_264 : vector<16xf32> to vector<1x16xf32>
        tpu.vector_store %arg8[%swap3A_265, %swap3A_266], %swap3A_269 {add = true, strides = array<i32>} : memref<200x64xf32, #tpu.memory_space<vmem>>, vector<1x16xf32>,
        %add3A_270 = arith.constant 1 : i32
        %add3A_271 = arith.addi %mul3A_206, %add3A_270 : i32
        %add3A_272 = arith.constant 1 : i32
        %add3A_273 = arith.addi %mul3A_206, %add3A_272 : i32
        %get3A_274 = arith.index_cast %add3A_273 : i32 to index
        %get3A_275 = arith.constant 16 : index
        %get3A_276 = tpu.vector_load %arg7[%get3A_274, %get3A_275] {strides = array<i32>} : memref<200x64xf32, #tpu.memory_space<vmem>>, vector<1x16xf32>,
        %get3A_277 = vector.shape_cast %get3A_276 : vector<1x16xf32> to vector<16xf32>
        %swap3A_278 = arith.index_cast %add3A_271 : i32 to index
        %swap3A_279 = arith.constant 16 : index
        %swap3A_280 = tpu.vector_load %arg8[%swap3A_278, %swap3A_279] {strides = array<i32>} : memref<200x64xf32, #tpu.memory_space<vmem>>, vector<1x16xf32>,
        %swap3A_281 = vector.shape_cast %swap3A_280 : vector<1x16xf32> to vector<16xf32>
        %swap3A_282 = vector.shape_cast %get3A_277 : vector<16xf32> to vector<1x16xf32>
        tpu.vector_store %arg8[%swap3A_278, %swap3A_279], %swap3A_282 {add = true, strides = array<i32>} : memref<200x64xf32, #tpu.memory_space<vmem>>, vector<1x16xf32>,
        %add3A_283 = arith.constant 1 : i32
        %add3A_284 = arith.addi %mul3A_206, %add3A_283 : i32
        %add3A_285 = arith.constant 1 : i32
        %add3A_286 = arith.addi %mul3A_206, %add3A_285 : i32
        %get3A_287 = arith.index_cast %add3A_286 : i32 to index
        %get3A_288 = arith.constant 32 : index
        %get3A_289 = tpu.vector_load %arg7[%get3A_287, %get3A_288] {strides = array<i32>} : memref<200x64xf32, #tpu.memory_space<vmem>>, vector<1x16xf32>,
        %get3A_290 = vector.shape_cast %get3A_289 : vector<1x16xf32> to vector<16xf32>
        %swap3A_291 = arith.index_cast %add3A_284 : i32 to index
        %swap3A_292 = arith.constant 32 : index
        %swap3A_293 = tpu.vector_load %arg8[%swap3A_291, %swap3A_292] {strides = array<i32>} : memref<200x64xf32, #tpu.memory_space<vmem>>, vector<1x16xf32>,
        %swap3A_294 = vector.shape_cast %swap3A_293 : vector<1x16xf32> to vector<16xf32>
        %swap3A_295 = vector.shape_cast %get3A_290 : vector<16xf32> to vector<1x16xf32>
        tpu.vector_store %arg8[%swap3A_291, %swap3A_292], %swap3A_295 {add = true, strides = array<i32>} : memref<200x64xf32, #tpu.memory_space<vmem>>, vector<1x16xf32>,
        %add3A_296 = arith.constant 1 : i32
        %add3A_297 = arith.addi %mul3A_206, %add3A_296 : i32
        %add3A_298 = arith.constant 1 : i32
        %add3A_299 = arith.addi %mul3A_206, %add3A_298 : i32
        %get3A_300 = arith.index_cast %add3A_299 : i32 to index
        %get3A_301 = arith.constant 48 : index
        %get3A_302 = tpu.vector_load %arg7[%get3A_300, %get3A_301] {strides = array<i32>} : memref<200x64xf32, #tpu.memory_space<vmem>>, vector<1x16xf32>,
        %get3A_303 = vector.shape_cast %get3A_302 : vector<1x16xf32> to vector<16xf32>
        %swap3A_304 = arith.index_cast %add3A_297 : i32 to index
        %swap3A_305 = arith.constant 48 : index
        %swap3A_306 = tpu.vector_load %arg8[%swap3A_304, %swap3A_305] {strides = array<i32>} : memref<200x64xf32, #tpu.memory_space<vmem>>, vector<1x16xf32>,
        %swap3A_307 = vector.shape_cast %swap3A_306 : vector<1x16xf32> to vector<16xf32>
        %swap3A_308 = vector.shape_cast %get3A_303 : vector<16xf32> to vector<1x16xf32>
        tpu.vector_store %arg8[%swap3A_304, %swap3A_305], %swap3A_308 {add = true, strides = array<i32>} : memref<200x64xf32, #tpu.memory_space<vmem>>, vector<1x16xf32>,
        %add3A_309 = arith.constant 2 : i32
        %add3A_310 = arith.addi %mul3A_206, %add3A_309 : i32
        %add3A_311 = arith.constant 2 : i32
        %add3A_312 = arith.addi %mul3A_206, %add3A_311 : i32
        %get3A_313 = arith.index_cast %add3A_312 : i32 to index
        %get3A_314 = arith.constant 0 : index
        %get3A_315 = tpu.vector_load %arg7[%get3A_313, %get3A_314] {strides = array<i32>} : memref<200x64xf32, #tpu.memory_space<vmem>>, vector<1x16xf32>,
        %get3A_316 = vector.shape_cast %get3A_315 : vector<1x16xf32> to vector<16xf32>
        %swap3A_317 = arith.index_cast %add3A_310 : i32 to index
        %swap3A_318 = arith.constant 0 : index
        %swap3A_319 = tpu.vector_load %arg8[%swap3A_317, %swap3A_318] {strides = array<i32>} : memref<200x64xf32, #tpu.memory_space<vmem>>, vector<1x16xf32>,
        %swap3A_320 = vector.shape_cast %swap3A_319 : vector<1x16xf32> to vector<16xf32>
        %swap3A_321 = vector.shape_cast %get3A_316 : vector<16xf32> to vector<1x16xf32>
        tpu.vector_store %arg8[%swap3A_317, %swap3A_318], %swap3A_321 {add = true, strides = array<i32>} : memref<200x64xf32, #tpu.memory_space<vmem>>, vector<1x16xf32>,
        %add3A_322 = arith.constant 2 : i32
        %add3A_323 = arith.addi %mul3A_206, %add3A_322 : i32
        %add3A_324 = arith.constant 2 : i32
        %add3A_325 = arith.addi %mul3A_206, %add3A_324 : i32
        %get3A_326 = arith.index_cast %add3A_325 : i32 to index
        %get3A_327 = arith.constant 16 : index
        %get3A_328 = tpu.vector_load %arg7[%get3A_326, %get3A_327] {strides = array<i32>} : memref<200x64xf32, #tpu.memory_space<vmem>>, vector<1x16xf32>,
        %get3A_329 = vector.shape_cast %get3A_328 : vector<1x16xf32> to vector<16xf32>
        %swap3A_330 = arith.index_cast %add3A_323 : i32 to index
        %swap3A_331 = arith.constant 16 : index
        %swap3A_332 = tpu.vector_load %arg8[%swap3A_330, %swap3A_331] {strides = array<i32>} : memref<200x64xf32, #tpu.memory_space<vmem>>, vector<1x16xf32>,
        %swap3A_333 = vector.shape_cast %swap3A_332 : vector<1x16xf32> to vector<16xf32>
        %swap3A_334 = vector.shape_cast %get3A_329 : vector<16xf32> to vector<1x16xf32>
        tpu.vector_store %arg8[%swap3A_330, %swap3A_331], %swap3A_334 {add = true, strides = array<i32>} : memref<200x64xf32, #tpu.memory_space<vmem>>, vector<1x16xf32>,
        %add3A_335 = arith.constant 2 : i32
        %add3A_336 = arith.addi %mul3A_206, %add3A_335 : i32
        %add3A_337 = arith.constant 2 : i32
        %add3A_338 = arith.addi %mul3A_206, %add3A_337 : i32
        %get3A_339 = arith.index_cast %add3A_338 : i32 to index
        %get3A_340 = arith.constant 32 : index
        %get3A_341 = tpu.vector_load %arg7[%get3A_339, %get3A_340] {strides = array<i32>} : memref<200x64xf32, #tpu.memory_space<vmem>>, vector<1x16xf32>,
        %get3A_342 = vector.shape_cast %get3A_341 : vector<1x16xf32> to vector<16xf32>
        %swap3A_343 = arith.index_cast %add3A_336 : i32 to index
        %swap3A_344 = arith.constant 32 : index
        %swap3A_345 = tpu.vector_load %arg8[%swap3A_343, %swap3A_344] {strides = array<i32>} : memref<200x64xf32, #tpu.memory_space<vmem>>, vector<1x16xf32>,
        %swap3A_346 = vector.shape_cast %swap3A_345 : vector<1x16xf32> to vector<16xf32>
        %swap3A_347 = vector.shape_cast %get3A_342 : vector<16xf32> to vector<1x16xf32>
        tpu.vector_store %arg8[%swap3A_343, %swap3A_344], %swap3A_347 {add = true, strides = array<i32>} : memref<200x64xf32, #tpu.memory_space<vmem>>, vector<1x16xf32>,
        %add3A_348 = arith.constant 2 : i32
        %add3A_349 = arith.addi %mul3A_206, %add3A_348 : i32
        %add3A_350 = arith.constant 2 : i32
        %add3A_351 = arith.addi %mul3A_206, %add3A_350 : i32
        %get3A_352 = arith.index_cast %add3A_351 : i32 to index
        %get3A_353 = arith.constant 48 : index
        %get3A_354 = tpu.vector_load %arg7[%get3A_352, %get3A_353] {strides = array<i32>} : memref<200x64xf32, #tpu.memory_space<vmem>>, vector<1x16xf32>,
        %get3A_355 = vector.shape_cast %get3A_354 : vector<1x16xf32> to vector<16xf32>
        %swap3A_356 = arith.index_cast %add3A_349 : i32 to index
        %swap3A_357 = arith.constant 48 : index
        %swap3A_358 = tpu.vector_load %arg8[%swap3A_356, %swap3A_357] {strides = array<i32>} : memref<200x64xf32, #tpu.memory_space<vmem>>, vector<1x16xf32>,
        %swap3A_359 = vector.shape_cast %swap3A_358 : vector<1x16xf32> to vector<16xf32>
        %swap3A_360 = vector.shape_cast %get3A_355 : vector<16xf32> to vector<1x16xf32>
        tpu.vector_store %arg8[%swap3A_356, %swap3A_357], %swap3A_360 {add = true, strides = array<i32>} : memref<200x64xf32, #tpu.memory_space<vmem>>, vector<1x16xf32>,
        %add3A_361 = arith.constant 3 : i32
        %add3A_362 = arith.addi %mul3A_206, %add3A_361 : i32
        %add3A_363 = arith.constant 3 : i32
        %add3A_364 = arith.addi %mul3A_206, %add3A_363 : i32
        %get3A_365 = arith.index_cast %add3A_364 : i32 to index
        %get3A_366 = arith.constant 0 : index
        %get3A_367 = tpu.vector_load %arg7[%get3A_365, %get3A_366] {strides = array<i32>} : memref<200x64xf32, #tpu.memory_space<vmem>>, vector<1x16xf32>,
        %get3A_368 = vector.shape_cast %get3A_367 : vector<1x16xf32> to vector<16xf32>
        %swap3A_369 = arith.index_cast %add3A_362 : i32 to index
        %swap3A_370 = arith.constant 0 : index
        %swap3A_371 = tpu.vector_load %arg8[%swap3A_369, %swap3A_370] {strides = array<i32>} : memref<200x64xf32, #tpu.memory_space<vmem>>, vector<1x16xf32>,
        %swap3A_372 = vector.shape_cast %swap3A_371 : vector<1x16xf32> to vector<16xf32>
        %swap3A_373 = vector.shape_cast %get3A_368 : vector<16xf32> to vector<1x16xf32>
        tpu.vector_store %arg8[%swap3A_369, %swap3A_370], %swap3A_373 {add = true, strides = array<i32>} : memref<200x64xf32, #tpu.memory_space<vmem>>, vector<1x16xf32>,
        %add3A_374 = arith.constant 3 : i32
        %add3A_375 = arith.addi %mul3A_206, %add3A_374 : i32
        %add3A_376 = arith.constant 3 : i32
        %add3A_377 = arith.addi %mul3A_206, %add3A_376 : i32
        %get3A_378 = arith.index_cast %add3A_377 : i32 to index
        %get3A_379 = arith.constant 16 : index
        %get3A_380 = tpu.vector_load %arg7[%get3A_378, %get3A_379] {strides = array<i32>} : memref<200x64xf32, #tpu.memory_space<vmem>>, vector<1x16xf32>,
        %get3A_381 = vector.shape_cast %get3A_380 : vector<1x16xf32> to vector<16xf32>
        %swap3A_382 = arith.index_cast %add3A_375 : i32 to index
        %swap3A_383 = arith.constant 16 : index
        %swap3A_384 = tpu.vector_load %arg8[%swap3A_382, %swap3A_383] {strides = array<i32>} : memref<200x64xf32, #tpu.memory_space<vmem>>, vector<1x16xf32>,
        %swap3A_385 = vector.shape_cast %swap3A_384 : vector<1x16xf32> to vector<16xf32>
        %swap3A_386 = vector.shape_cast %get3A_381 : vector<16xf32> to vector<1x16xf32>
        tpu.vector_store %arg8[%swap3A_382, %swap3A_383], %swap3A_386 {add = true, strides = array<i32>} : memref<200x64xf32, #tpu.memory_space<vmem>>, vector<1x16xf32>,
        %add3A_387 = arith.constant 3 : i32
        %add3A_388 = arith.addi %mul3A_206, %add3A_387 : i32
        %add3A_389 = arith.constant 3 : i32
        %add3A_390 = arith.addi %mul3A_206, %add3A_389 : i32
        %get3A_391 = arith.index_cast %add3A_390 : i32 to index
        %get3A_392 = arith.constant 32 : index
        %get3A_393 = tpu.vector_load %arg7[%get3A_391, %get3A_392] {strides = array<i32>} : memref<200x64xf32, #tpu.memory_space<vmem>>, vector<1x16xf32>,
        %get3A_394 = vector.shape_cast %get3A_393 : vector<1x16xf32> to vector<16xf32>
        %swap3A_395 = arith.index_cast %add3A_388 : i32 to index
        %swap3A_396 = arith.constant 32 : index
        %swap3A_397 = tpu.vector_load %arg8[%swap3A_395, %swap3A_396] {strides = array<i32>} : memref<200x64xf32, #tpu.memory_space<vmem>>, vector<1x16xf32>,
        %swap3A_398 = vector.shape_cast %swap3A_397 : vector<1x16xf32> to vector<16xf32>
        %swap3A_399 = vector.shape_cast %get3A_394 : vector<16xf32> to vector<1x16xf32>
        tpu.vector_store %arg8[%swap3A_395, %swap3A_396], %swap3A_399 {add = true, strides = array<i32>} : memref<200x64xf32, #tpu.memory_space<vmem>>, vector<1x16xf32>,
        %add3A_400 = arith.constant 3 : i32
        %add3A_401 = arith.addi %mul3A_206, %add3A_400 : i32
        %add3A_402 = arith.constant 3 : i32
        %add3A_403 = arith.addi %mul3A_206, %add3A_402 : i32
        %get3A_404 = arith.index_cast %add3A_403 : i32 to index
        %get3A_405 = arith.constant 48 : index
        %get3A_406 = tpu.vector_load %arg7[%get3A_404, %get3A_405] {strides = array<i32>} : memref<200x64xf32, #tpu.memory_space<vmem>>, vector<1x16xf32>,
        %get3A_407 = vector.shape_cast %get3A_406 : vector<1x16xf32> to vector<16xf32>
        %swap3A_408 = arith.index_cast %add3A_401 : i32 to index
        %swap3A_409 = arith.constant 48 : index
        %swap3A_410 = tpu.vector_load %arg8[%swap3A_408, %swap3A_409] {strides = array<i32>} : memref<200x64xf32, #tpu.memory_space<vmem>>, vector<1x16xf32>,
        %swap3A_411 = vector.shape_cast %swap3A_410 : vector<1x16xf32> to vector<16xf32>
        %swap3A_412 = vector.shape_cast %get3A_407 : vector<16xf32> to vector<1x16xf32>
        tpu.vector_store %arg8[%swap3A_408, %swap3A_409], %swap3A_412 {add = true, strides = array<i32>} : memref<200x64xf32, #tpu.memory_space<vmem>>, vector<1x16xf32>,
        %add3A_413 = arith.constant 4 : i32
        %add3A_414 = arith.addi %mul3A_206, %add3A_413 : i32
        %add3A_415 = arith.constant 4 : i32
        %add3A_416 = arith.addi %mul3A_206, %add3A_415 : i32
        %get3A_417 = arith.index_cast %add3A_416 : i32 to index
        %get3A_418 = arith.constant 0 : index
        %get3A_419 = tpu.vector_load %arg7[%get3A_417, %get3A_418] {strides = array<i32>} : memref<200x64xf32, #tpu.memory_space<vmem>>, vector<1x16xf32>,
        %get3A_420 = vector.shape_cast %get3A_419 : vector<1x16xf32> to vector<16xf32>
        %swap3A_421 = arith.index_cast %add3A_414 : i32 to index
        %swap3A_422 = arith.constant 0 : index
        %swap3A_423 = tpu.vector_load %arg8[%swap3A_421, %swap3A_422] {strides = array<i32>} : memref<200x64xf32, #tpu.memory_space<vmem>>, vector<1x16xf32>,
        %swap3A_424 = vector.shape_cast %swap3A_423 : vector<1x16xf32> to vector<16xf32>
        %swap3A_425 = vector.shape_cast %get3A_420 : vector<16xf32> to vector<1x16xf32>
        tpu.vector_store %arg8[%swap3A_421, %swap3A_422], %swap3A_425 {add = true, strides = array<i32>} : memref<200x64xf32, #tpu.memory_space<vmem>>, vector<1x16xf32>,
        %add3A_426 = arith.constant 4 : i32
        %add3A_427 = arith.addi %mul3A_206, %add3A_426 : i32
        %add3A_428 = arith.constant 4 : i32
        %add3A_429 = arith.addi %mul3A_206, %add3A_428 : i32
        %get3A_430 = arith.index_cast %add3A_429 : i32 to index
        %get3A_431 = arith.constant 16 : index
        %get3A_432 = tpu.vector_load %arg7[%get3A_430, %get3A_431] {strides = array<i32>} : memref<200x64xf32, #tpu.memory_space<vmem>>, vector<1x16xf32>,
        %get3A_433 = vector.shape_cast %get3A_432 : vector<1x16xf32> to vector<16xf32>
        %swap3A_434 = arith.index_cast %add3A_427 : i32 to index
        %swap3A_435 = arith.constant 16 : index
        %swap3A_436 = tpu.vector_load %arg8[%swap3A_434, %swap3A_435] {strides = array<i32>} : memref<200x64xf32, #tpu.memory_space<vmem>>, vector<1x16xf32>,
        %swap3A_437 = vector.shape_cast %swap3A_436 : vector<1x16xf32> to vector<16xf32>
        %swap3A_438 = vector.shape_cast %get3A_433 : vector<16xf32> to vector<1x16xf32>
        tpu.vector_store %arg8[%swap3A_434, %swap3A_435], %swap3A_438 {add = true, strides = array<i32>} : memref<200x64xf32, #tpu.memory_space<vmem>>, vector<1x16xf32>,
        %add3A_439 = arith.constant 4 : i32
        %add3A_440 = arith.addi %mul3A_206, %add3A_439 : i32
        %add3A_441 = arith.constant 4 : i32
        %add3A_442 = arith.addi %mul3A_206, %add3A_441 : i32
        %get3A_443 = arith.index_cast %add3A_442 : i32 to index
        %get3A_444 = arith.constant 32 : index
        %get3A_445 = tpu.vector_load %arg7[%get3A_443, %get3A_444] {strides = array<i32>} : memref<200x64xf32, #tpu.memory_space<vmem>>, vector<1x16xf32>,
        %get3A_446 = vector.shape_cast %get3A_445 : vector<1x16xf32> to vector<16xf32>
        %swap3A_447 = arith.index_cast %add3A_440 : i32 to index
        %swap3A_448 = arith.constant 32 : index
        %swap3A_449 = tpu.vector_load %arg8[%swap3A_447, %swap3A_448] {strides = array<i32>} : memref<200x64xf32, #tpu.memory_space<vmem>>, vector<1x16xf32>,
        %swap3A_450 = vector.shape_cast %swap3A_449 : vector<1x16xf32> to vector<16xf32>
        %swap3A_451 = vector.shape_cast %get3A_446 : vector<16xf32> to vector<1x16xf32>
        tpu.vector_store %arg8[%swap3A_447, %swap3A_448], %swap3A_451 {add = true, strides = array<i32>} : memref<200x64xf32, #tpu.memory_space<vmem>>, vector<1x16xf32>,
        %add3A_452 = arith.constant 4 : i32
        %add3A_453 = arith.addi %mul3A_206, %add3A_452 : i32
        %add3A_454 = arith.constant 4 : i32
        %add3A_455 = arith.addi %mul3A_206, %add3A_454 : i32
        %get3A_456 = arith.index_cast %add3A_455 : i32 to index
        %get3A_457 = arith.constant 48 : index
        %get3A_458 = tpu.vector_load %arg7[%get3A_456, %get3A_457] {strides = array<i32>} : memref<200x64xf32, #tpu.memory_space<vmem>>, vector<1x16xf32>,
        %get3A_459 = vector.shape_cast %get3A_458 : vector<1x16xf32> to vector<16xf32>
        %swap3A_460 = arith.index_cast %add3A_453 : i32 to index
        %swap3A_461 = arith.constant 48 : index
        %swap3A_462 = tpu.vector_load %arg8[%swap3A_460, %swap3A_461] {strides = array<i32>} : memref<200x64xf32, #tpu.memory_space<vmem>>, vector<1x16xf32>,
        %swap3A_463 = vector.shape_cast %swap3A_462 : vector<1x16xf32> to vector<16xf32>
        %swap3A_464 = vector.shape_cast %get3A_459 : vector<16xf32> to vector<1x16xf32>
        tpu.vector_store %arg8[%swap3A_460, %swap3A_461], %swap3A_464 {add = true, strides = array<i32>} : memref<200x64xf32, #tpu.memory_space<vmem>>, vector<1x16xf32>,
        %add3A_465 = arith.constant 5 : i32
        %add3A_466 = arith.addi %mul3A_206, %add3A_465 : i32
        %add3A_467 = arith.constant 5 : i32
        %add3A_468 = arith.addi %mul3A_206, %add3A_467 : i32
        %get3A_469 = arith.index_cast %add3A_468 : i32 to index
        %get3A_470 = arith.constant 0 : index
        %get3A_471 = tpu.vector_load %arg7[%get3A_469, %get3A_470] {strides = array<i32>} : memref<200x64xf32, #tpu.memory_space<vmem>>, vector<1x16xf32>,
        %get3A_472 = vector.shape_cast %get3A_471 : vector<1x16xf32> to vector<16xf32>
        %swap3A_473 = arith.index_cast %add3A_466 : i32 to index
        %swap3A_474 = arith.constant 0 : index
        %swap3A_475 = tpu.vector_load %arg8[%swap3A_473, %swap3A_474] {strides = array<i32>} : memref<200x64xf32, #tpu.memory_space<vmem>>, vector<1x16xf32>,
        %swap3A_476 = vector.shape_cast %swap3A_475 : vector<1x16xf32> to vector<16xf32>
        %swap3A_477 = vector.shape_cast %get3A_472 : vector<16xf32> to vector<1x16xf32>
        tpu.vector_store %arg8[%swap3A_473, %swap3A_474], %swap3A_477 {add = true, strides = array<i32>} : memref<200x64xf32, #tpu.memory_space<vmem>>, vector<1x16xf32>,
        %add3A_478 = arith.constant 5 : i32
        %add3A_479 = arith.addi %mul3A_206, %add3A_478 : i32
        %add3A_480 = arith.constant 5 : i32
        %add3A_481 = arith.addi %mul3A_206, %add3A_480 : i32
        %get3A_482 = arith.index_cast %add3A_481 : i32 to index
        %get3A_483 = arith.constant 16 : index
        %get3A_484 = tpu.vector_load %arg7[%get3A_482, %get3A_483] {strides = array<i32>} : memref<200x64xf32, #tpu.memory_space<vmem>>, vector<1x16xf32>,
        %get3A_485 = vector.shape_cast %get3A_484 : vector<1x16xf32> to vector<16xf32>
        %swap3A_486 = arith.index_cast %add3A_479 : i32 to index
        %swap3A_487 = arith.constant 16 : index
        %swap3A_488 = tpu.vector_load %arg8[%swap3A_486, %swap3A_487] {strides = array<i32>} : memref<200x64xf32, #tpu.memory_space<vmem>>, vector<1x16xf32>,
        %swap3A_489 = vector.shape_cast %swap3A_488 : vector<1x16xf32> to vector<16xf32>
        %swap3A_490 = vector.shape_cast %get3A_485 : vector<16xf32> to vector<1x16xf32>
        tpu.vector_store %arg8[%swap3A_486, %swap3A_487], %swap3A_490 {add = true, strides = array<i32>} : memref<200x64xf32, #tpu.memory_space<vmem>>, vector<1x16xf32>,
        %add3A_491 = arith.constant 5 : i32
        %add3A_492 = arith.addi %mul3A_206, %add3A_491 : i32
        %add3A_493 = arith.constant 5 : i32
        %add3A_494 = arith.addi %mul3A_206, %add3A_493 : i32
        %get3A_495 = arith.index_cast %add3A_494 : i32 to index
        %get3A_496 = arith.constant 32 : index
        %get3A_497 = tpu.vector_load %arg7[%get3A_495, %get3A_496] {strides = array<i32>} : memref<200x64xf32, #tpu.memory_space<vmem>>, vector<1x16xf32>,
        %get3A_498 = vector.shape_cast %get3A_497 : vector<1x16xf32> to vector<16xf32>
        %swap3A_499 = arith.index_cast %add3A_492 : i32 to index
        %swap3A_500 = arith.constant 32 : index
        %swap3A_501 = tpu.vector_load %arg8[%swap3A_499, %swap3A_500] {strides = array<i32>} : memref<200x64xf32, #tpu.memory_space<vmem>>, vector<1x16xf32>,
        %swap3A_502 = vector.shape_cast %swap3A_501 : vector<1x16xf32> to vector<16xf32>
        %swap3A_503 = vector.shape_cast %get3A_498 : vector<16xf32> to vector<1x16xf32>
        tpu.vector_store %arg8[%swap3A_499, %swap3A_500], %swap3A_503 {add = true, strides = array<i32>} : memref<200x64xf32, #tpu.memory_space<vmem>>, vector<1x16xf32>,
        %add3A_504 = arith.constant 5 : i32
        %add3A_505 = arith.addi %mul3A_206, %add3A_504 : i32
        %add3A_506 = arith.constant 5 : i32
        %add3A_507 = arith.addi %mul3A_206, %add3A_506 : i32
        %get3A_508 = arith.index_cast %add3A_507 : i32 to index
        %get3A_509 = arith.constant 48 : index
        %get3A_510 = tpu.vector_load %arg7[%get3A_508, %get3A_509] {strides = array<i32>} : memref<200x64xf32, #tpu.memory_space<vmem>>, vector<1x16xf32>,
        %get3A_511 = vector.shape_cast %get3A_510 : vector<1x16xf32> to vector<16xf32>
        %swap3A_512 = arith.index_cast %add3A_505 : i32 to index
        %swap3A_513 = arith.constant 48 : index
        %swap3A_514 = tpu.vector_load %arg8[%swap3A_512, %swap3A_513] {strides = array<i32>} : memref<200x64xf32, #tpu.memory_space<vmem>>, vector<1x16xf32>,
        %swap3A_515 = vector.shape_cast %swap3A_514 : vector<1x16xf32> to vector<16xf32>
        %swap3A_516 = vector.shape_cast %get3A_511 : vector<16xf32> to vector<1x16xf32>
        tpu.vector_store %arg8[%swap3A_512, %swap3A_513], %swap3A_516 {add = true, strides = array<i32>} : memref<200x64xf32, #tpu.memory_space<vmem>>, vector<1x16xf32>,
        %add3A_517 = arith.constant 6 : i32
        %add3A_518 = arith.addi %mul3A_206, %add3A_517 : i32
        %add3A_519 = arith.constant 6 : i32
        %add3A_520 = arith.addi %mul3A_206, %add3A_519 : i32
        %get3A_521 = arith.index_cast %add3A_520 : i32 to index
        %get3A_522 = arith.constant 0 : index
        %get3A_523 = tpu.vector_load %arg7[%get3A_521, %get3A_522] {strides = array<i32>} : memref<200x64xf32, #tpu.memory_space<vmem>>, vector<1x16xf32>,
        %get3A_524 = vector.shape_cast %get3A_523 : vector<1x16xf32> to vector<16xf32>
        %swap3A_525 = arith.index_cast %add3A_518 : i32 to index
        %swap3A_526 = arith.constant 0 : index
        %swap3A_527 = tpu.vector_load %arg8[%swap3A_525, %swap3A_526] {strides = array<i32>} : memref<200x64xf32, #tpu.memory_space<vmem>>, vector<1x16xf32>,
        %swap3A_528 = vector.shape_cast %swap3A_527 : vector<1x16xf32> to vector<16xf32>
        %swap3A_529 = vector.shape_cast %get3A_524 : vector<16xf32> to vector<1x16xf32>
        tpu.vector_store %arg8[%swap3A_525, %swap3A_526], %swap3A_529 {add = true, strides = array<i32>} : memref<200x64xf32, #tpu.memory_space<vmem>>, vector<1x16xf32>,
        %add3A_530 = arith.constant 6 : i32
        %add3A_531 = arith.addi %mul3A_206, %add3A_530 : i32
        %add3A_532 = arith.constant 6 : i32
        %add3A_533 = arith.addi %mul3A_206, %add3A_532 : i32
        %get3A_534 = arith.index_cast %add3A_533 : i32 to index
        %get3A_535 = arith.constant 16 : index
        %get3A_536 = tpu.vector_load %arg7[%get3A_534, %get3A_535] {strides = array<i32>} : memref<200x64xf32, #tpu.memory_space<vmem>>, vector<1x16xf32>,
        %get3A_537 = vector.shape_cast %get3A_536 : vector<1x16xf32> to vector<16xf32>
        %swap3A_538 = arith.index_cast %add3A_531 : i32 to index
        %swap3A_539 = arith.constant 16 : index
        %swap3A_540 = tpu.vector_load %arg8[%swap3A_538, %swap3A_539] {strides = array<i32>} : memref<200x64xf32, #tpu.memory_space<vmem>>, vector<1x16xf32>,
        %swap3A_541 = vector.shape_cast %swap3A_540 : vector<1x16xf32> to vector<16xf32>
        %swap3A_542 = vector.shape_cast %get3A_537 : vector<16xf32> to vector<1x16xf32>
        tpu.vector_store %arg8[%swap3A_538, %swap3A_539], %swap3A_542 {add = true, strides = array<i32>} : memref<200x64xf32, #tpu.memory_space<vmem>>, vector<1x16xf32>,
        %add3A_543 = arith.constant 6 : i32
        %add3A_544 = arith.addi %mul3A_206, %add3A_543 : i32
        %add3A_545 = arith.constant 6 : i32
        %add3A_546 = arith.addi %mul3A_206, %add3A_545 : i32
        %get3A_547 = arith.index_cast %add3A_546 : i32 to index
        %get3A_548 = arith.constant 32 : index
        %get3A_549 = tpu.vector_load %arg7[%get3A_547, %get3A_548] {strides = array<i32>} : memref<200x64xf32, #tpu.memory_space<vmem>>, vector<1x16xf32>,
        %get3A_550 = vector.shape_cast %get3A_549 : vector<1x16xf32> to vector<16xf32>
        %swap3A_551 = arith.index_cast %add3A_544 : i32 to index
        %swap3A_552 = arith.constant 32 : index
        %swap3A_553 = tpu.vector_load %arg8[%swap3A_551, %swap3A_552] {strides = array<i32>} : memref<200x64xf32, #tpu.memory_space<vmem>>, vector<1x16xf32>,
        %swap3A_554 = vector.shape_cast %swap3A_553 : vector<1x16xf32> to vector<16xf32>
        %swap3A_555 = vector.shape_cast %get3A_550 : vector<16xf32> to vector<1x16xf32>
        tpu.vector_store %arg8[%swap3A_551, %swap3A_552], %swap3A_555 {add = true, strides = array<i32>} : memref<200x64xf32, #tpu.memory_space<vmem>>, vector<1x16xf32>,
        %add3A_556 = arith.constant 6 : i32
        %add3A_557 = arith.addi %mul3A_206, %add3A_556 : i32
        %add3A_558 = arith.constant 6 : i32
        %add3A_559 = arith.addi %mul3A_206, %add3A_558 : i32
        %get3A_560 = arith.index_cast %add3A_559 : i32 to index
        %get3A_561 = arith.constant 48 : index
        %get3A_562 = tpu.vector_load %arg7[%get3A_560, %get3A_561] {strides = array<i32>} : memref<200x64xf32, #tpu.memory_space<vmem>>, vector<1x16xf32>,
        %get3A_563 = vector.shape_cast %get3A_562 : vector<1x16xf32> to vector<16xf32>
        %swap3A_564 = arith.index_cast %add3A_557 : i32 to index
        %swap3A_565 = arith.constant 48 : index
        %swap3A_566 = tpu.vector_load %arg8[%swap3A_564, %swap3A_565] {strides = array<i32>} : memref<200x64xf32, #tpu.memory_space<vmem>>, vector<1x16xf32>,
        %swap3A_567 = vector.shape_cast %swap3A_566 : vector<1x16xf32> to vector<16xf32>
        %swap3A_568 = vector.shape_cast %get3A_563 : vector<16xf32> to vector<1x16xf32>
        tpu.vector_store %arg8[%swap3A_564, %swap3A_565], %swap3A_568 {add = true, strides = array<i32>} : memref<200x64xf32, #tpu.memory_space<vmem>>, vector<1x16xf32>,
        %add3A_569 = arith.constant 7 : i32
        %add3A_570 = arith.addi %mul3A_206, %add3A_569 : i32
        %add3A_571 = arith.constant 7 : i32
        %add3A_572 = arith.addi %mul3A_206, %add3A_571 : i32
        %get3A_573 = arith.index_cast %add3A_572 : i32 to index
        %get3A_574 = arith.constant 0 : index
        %get3A_575 = tpu.vector_load %arg7[%get3A_573, %get3A_574] {strides = array<i32>} : memref<200x64xf32, #tpu.memory_space<vmem>>, vector<1x16xf32>,
        %get3A_576 = vector.shape_cast %get3A_575 : vector<1x16xf32> to vector<16xf32>
        %swap3A_577 = arith.index_cast %add3A_570 : i32 to index
        %swap3A_578 = arith.constant 0 : index
        %swap3A_579 = tpu.vector_load %arg8[%swap3A_577, %swap3A_578] {strides = array<i32>} : memref<200x64xf32, #tpu.memory_space<vmem>>, vector<1x16xf32>,
        %swap3A_580 = vector.shape_cast %swap3A_579 : vector<1x16xf32> to vector<16xf32>
        %swap3A_581 = vector.shape_cast %get3A_576 : vector<16xf32> to vector<1x16xf32>
        tpu.vector_store %arg8[%swap3A_577, %swap3A_578], %swap3A_581 {add = true, strides = array<i32>} : memref<200x64xf32, #tpu.memory_space<vmem>>, vector<1x16xf32>,
        %add3A_582 = arith.constant 7 : i32
        %add3A_583 = arith.addi %mul3A_206, %add3A_582 : i32
        %add3A_584 = arith.constant 7 : i32
        %add3A_585 = arith.addi %mul3A_206, %add3A_584 : i32
        %get3A_586 = arith.index_cast %add3A_585 : i32 to index
        %get3A_587 = arith.constant 16 : index
        %get3A_588 = tpu.vector_load %arg7[%get3A_586, %get3A_587] {strides = array<i32>} : memref<200x64xf32, #tpu.memory_space<vmem>>, vector<1x16xf32>,
        %get3A_589 = vector.shape_cast %get3A_588 : vector<1x16xf32> to vector<16xf32>
        %swap3A_590 = arith.index_cast %add3A_583 : i32 to index
        %swap3A_591 = arith.constant 16 : index
        %swap3A_592 = tpu.vector_load %arg8[%swap3A_590, %swap3A_591] {strides = array<i32>} : memref<200x64xf32, #tpu.memory_space<vmem>>, vector<1x16xf32>,
        %swap3A_593 = vector.shape_cast %swap3A_592 : vector<1x16xf32> to vector<16xf32>
        %swap3A_594 = vector.shape_cast %get3A_589 : vector<16xf32> to vector<1x16xf32>
        tpu.vector_store %arg8[%swap3A_590, %swap3A_591], %swap3A_594 {add = true, strides = array<i32>} : memref<200x64xf32, #tpu.memory_space<vmem>>, vector<1x16xf32>,
        %add3A_595 = arith.constant 7 : i32
        %add3A_596 = arith.addi %mul3A_206, %add3A_595 : i32
        %add3A_597 = arith.constant 7 : i32
        %add3A_598 = arith.addi %mul3A_206, %add3A_597 : i32
        %get3A_599 = arith.index_cast %add3A_598 : i32 to index
        %get3A_600 = arith.constant 32 : index
        %get3A_601 = tpu.vector_load %arg7[%get3A_599, %get3A_600] {strides = array<i32>} : memref<200x64xf32, #tpu.memory_space<vmem>>, vector<1x16xf32>,
        %get3A_602 = vector.shape_cast %get3A_601 : vector<1x16xf32> to vector<16xf32>
        %swap3A_603 = arith.index_cast %add3A_596 : i32 to index
        %swap3A_604 = arith.constant 32 : index
        %swap3A_605 = tpu.vector_load %arg8[%swap3A_603, %swap3A_604] {strides = array<i32>} : memref<200x64xf32, #tpu.memory_space<vmem>>, vector<1x16xf32>,
        %swap3A_606 = vector.shape_cast %swap3A_605 : vector<1x16xf32> to vector<16xf32>
        %swap3A_607 = vector.shape_cast %get3A_602 : vector<16xf32> to vector<1x16xf32>
        tpu.vector_store %arg8[%swap3A_603, %swap3A_604], %swap3A_607 {add = true, strides = array<i32>} : memref<200x64xf32, #tpu.memory_space<vmem>>, vector<1x16xf32>,
        %add3A_608 = arith.constant 7 : i32
        %add3A_609 = arith.addi %mul3A_206, %add3A_608 : i32
        %add3A_610 = arith.constant 7 : i32
        %add3A_611 = arith.addi %mul3A_206, %add3A_610 : i32
        %get3A_612 = arith.index_cast %add3A_611 : i32 to index
        %get3A_613 = arith.constant 48 : index
        %get3A_614 = tpu.vector_load %arg7[%get3A_612, %get3A_613] {strides = array<i32>} : memref<200x64xf32, #tpu.memory_space<vmem>>, vector<1x16xf32>,
        %get3A_615 = vector.shape_cast %get3A_614 : vector<1x16xf32> to vector<16xf32>
        %swap3A_616 = arith.index_cast %add3A_609 : i32 to index
        %swap3A_617 = arith.constant 48 : index
        %swap3A_618 = tpu.vector_load %arg8[%swap3A_616, %swap3A_617] {strides = array<i32>} : memref<200x64xf32, #tpu.memory_space<vmem>>, vector<1x16xf32>,
        %swap3A_619 = vector.shape_cast %swap3A_618 : vector<1x16xf32> to vector<16xf32>
        %swap3A_620 = vector.shape_cast %get3A_615 : vector<16xf32> to vector<1x16xf32>
        tpu.vector_store %arg8[%swap3A_616, %swap3A_617], %swap3A_620 {add = true, strides = array<i32>} : memref<200x64xf32, #tpu.memory_space<vmem>>, vector<1x16xf32>,
      }
      %scan3A_110 = arith.constant 25 : i32
      %mul3A_111 = arith.constant 200 : i32
      %mul3A_112 = arith.muli %add3A_98, %mul3A_111 : i32
      %add3A_113 = arith.addi %mul3A_2, %mul3A_112 : i32
      %dma_start3A_114 = arith.constant 0 : i32
      %dma_start3A_115 = tpu.memref_slice %arg5[%add3A_113, %dma_start3A_114] : memref<819200x128xf32, #tpu.memory_space<hbm>> -> memref<200x64xf32, #tpu.memory_space<hbm>>
      %dma_start3A_116 = arith.constant 0 : i32
      %dma_start3A_117 = tpu.memref_slice %arg5[%add3A_113, %dma_start3A_116] : memref<819200x128xf32, #tpu.memory_space<hbm>> -> memref<200x64xf32, #tpu.memory_space<hbm>>
      tpu.enqueue_dma source(%arg8 : memref<200x64xf32, #tpu.memory_space<vmem>>) target(%dma_start3A_117 : memref<200x64xf32, #tpu.memory_space<hbm>>) target_semaphore(%arg16 : memref<!tpu.dma_semaphore, #tpu.memory_space<semaphore_mem>>)
      %mul3A_118 = arith.constant 4 : i32
      %mul3A_119 = arith.muli %scan3A_94, %mul3A_118 : i32
      %add3A_120 = arith.constant 1 : i32
      %add3A_121 = arith.addi %mul3A_119, %add3A_120 : i32
      %dma_wait3A_122 = arith.constant 0 : i32
      %dma_wait3A_123 = arith.constant 0 : i32
      %dma_wait3A_124 = tpu.memref_slice %arg3[%dma_wait3A_122, %dma_wait3A_123] : memref<1000000x64xf32, #tpu.memory_space<hbm>> -> memref<200x64xf32, #tpu.memory_space<hbm>>
      %dma_wait3A_125 = arith.constant 0 : i32
      %dma_wait3A_126 = arith.constant 0 : i32
      %dma_wait3A_127 = tpu.memref_slice %arg3[%dma_wait3A_125, %dma_wait3A_126] : memref<1000000x64xf32, #tpu.memory_space<hbm>> -> memref<200x64xf32, #tpu.memory_space<hbm>>
      tpu.wait_dma2 semaphore(%arg13 : memref<!tpu.dma_semaphore, #tpu.memory_space<semaphore_mem>>) src(%dma_wait3A_127 : memref<200x64xf32, #tpu.memory_space<hbm>>) dst(%arg9 : memref<200x64xf32, #tpu.memory_space<vmem>>)
      %scan3A_128 = arith.constant 0 : i32
      %scan3A_129 = arith.constant 0 : i32
      %scan3A_130 = arith.constant 25 : i32
      %scan3A_131 = arith.addi %scan3A_129, %scan3A_130 : i32
      %scan3A_132 = arith.constant 1 : i32
      scf.for %scan3A_204 = %scan3A_129 to %scan3A_131 step %scan3A_132  : i32 {
        %mul3A_205 = arith.constant 8 : i32
        %mul3A_206 = arith.muli %scan3A_204, %mul3A_205 : i32
        %add3A_207 = arith.constant 0 : i32
        %add3A_208 = arith.addi %mul3A_206, %add3A_207 : i32
        %add3A_209 = arith.constant 0 : i32
        %add3A_210 = arith.addi %mul3A_206, %add3A_209 : i32
        %get3A = arith.index_cast %add3A_210 : i32 to index
        %get3A_211 = arith.constant 0 : index
        %get3A_212 = tpu.vector_load %arg7[%get3A, %get3A_211] {strides = array<i32>} : memref<200x64xf32, #tpu.memory_space<vmem>>, vector<1x16xf32>,
        %get3A_213 = vector.shape_cast %get3A_212 : vector<1x16xf32> to vector<16xf32>
        %swap3A = arith.index_cast %add3A_208 : i32 to index
        %swap3A_214 = arith.constant 0 : index
        %swap3A_215 = tpu.vector_load %arg9[%swap3A, %swap3A_214] {strides = array<i32>} : memref<200x64xf32, #tpu.memory_space<vmem>>, vector<1x16xf32>,
        %swap3A_216 = vector.shape_cast %swap3A_215 : vector<1x16xf32> to vector<16xf32>
        %swap3A_217 = vector.shape_cast %get3A_213 : vector<16xf32> to vector<1x16xf32>
        tpu.vector_store %arg9[%swap3A, %swap3A_214], %swap3A_217 {add = true, strides = array<i32>} : memref<200x64xf32, #tpu.memory_space<vmem>>, vector<1x16xf32>,
        %add3A_218 = arith.constant 0 : i32
        %add3A_219 = arith.addi %mul3A_206, %add3A_218 : i32
        %add3A_220 = arith.constant 0 : i32
        %add3A_221 = arith.addi %mul3A_206, %add3A_220 : i32
        %get3A_222 = arith.index_cast %add3A_221 : i32 to index
        %get3A_223 = arith.constant 16 : index
        %get3A_224 = tpu.vector_load %arg7[%get3A_222, %get3A_223] {strides = array<i32>} : memref<200x64xf32, #tpu.memory_space<vmem>>, vector<1x16xf32>,
        %get3A_225 = vector.shape_cast %get3A_224 : vector<1x16xf32> to vector<16xf32>
        %swap3A_226 = arith.index_cast %add3A_219 : i32 to index
        %swap3A_227 = arith.constant 16 : index
        %swap3A_228 = tpu.vector_load %arg9[%swap3A_226, %swap3A_227] {strides = array<i32>} : memref<200x64xf32, #tpu.memory_space<vmem>>, vector<1x16xf32>,
        %swap3A_229 = vector.shape_cast %swap3A_228 : vector<1x16xf32> to vector<16xf32>
        %swap3A_230 = vector.shape_cast %get3A_225 : vector<16xf32> to vector<1x16xf32>
        tpu.vector_store %arg9[%swap3A_226, %swap3A_227], %swap3A_230 {add = true, strides = array<i32>} : memref<200x64xf32, #tpu.memory_space<vmem>>, vector<1x16xf32>,
        %add3A_231 = arith.constant 0 : i32
        %add3A_232 = arith.addi %mul3A_206, %add3A_231 : i32
        %add3A_233 = arith.constant 0 : i32
        %add3A_234 = arith.addi %mul3A_206, %add3A_233 : i32
        %get3A_235 = arith.index_cast %add3A_234 : i32 to index
        %get3A_236 = arith.constant 32 : index
        %get3A_237 = tpu.vector_load %arg7[%get3A_235, %get3A_236] {strides = array<i32>} : memref<200x64xf32, #tpu.memory_space<vmem>>, vector<1x16xf32>,
        %get3A_238 = vector.shape_cast %get3A_237 : vector<1x16xf32> to vector<16xf32>
        %swap3A_239 = arith.index_cast %add3A_232 : i32 to index
        %swap3A_240 = arith.constant 32 : index
        %swap3A_241 = tpu.vector_load %arg9[%swap3A_239, %swap3A_240] {strides = array<i32>} : memref<200x64xf32, #tpu.memory_space<vmem>>, vector<1x16xf32>,
        %swap3A_242 = vector.shape_cast %swap3A_241 : vector<1x16xf32> to vector<16xf32>
        %swap3A_243 = vector.shape_cast %get3A_238 : vector<16xf32> to vector<1x16xf32>
        tpu.vector_store %arg9[%swap3A_239, %swap3A_240], %swap3A_243 {add = true, strides = array<i32>} : memref<200x64xf32, #tpu.memory_space<vmem>>, vector<1x16xf32>,
        %add3A_244 = arith.constant 0 : i32
        %add3A_245 = arith.addi %mul3A_206, %add3A_244 : i32
        %add3A_246 = arith.constant 0 : i32
        %add3A_247 = arith.addi %mul3A_206, %add3A_246 : i32
        %get3A_248 = arith.index_cast %add3A_247 : i32 to index
        %get3A_249 = arith.constant 48 : index
        %get3A_250 = tpu.vector_load %arg7[%get3A_248, %get3A_249] {strides = array<i32>} : memref<200x64xf32, #tpu.memory_space<vmem>>, vector<1x16xf32>,
        %get3A_251 = vector.shape_cast %get3A_250 : vector<1x16xf32> to vector<16xf32>
        %swap3A_252 = arith.index_cast %add3A_245 : i32 to index
        %swap3A_253 = arith.constant 48 : index
        %swap3A_254 = tpu.vector_load %arg9[%swap3A_252, %swap3A_253] {strides = array<i32>} : memref<200x64xf32, #tpu.memory_space<vmem>>, vector<1x16xf32>,
        %swap3A_255 = vector.shape_cast %swap3A_254 : vector<1x16xf32> to vector<16xf32>
        %swap3A_256 = vector.shape_cast %get3A_251 : vector<16xf32> to vector<1x16xf32>
        tpu.vector_store %arg9[%swap3A_252, %swap3A_253], %swap3A_256 {add = true, strides = array<i32>} : memref<200x64xf32, #tpu.memory_space<vmem>>, vector<1x16xf32>,
        %add3A_257 = arith.constant 1 : i32
        %add3A_258 = arith.addi %mul3A_206, %add3A_257 : i32
        %add3A_259 = arith.constant 1 : i32
        %add3A_260 = arith.addi %mul3A_206, %add3A_259 : i32
        %get3A_261 = arith.index_cast %add3A_260 : i32 to index
        %get3A_262 = arith.constant 0 : index
        %get3A_263 = tpu.vector_load %arg7[%get3A_261, %get3A_262] {strides = array<i32>} : memref<200x64xf32, #tpu.memory_space<vmem>>, vector<1x16xf32>,
        %get3A_264 = vector.shape_cast %get3A_263 : vector<1x16xf32> to vector<16xf32>
        %swap3A_265 = arith.index_cast %add3A_258 : i32 to index
        %swap3A_266 = arith.constant 0 : index
        %swap3A_267 = tpu.vector_load %arg9[%swap3A_265, %swap3A_266] {strides = array<i32>} : memref<200x64xf32, #tpu.memory_space<vmem>>, vector<1x16xf32>,
        %swap3A_268 = vector.shape_cast %swap3A_267 : vector<1x16xf32> to vector<16xf32>
        %swap3A_269 = vector.shape_cast %get3A_264 : vector<16xf32> to vector<1x16xf32>
        tpu.vector_store %arg9[%swap3A_265, %swap3A_266], %swap3A_269 {add = true, strides = array<i32>} : memref<200x64xf32, #tpu.memory_space<vmem>>, vector<1x16xf32>,
        %add3A_270 = arith.constant 1 : i32
        %add3A_271 = arith.addi %mul3A_206, %add3A_270 : i32
        %add3A_272 = arith.constant 1 : i32
        %add3A_273 = arith.addi %mul3A_206, %add3A_272 : i32
        %get3A_274 = arith.index_cast %add3A_273 : i32 to index
        %get3A_275 = arith.constant 16 : index
        %get3A_276 = tpu.vector_load %arg7[%get3A_274, %get3A_275] {strides = array<i32>} : memref<200x64xf32, #tpu.memory_space<vmem>>, vector<1x16xf32>,
        %get3A_277 = vector.shape_cast %get3A_276 : vector<1x16xf32> to vector<16xf32>
        %swap3A_278 = arith.index_cast %add3A_271 : i32 to index
        %swap3A_279 = arith.constant 16 : index
        %swap3A_280 = tpu.vector_load %arg9[%swap3A_278, %swap3A_279] {strides = array<i32>} : memref<200x64xf32, #tpu.memory_space<vmem>>, vector<1x16xf32>,
        %swap3A_281 = vector.shape_cast %swap3A_280 : vector<1x16xf32> to vector<16xf32>
        %swap3A_282 = vector.shape_cast %get3A_277 : vector<16xf32> to vector<1x16xf32>
        tpu.vector_store %arg9[%swap3A_278, %swap3A_279], %swap3A_282 {add = true, strides = array<i32>} : memref<200x64xf32, #tpu.memory_space<vmem>>, vector<1x16xf32>,
        %add3A_283 = arith.constant 1 : i32
        %add3A_284 = arith.addi %mul3A_206, %add3A_283 : i32
        %add3A_285 = arith.constant 1 : i32
        %add3A_286 = arith.addi %mul3A_206, %add3A_285 : i32
        %get3A_287 = arith.index_cast %add3A_286 : i32 to index
        %get3A_288 = arith.constant 32 : index
        %get3A_289 = tpu.vector_load %arg7[%get3A_287, %get3A_288] {strides = array<i32>} : memref<200x64xf32, #tpu.memory_space<vmem>>, vector<1x16xf32>,
        %get3A_290 = vector.shape_cast %get3A_289 : vector<1x16xf32> to vector<16xf32>
        %swap3A_291 = arith.index_cast %add3A_284 : i32 to index
        %swap3A_292 = arith.constant 32 : index
        %swap3A_293 = tpu.vector_load %arg9[%swap3A_291, %swap3A_292] {strides = array<i32>} : memref<200x64xf32, #tpu.memory_space<vmem>>, vector<1x16xf32>,
        %swap3A_294 = vector.shape_cast %swap3A_293 : vector<1x16xf32> to vector<16xf32>
        %swap3A_295 = vector.shape_cast %get3A_290 : vector<16xf32> to vector<1x16xf32>
        tpu.vector_store %arg9[%swap3A_291, %swap3A_292], %swap3A_295 {add = true, strides = array<i32>} : memref<200x64xf32, #tpu.memory_space<vmem>>, vector<1x16xf32>,
        %add3A_296 = arith.constant 1 : i32
        %add3A_297 = arith.addi %mul3A_206, %add3A_296 : i32
        %add3A_298 = arith.constant 1 : i32
        %add3A_299 = arith.addi %mul3A_206, %add3A_298 : i32
        %get3A_300 = arith.index_cast %add3A_299 : i32 to index
        %get3A_301 = arith.constant 48 : index
        %get3A_302 = tpu.vector_load %arg7[%get3A_300, %get3A_301] {strides = array<i32>} : memref<200x64xf32, #tpu.memory_space<vmem>>, vector<1x16xf32>,
        %get3A_303 = vector.shape_cast %get3A_302 : vector<1x16xf32> to vector<16xf32>
        %swap3A_304 = arith.index_cast %add3A_297 : i32 to index
        %swap3A_305 = arith.constant 48 : index
        %swap3A_306 = tpu.vector_load %arg9[%swap3A_304, %swap3A_305] {strides = array<i32>} : memref<200x64xf32, #tpu.memory_space<vmem>>, vector<1x16xf32>,
        %swap3A_307 = vector.shape_cast %swap3A_306 : vector<1x16xf32> to vector<16xf32>
        %swap3A_308 = vector.shape_cast %get3A_303 : vector<16xf32> to vector<1x16xf32>
        tpu.vector_store %arg9[%swap3A_304, %swap3A_305], %swap3A_308 {add = true, strides = array<i32>} : memref<200x64xf32, #tpu.memory_space<vmem>>, vector<1x16xf32>,
        %add3A_309 = arith.constant 2 : i32
        %add3A_310 = arith.addi %mul3A_206, %add3A_309 : i32
        %add3A_311 = arith.constant 2 : i32
        %add3A_312 = arith.addi %mul3A_206, %add3A_311 : i32
        %get3A_313 = arith.index_cast %add3A_312 : i32 to index
        %get3A_314 = arith.constant 0 : index
        %get3A_315 = tpu.vector_load %arg7[%get3A_313, %get3A_314] {strides = array<i32>} : memref<200x64xf32, #tpu.memory_space<vmem>>, vector<1x16xf32>,
        %get3A_316 = vector.shape_cast %get3A_315 : vector<1x16xf32> to vector<16xf32>
        %swap3A_317 = arith.index_cast %add3A_310 : i32 to index
        %swap3A_318 = arith.constant 0 : index
        %swap3A_319 = tpu.vector_load %arg9[%swap3A_317, %swap3A_318] {strides = array<i32>} : memref<200x64xf32, #tpu.memory_space<vmem>>, vector<1x16xf32>,
        %swap3A_320 = vector.shape_cast %swap3A_319 : vector<1x16xf32> to vector<16xf32>
        %swap3A_321 = vector.shape_cast %get3A_316 : vector<16xf32> to vector<1x16xf32>
        tpu.vector_store %arg9[%swap3A_317, %swap3A_318], %swap3A_321 {add = true, strides = array<i32>} : memref<200x64xf32, #tpu.memory_space<vmem>>, vector<1x16xf32>,
        %add3A_322 = arith.constant 2 : i32
        %add3A_323 = arith.addi %mul3A_206, %add3A_322 : i32
        %add3A_324 = arith.constant 2 : i32
        %add3A_325 = arith.addi %mul3A_206, %add3A_324 : i32
        %get3A_326 = arith.index_cast %add3A_325 : i32 to index
        %get3A_327 = arith.constant 16 : index
        %get3A_328 = tpu.vector_load %arg7[%get3A_326, %get3A_327] {strides = array<i32>} : memref<200x64xf32, #tpu.memory_space<vmem>>, vector<1x16xf32>,
        %get3A_329 = vector.shape_cast %get3A_328 : vector<1x16xf32> to vector<16xf32>
        %swap3A_330 = arith.index_cast %add3A_323 : i32 to index
        %swap3A_331 = arith.constant 16 : index
        %swap3A_332 = tpu.vector_load %arg9[%swap3A_330, %swap3A_331] {strides = array<i32>} : memref<200x64xf32, #tpu.memory_space<vmem>>, vector<1x16xf32>,
        %swap3A_333 = vector.shape_cast %swap3A_332 : vector<1x16xf32> to vector<16xf32>
        %swap3A_334 = vector.shape_cast %get3A_329 : vector<16xf32> to vector<1x16xf32>
        tpu.vector_store %arg9[%swap3A_330, %swap3A_331], %swap3A_334 {add = true, strides = array<i32>} : memref<200x64xf32, #tpu.memory_space<vmem>>, vector<1x16xf32>,
        %add3A_335 = arith.constant 2 : i32
        %add3A_336 = arith.addi %mul3A_206, %add3A_335 : i32
        %add3A_337 = arith.constant 2 : i32
        %add3A_338 = arith.addi %mul3A_206, %add3A_337 : i32
        %get3A_339 = arith.index_cast %add3A_338 : i32 to index
        %get3A_340 = arith.constant 32 : index
        %get3A_341 = tpu.vector_load %arg7[%get3A_339, %get3A_340] {strides = array<i32>} : memref<200x64xf32, #tpu.memory_space<vmem>>, vector<1x16xf32>,
        %get3A_342 = vector.shape_cast %get3A_341 : vector<1x16xf32> to vector<16xf32>
        %swap3A_343 = arith.index_cast %add3A_336 : i32 to index
        %swap3A_344 = arith.constant 32 : index
        %swap3A_345 = tpu.vector_load %arg9[%swap3A_343, %swap3A_344] {strides = array<i32>} : memref<200x64xf32, #tpu.memory_space<vmem>>, vector<1x16xf32>,
        %swap3A_346 = vector.shape_cast %swap3A_345 : vector<1x16xf32> to vector<16xf32>
        %swap3A_347 = vector.shape_cast %get3A_342 : vector<16xf32> to vector<1x16xf32>
        tpu.vector_store %arg9[%swap3A_343, %swap3A_344], %swap3A_347 {add = true, strides = array<i32>} : memref<200x64xf32, #tpu.memory_space<vmem>>, vector<1x16xf32>,
        %add3A_348 = arith.constant 2 : i32
        %add3A_349 = arith.addi %mul3A_206, %add3A_348 : i32
        %add3A_350 = arith.constant 2 : i32
        %add3A_351 = arith.addi %mul3A_206, %add3A_350 : i32
        %get3A_352 = arith.index_cast %add3A_351 : i32 to index
        %get3A_353 = arith.constant 48 : index
        %get3A_354 = tpu.vector_load %arg7[%get3A_352, %get3A_353] {strides = array<i32>} : memref<200x64xf32, #tpu.memory_space<vmem>>, vector<1x16xf32>,
        %get3A_355 = vector.shape_cast %get3A_354 : vector<1x16xf32> to vector<16xf32>
        %swap3A_356 = arith.index_cast %add3A_349 : i32 to index
        %swap3A_357 = arith.constant 48 : index
        %swap3A_358 = tpu.vector_load %arg9[%swap3A_356, %swap3A_357] {strides = array<i32>} : memref<200x64xf32, #tpu.memory_space<vmem>>, vector<1x16xf32>,
        %swap3A_359 = vector.shape_cast %swap3A_358 : vector<1x16xf32> to vector<16xf32>
        %swap3A_360 = vector.shape_cast %get3A_355 : vector<16xf32> to vector<1x16xf32>
        tpu.vector_store %arg9[%swap3A_356, %swap3A_357], %swap3A_360 {add = true, strides = array<i32>} : memref<200x64xf32, #tpu.memory_space<vmem>>, vector<1x16xf32>,
        %add3A_361 = arith.constant 3 : i32
        %add3A_362 = arith.addi %mul3A_206, %add3A_361 : i32
        %add3A_363 = arith.constant 3 : i32
        %add3A_364 = arith.addi %mul3A_206, %add3A_363 : i32
        %get3A_365 = arith.index_cast %add3A_364 : i32 to index
        %get3A_366 = arith.constant 0 : index
        %get3A_367 = tpu.vector_load %arg7[%get3A_365, %get3A_366] {strides = array<i32>} : memref<200x64xf32, #tpu.memory_space<vmem>>, vector<1x16xf32>,
        %get3A_368 = vector.shape_cast %get3A_367 : vector<1x16xf32> to vector<16xf32>
        %swap3A_369 = arith.index_cast %add3A_362 : i32 to index
        %swap3A_370 = arith.constant 0 : index
        %swap3A_371 = tpu.vector_load %arg9[%swap3A_369, %swap3A_370] {strides = array<i32>} : memref<200x64xf32, #tpu.memory_space<vmem>>, vector<1x16xf32>,
        %swap3A_372 = vector.shape_cast %swap3A_371 : vector<1x16xf32> to vector<16xf32>
        %swap3A_373 = vector.shape_cast %get3A_368 : vector<16xf32> to vector<1x16xf32>
        tpu.vector_store %arg9[%swap3A_369, %swap3A_370], %swap3A_373 {add = true, strides = array<i32>} : memref<200x64xf32, #tpu.memory_space<vmem>>, vector<1x16xf32>,
        %add3A_374 = arith.constant 3 : i32
        %add3A_375 = arith.addi %mul3A_206, %add3A_374 : i32
        %add3A_376 = arith.constant 3 : i32
        %add3A_377 = arith.addi %mul3A_206, %add3A_376 : i32
        %get3A_378 = arith.index_cast %add3A_377 : i32 to index
        %get3A_379 = arith.constant 16 : index
        %get3A_380 = tpu.vector_load %arg7[%get3A_378, %get3A_379] {strides = array<i32>} : memref<200x64xf32, #tpu.memory_space<vmem>>, vector<1x16xf32>,
        %get3A_381 = vector.shape_cast %get3A_380 : vector<1x16xf32> to vector<16xf32>
        %swap3A_382 = arith.index_cast %add3A_375 : i32 to index
        %swap3A_383 = arith.constant 16 : index
        %swap3A_384 = tpu.vector_load %arg9[%swap3A_382, %swap3A_383] {strides = array<i32>} : memref<200x64xf32, #tpu.memory_space<vmem>>, vector<1x16xf32>,
        %swap3A_385 = vector.shape_cast %swap3A_384 : vector<1x16xf32> to vector<16xf32>
        %swap3A_386 = vector.shape_cast %get3A_381 : vector<16xf32> to vector<1x16xf32>
        tpu.vector_store %arg9[%swap3A_382, %swap3A_383], %swap3A_386 {add = true, strides = array<i32>} : memref<200x64xf32, #tpu.memory_space<vmem>>, vector<1x16xf32>,
        %add3A_387 = arith.constant 3 : i32
        %add3A_388 = arith.addi %mul3A_206, %add3A_387 : i32
        %add3A_389 = arith.constant 3 : i32
        %add3A_390 = arith.addi %mul3A_206, %add3A_389 : i32
        %get3A_391 = arith.index_cast %add3A_390 : i32 to index
        %get3A_392 = arith.constant 32 : index
        %get3A_393 = tpu.vector_load %arg7[%get3A_391, %get3A_392] {strides = array<i32>} : memref<200x64xf32, #tpu.memory_space<vmem>>, vector<1x16xf32>,
        %get3A_394 = vector.shape_cast %get3A_393 : vector<1x16xf32> to vector<16xf32>
        %swap3A_395 = arith.index_cast %add3A_388 : i32 to index
        %swap3A_396 = arith.constant 32 : index
        %swap3A_397 = tpu.vector_load %arg9[%swap3A_395, %swap3A_396] {strides = array<i32>} : memref<200x64xf32, #tpu.memory_space<vmem>>, vector<1x16xf32>,
        %swap3A_398 = vector.shape_cast %swap3A_397 : vector<1x16xf32> to vector<16xf32>
        %swap3A_399 = vector.shape_cast %get3A_394 : vector<16xf32> to vector<1x16xf32>
        tpu.vector_store %arg9[%swap3A_395, %swap3A_396], %swap3A_399 {add = true, strides = array<i32>} : memref<200x64xf32, #tpu.memory_space<vmem>>, vector<1x16xf32>,
        %add3A_400 = arith.constant 3 : i32
        %add3A_401 = arith.addi %mul3A_206, %add3A_400 : i32
        %add3A_402 = arith.constant 3 : i32
        %add3A_403 = arith.addi %mul3A_206, %add3A_402 : i32
        %get3A_404 = arith.index_cast %add3A_403 : i32 to index
        %get3A_405 = arith.constant 48 : index
        %get3A_406 = tpu.vector_load %arg7[%get3A_404, %get3A_405] {strides = array<i32>} : memref<200x64xf32, #tpu.memory_space<vmem>>, vector<1x16xf32>,
        %get3A_407 = vector.shape_cast %get3A_406 : vector<1x16xf32> to vector<16xf32>
        %swap3A_408 = arith.index_cast %add3A_401 : i32 to index
        %swap3A_409 = arith.constant 48 : index
        %swap3A_410 = tpu.vector_load %arg9[%swap3A_408, %swap3A_409] {strides = array<i32>} : memref<200x64xf32, #tpu.memory_space<vmem>>, vector<1x16xf32>,
        %swap3A_411 = vector.shape_cast %swap3A_410 : vector<1x16xf32> to vector<16xf32>
        %swap3A_412 = vector.shape_cast %get3A_407 : vector<16xf32> to vector<1x16xf32>
        tpu.vector_store %arg9[%swap3A_408, %swap3A_409], %swap3A_412 {add = true, strides = array<i32>} : memref<200x64xf32, #tpu.memory_space<vmem>>, vector<1x16xf32>,
        %add3A_413 = arith.constant 4 : i32
        %add3A_414 = arith.addi %mul3A_206, %add3A_413 : i32
        %add3A_415 = arith.constant 4 : i32
        %add3A_416 = arith.addi %mul3A_206, %add3A_415 : i32
        %get3A_417 = arith.index_cast %add3A_416 : i32 to index
        %get3A_418 = arith.constant 0 : index
        %get3A_419 = tpu.vector_load %arg7[%get3A_417, %get3A_418] {strides = array<i32>} : memref<200x64xf32, #tpu.memory_space<vmem>>, vector<1x16xf32>,
        %get3A_420 = vector.shape_cast %get3A_419 : vector<1x16xf32> to vector<16xf32>
        %swap3A_421 = arith.index_cast %add3A_414 : i32 to index
        %swap3A_422 = arith.constant 0 : index
        %swap3A_423 = tpu.vector_load %arg9[%swap3A_421, %swap3A_422] {strides = array<i32>} : memref<200x64xf32, #tpu.memory_space<vmem>>, vector<1x16xf32>,
        %swap3A_424 = vector.shape_cast %swap3A_423 : vector<1x16xf32> to vector<16xf32>
        %swap3A_425 = vector.shape_cast %get3A_420 : vector<16xf32> to vector<1x16xf32>
        tpu.vector_store %arg9[%swap3A_421, %swap3A_422], %swap3A_425 {add = true, strides = array<i32>} : memref<200x64xf32, #tpu.memory_space<vmem>>, vector<1x16xf32>,
        %add3A_426 = arith.constant 4 : i32
        %add3A_427 = arith.addi %mul3A_206, %add3A_426 : i32
        %add3A_428 = arith.constant 4 : i32
        %add3A_429 = arith.addi %mul3A_206, %add3A_428 : i32
        %get3A_430 = arith.index_cast %add3A_429 : i32 to index
        %get3A_431 = arith.constant 16 : index
        %get3A_432 = tpu.vector_load %arg7[%get3A_430, %get3A_431] {strides = array<i32>} : memref<200x64xf32, #tpu.memory_space<vmem>>, vector<1x16xf32>,
        %get3A_433 = vector.shape_cast %get3A_432 : vector<1x16xf32> to vector<16xf32>
        %swap3A_434 = arith.index_cast %add3A_427 : i32 to index
        %swap3A_435 = arith.constant 16 : index
        %swap3A_436 = tpu.vector_load %arg9[%swap3A_434, %swap3A_435] {strides = array<i32>} : memref<200x64xf32, #tpu.memory_space<vmem>>, vector<1x16xf32>,
        %swap3A_437 = vector.shape_cast %swap3A_436 : vector<1x16xf32> to vector<16xf32>
        %swap3A_438 = vector.shape_cast %get3A_433 : vector<16xf32> to vector<1x16xf32>
        tpu.vector_store %arg9[%swap3A_434, %swap3A_435], %swap3A_438 {add = true, strides = array<i32>} : memref<200x64xf32, #tpu.memory_space<vmem>>, vector<1x16xf32>,
        %add3A_439 = arith.constant 4 : i32
        %add3A_440 = arith.addi %mul3A_206, %add3A_439 : i32
        %add3A_441 = arith.constant 4 : i32
        %add3A_442 = arith.addi %mul3A_206, %add3A_441 : i32
        %get3A_443 = arith.index_cast %add3A_442 : i32 to index
        %get3A_444 = arith.constant 32 : index
        %get3A_445 = tpu.vector_load %arg7[%get3A_443, %get3A_444] {strides = array<i32>} : memref<200x64xf32, #tpu.memory_space<vmem>>, vector<1x16xf32>,
        %get3A_446 = vector.shape_cast %get3A_445 : vector<1x16xf32> to vector<16xf32>
        %swap3A_447 = arith.index_cast %add3A_440 : i32 to index
        %swap3A_448 = arith.constant 32 : index
        %swap3A_449 = tpu.vector_load %arg9[%swap3A_447, %swap3A_448] {strides = array<i32>} : memref<200x64xf32, #tpu.memory_space<vmem>>, vector<1x16xf32>,
        %swap3A_450 = vector.shape_cast %swap3A_449 : vector<1x16xf32> to vector<16xf32>
        %swap3A_451 = vector.shape_cast %get3A_446 : vector<16xf32> to vector<1x16xf32>
        tpu.vector_store %arg9[%swap3A_447, %swap3A_448], %swap3A_451 {add = true, strides = array<i32>} : memref<200x64xf32, #tpu.memory_space<vmem>>, vector<1x16xf32>,
        %add3A_452 = arith.constant 4 : i32
        %add3A_453 = arith.addi %mul3A_206, %add3A_452 : i32
        %add3A_454 = arith.constant 4 : i32
        %add3A_455 = arith.addi %mul3A_206, %add3A_454 : i32
        %get3A_456 = arith.index_cast %add3A_455 : i32 to index
        %get3A_457 = arith.constant 48 : index
        %get3A_458 = tpu.vector_load %arg7[%get3A_456, %get3A_457] {strides = array<i32>} : memref<200x64xf32, #tpu.memory_space<vmem>>, vector<1x16xf32>,
        %get3A_459 = vector.shape_cast %get3A_458 : vector<1x16xf32> to vector<16xf32>
        %swap3A_460 = arith.index_cast %add3A_453 : i32 to index
        %swap3A_461 = arith.constant 48 : index
        %swap3A_462 = tpu.vector_load %arg9[%swap3A_460, %swap3A_461] {strides = array<i32>} : memref<200x64xf32, #tpu.memory_space<vmem>>, vector<1x16xf32>,
        %swap3A_463 = vector.shape_cast %swap3A_462 : vector<1x16xf32> to vector<16xf32>
        %swap3A_464 = vector.shape_cast %get3A_459 : vector<16xf32> to vector<1x16xf32>
        tpu.vector_store %arg9[%swap3A_460, %swap3A_461], %swap3A_464 {add = true, strides = array<i32>} : memref<200x64xf32, #tpu.memory_space<vmem>>, vector<1x16xf32>,
        %add3A_465 = arith.constant 5 : i32
        %add3A_466 = arith.addi %mul3A_206, %add3A_465 : i32
        %add3A_467 = arith.constant 5 : i32
        %add3A_468 = arith.addi %mul3A_206, %add3A_467 : i32
        %get3A_469 = arith.index_cast %add3A_468 : i32 to index
        %get3A_470 = arith.constant 0 : index
        %get3A_471 = tpu.vector_load %arg7[%get3A_469, %get3A_470] {strides = array<i32>} : memref<200x64xf32, #tpu.memory_space<vmem>>, vector<1x16xf32>,
        %get3A_472 = vector.shape_cast %get3A_471 : vector<1x16xf32> to vector<16xf32>
        %swap3A_473 = arith.index_cast %add3A_466 : i32 to index
        %swap3A_474 = arith.constant 0 : index
        %swap3A_475 = tpu.vector_load %arg9[%swap3A_473, %swap3A_474] {strides = array<i32>} : memref<200x64xf32, #tpu.memory_space<vmem>>, vector<1x16xf32>,
        %swap3A_476 = vector.shape_cast %swap3A_475 : vector<1x16xf32> to vector<16xf32>
        %swap3A_477 = vector.shape_cast %get3A_472 : vector<16xf32> to vector<1x16xf32>
        tpu.vector_store %arg9[%swap3A_473, %swap3A_474], %swap3A_477 {add = true, strides = array<i32>} : memref<200x64xf32, #tpu.memory_space<vmem>>, vector<1x16xf32>,
        %add3A_478 = arith.constant 5 : i32
        %add3A_479 = arith.addi %mul3A_206, %add3A_478 : i32
        %add3A_480 = arith.constant 5 : i32
        %add3A_481 = arith.addi %mul3A_206, %add3A_480 : i32
        %get3A_482 = arith.index_cast %add3A_481 : i32 to index
        %get3A_483 = arith.constant 16 : index
        %get3A_484 = tpu.vector_load %arg7[%get3A_482, %get3A_483] {strides = array<i32>} : memref<200x64xf32, #tpu.memory_space<vmem>>, vector<1x16xf32>,
        %get3A_485 = vector.shape_cast %get3A_484 : vector<1x16xf32> to vector<16xf32>
        %swap3A_486 = arith.index_cast %add3A_479 : i32 to index
        %swap3A_487 = arith.constant 16 : index
        %swap3A_488 = tpu.vector_load %arg9[%swap3A_486, %swap3A_487] {strides = array<i32>} : memref<200x64xf32, #tpu.memory_space<vmem>>, vector<1x16xf32>,
        %swap3A_489 = vector.shape_cast %swap3A_488 : vector<1x16xf32> to vector<16xf32>
        %swap3A_490 = vector.shape_cast %get3A_485 : vector<16xf32> to vector<1x16xf32>
        tpu.vector_store %arg9[%swap3A_486, %swap3A_487], %swap3A_490 {add = true, strides = array<i32>} : memref<200x64xf32, #tpu.memory_space<vmem>>, vector<1x16xf32>,
        %add3A_491 = arith.constant 5 : i32
        %add3A_492 = arith.addi %mul3A_206, %add3A_491 : i32
        %add3A_493 = arith.constant 5 : i32
        %add3A_494 = arith.addi %mul3A_206, %add3A_493 : i32
        %get3A_495 = arith.index_cast %add3A_494 : i32 to index
        %get3A_496 = arith.constant 32 : index
        %get3A_497 = tpu.vector_load %arg7[%get3A_495, %get3A_496] {strides = array<i32>} : memref<200x64xf32, #tpu.memory_space<vmem>>, vector<1x16xf32>,
        %get3A_498 = vector.shape_cast %get3A_497 : vector<1x16xf32> to vector<16xf32>
        %swap3A_499 = arith.index_cast %add3A_492 : i32 to index
        %swap3A_500 = arith.constant 32 : index
        %swap3A_501 = tpu.vector_load %arg9[%swap3A_499, %swap3A_500] {strides = array<i32>} : memref<200x64xf32, #tpu.memory_space<vmem>>, vector<1x16xf32>,
        %swap3A_502 = vector.shape_cast %swap3A_501 : vector<1x16xf32> to vector<16xf32>
        %swap3A_503 = vector.shape_cast %get3A_498 : vector<16xf32> to vector<1x16xf32>
        tpu.vector_store %arg9[%swap3A_499, %swap3A_500], %swap3A_503 {add = true, strides = array<i32>} : memref<200x64xf32, #tpu.memory_space<vmem>>, vector<1x16xf32>,
        %add3A_504 = arith.constant 5 : i32
        %add3A_505 = arith.addi %mul3A_206, %add3A_504 : i32
        %add3A_506 = arith.constant 5 : i32
        %add3A_507 = arith.addi %mul3A_206, %add3A_506 : i32
        %get3A_508 = arith.index_cast %add3A_507 : i32 to index
        %get3A_509 = arith.constant 48 : index
        %get3A_510 = tpu.vector_load %arg7[%get3A_508, %get3A_509] {strides = array<i32>} : memref<200x64xf32, #tpu.memory_space<vmem>>, vector<1x16xf32>,
        %get3A_511 = vector.shape_cast %get3A_510 : vector<1x16xf32> to vector<16xf32>
        %swap3A_512 = arith.index_cast %add3A_505 : i32 to index
        %swap3A_513 = arith.constant 48 : index
        %swap3A_514 = tpu.vector_load %arg9[%swap3A_512, %swap3A_513] {strides = array<i32>} : memref<200x64xf32, #tpu.memory_space<vmem>>, vector<1x16xf32>,
        %swap3A_515 = vector.shape_cast %swap3A_514 : vector<1x16xf32> to vector<16xf32>
        %swap3A_516 = vector.shape_cast %get3A_511 : vector<16xf32> to vector<1x16xf32>
        tpu.vector_store %arg9[%swap3A_512, %swap3A_513], %swap3A_516 {add = true, strides = array<i32>} : memref<200x64xf32, #tpu.memory_space<vmem>>, vector<1x16xf32>,
        %add3A_517 = arith.constant 6 : i32
        %add3A_518 = arith.addi %mul3A_206, %add3A_517 : i32
        %add3A_519 = arith.constant 6 : i32
        %add3A_520 = arith.addi %mul3A_206, %add3A_519 : i32
        %get3A_521 = arith.index_cast %add3A_520 : i32 to index
        %get3A_522 = arith.constant 0 : index
        %get3A_523 = tpu.vector_load %arg7[%get3A_521, %get3A_522] {strides = array<i32>} : memref<200x64xf32, #tpu.memory_space<vmem>>, vector<1x16xf32>,
        %get3A_524 = vector.shape_cast %get3A_523 : vector<1x16xf32> to vector<16xf32>
        %swap3A_525 = arith.index_cast %add3A_518 : i32 to index
        %swap3A_526 = arith.constant 0 : index
        %swap3A_527 = tpu.vector_load %arg9[%swap3A_525, %swap3A_526] {strides = array<i32>} : memref<200x64xf32, #tpu.memory_space<vmem>>, vector<1x16xf32>,
        %swap3A_528 = vector.shape_cast %swap3A_527 : vector<1x16xf32> to vector<16xf32>
        %swap3A_529 = vector.shape_cast %get3A_524 : vector<16xf32> to vector<1x16xf32>
        tpu.vector_store %arg9[%swap3A_525, %swap3A_526], %swap3A_529 {add = true, strides = array<i32>} : memref<200x64xf32, #tpu.memory_space<vmem>>, vector<1x16xf32>,
        %add3A_530 = arith.constant 6 : i32
        %add3A_531 = arith.addi %mul3A_206, %add3A_530 : i32
        %add3A_532 = arith.constant 6 : i32
        %add3A_533 = arith.addi %mul3A_206, %add3A_532 : i32
        %get3A_534 = arith.index_cast %add3A_533 : i32 to index
        %get3A_535 = arith.constant 16 : index
        %get3A_536 = tpu.vector_load %arg7[%get3A_534, %get3A_535] {strides = array<i32>} : memref<200x64xf32, #tpu.memory_space<vmem>>, vector<1x16xf32>,
        %get3A_537 = vector.shape_cast %get3A_536 : vector<1x16xf32> to vector<16xf32>
        %swap3A_538 = arith.index_cast %add3A_531 : i32 to index
        %swap3A_539 = arith.constant 16 : index
        %swap3A_540 = tpu.vector_load %arg9[%swap3A_538, %swap3A_539] {strides = array<i32>} : memref<200x64xf32, #tpu.memory_space<vmem>>, vector<1x16xf32>,
        %swap3A_541 = vector.shape_cast %swap3A_540 : vector<1x16xf32> to vector<16xf32>
        %swap3A_542 = vector.shape_cast %get3A_537 : vector<16xf32> to vector<1x16xf32>
        tpu.vector_store %arg9[%swap3A_538, %swap3A_539], %swap3A_542 {add = true, strides = array<i32>} : memref<200x64xf32, #tpu.memory_space<vmem>>, vector<1x16xf32>,
        %add3A_543 = arith.constant 6 : i32
        %add3A_544 = arith.addi %mul3A_206, %add3A_543 : i32
        %add3A_545 = arith.constant 6 : i32
        %add3A_546 = arith.addi %mul3A_206, %add3A_545 : i32
        %get3A_547 = arith.index_cast %add3A_546 : i32 to index
        %get3A_548 = arith.constant 32 : index
        %get3A_549 = tpu.vector_load %arg7[%get3A_547, %get3A_548] {strides = array<i32>} : memref<200x64xf32, #tpu.memory_space<vmem>>, vector<1x16xf32>,
        %get3A_550 = vector.shape_cast %get3A_549 : vector<1x16xf32> to vector<16xf32>
        %swap3A_551 = arith.index_cast %add3A_544 : i32 to index
        %swap3A_552 = arith.constant 32 : index
        %swap3A_553 = tpu.vector_load %arg9[%swap3A_551, %swap3A_552] {strides = array<i32>} : memref<200x64xf32, #tpu.memory_space<vmem>>, vector<1x16xf32>,
        %swap3A_554 = vector.shape_cast %swap3A_553 : vector<1x16xf32> to vector<16xf32>
        %swap3A_555 = vector.shape_cast %get3A_550 : vector<16xf32> to vector<1x16xf32>
        tpu.vector_store %arg9[%swap3A_551, %swap3A_552], %swap3A_555 {add = true, strides = array<i32>} : memref<200x64xf32, #tpu.memory_space<vmem>>, vector<1x16xf32>,
        %add3A_556 = arith.constant 6 : i32
        %add3A_557 = arith.addi %mul3A_206, %add3A_556 : i32
        %add3A_558 = arith.constant 6 : i32
        %add3A_559 = arith.addi %mul3A_206, %add3A_558 : i32
        %get3A_560 = arith.index_cast %add3A_559 : i32 to index
        %get3A_561 = arith.constant 48 : index
        %get3A_562 = tpu.vector_load %arg7[%get3A_560, %get3A_561] {strides = array<i32>} : memref<200x64xf32, #tpu.memory_space<vmem>>, vector<1x16xf32>,
        %get3A_563 = vector.shape_cast %get3A_562 : vector<1x16xf32> to vector<16xf32>
        %swap3A_564 = arith.index_cast %add3A_557 : i32 to index
        %swap3A_565 = arith.constant 48 : index
        %swap3A_566 = tpu.vector_load %arg9[%swap3A_564, %swap3A_565] {strides = array<i32>} : memref<200x64xf32, #tpu.memory_space<vmem>>, vector<1x16xf32>,
        %swap3A_567 = vector.shape_cast %swap3A_566 : vector<1x16xf32> to vector<16xf32>
        %swap3A_568 = vector.shape_cast %get3A_563 : vector<16xf32> to vector<1x16xf32>
        tpu.vector_store %arg9[%swap3A_564, %swap3A_565], %swap3A_568 {add = true, strides = array<i32>} : memref<200x64xf32, #tpu.memory_space<vmem>>, vector<1x16xf32>,
        %add3A_569 = arith.constant 7 : i32
        %add3A_570 = arith.addi %mul3A_206, %add3A_569 : i32
        %add3A_571 = arith.constant 7 : i32
        %add3A_572 = arith.addi %mul3A_206, %add3A_571 : i32
        %get3A_573 = arith.index_cast %add3A_572 : i32 to index
        %get3A_574 = arith.constant 0 : index
        %get3A_575 = tpu.vector_load %arg7[%get3A_573, %get3A_574] {strides = array<i32>} : memref<200x64xf32, #tpu.memory_space<vmem>>, vector<1x16xf32>,
        %get3A_576 = vector.shape_cast %get3A_575 : vector<1x16xf32> to vector<16xf32>
        %swap3A_577 = arith.index_cast %add3A_570 : i32 to index
        %swap3A_578 = arith.constant 0 : index
        %swap3A_579 = tpu.vector_load %arg9[%swap3A_577, %swap3A_578] {strides = array<i32>} : memref<200x64xf32, #tpu.memory_space<vmem>>, vector<1x16xf32>,
        %swap3A_580 = vector.shape_cast %swap3A_579 : vector<1x16xf32> to vector<16xf32>
        %swap3A_581 = vector.shape_cast %get3A_576 : vector<16xf32> to vector<1x16xf32>
        tpu.vector_store %arg9[%swap3A_577, %swap3A_578], %swap3A_581 {add = true, strides = array<i32>} : memref<200x64xf32, #tpu.memory_space<vmem>>, vector<1x16xf32>,
        %add3A_582 = arith.constant 7 : i32
        %add3A_583 = arith.addi %mul3A_206, %add3A_582 : i32
        %add3A_584 = arith.constant 7 : i32
        %add3A_585 = arith.addi %mul3A_206, %add3A_584 : i32
        %get3A_586 = arith.index_cast %add3A_585 : i32 to index
        %get3A_587 = arith.constant 16 : index
        %get3A_588 = tpu.vector_load %arg7[%get3A_586, %get3A_587] {strides = array<i32>} : memref<200x64xf32, #tpu.memory_space<vmem>>, vector<1x16xf32>,
        %get3A_589 = vector.shape_cast %get3A_588 : vector<1x16xf32> to vector<16xf32>
        %swap3A_590 = arith.index_cast %add3A_583 : i32 to index
        %swap3A_591 = arith.constant 16 : index
        %swap3A_592 = tpu.vector_load %arg9[%swap3A_590, %swap3A_591] {strides = array<i32>} : memref<200x64xf32, #tpu.memory_space<vmem>>, vector<1x16xf32>,
        %swap3A_593 = vector.shape_cast %swap3A_592 : vector<1x16xf32> to vector<16xf32>
        %swap3A_594 = vector.shape_cast %get3A_589 : vector<16xf32> to vector<1x16xf32>
        tpu.vector_store %arg9[%swap3A_590, %swap3A_591], %swap3A_594 {add = true, strides = array<i32>} : memref<200x64xf32, #tpu.memory_space<vmem>>, vector<1x16xf32>,
        %add3A_595 = arith.constant 7 : i32
        %add3A_596 = arith.addi %mul3A_206, %add3A_595 : i32
        %add3A_597 = arith.constant 7 : i32
        %add3A_598 = arith.addi %mul3A_206, %add3A_597 : i32
        %get3A_599 = arith.index_cast %add3A_598 : i32 to index
        %get3A_600 = arith.constant 32 : index
        %get3A_601 = tpu.vector_load %arg7[%get3A_599, %get3A_600] {strides = array<i32>} : memref<200x64xf32, #tpu.memory_space<vmem>>, vector<1x16xf32>,
        %get3A_602 = vector.shape_cast %get3A_601 : vector<1x16xf32> to vector<16xf32>
        %swap3A_603 = arith.index_cast %add3A_596 : i32 to index
        %swap3A_604 = arith.constant 32 : index
        %swap3A_605 = tpu.vector_load %arg9[%swap3A_603, %swap3A_604] {strides = array<i32>} : memref<200x64xf32, #tpu.memory_space<vmem>>, vector<1x16xf32>,
        %swap3A_606 = vector.shape_cast %swap3A_605 : vector<1x16xf32> to vector<16xf32>
        %swap3A_607 = vector.shape_cast %get3A_602 : vector<16xf32> to vector<1x16xf32>
        tpu.vector_store %arg9[%swap3A_603, %swap3A_604], %swap3A_607 {add = true, strides = array<i32>} : memref<200x64xf32, #tpu.memory_space<vmem>>, vector<1x16xf32>,
        %add3A_608 = arith.constant 7 : i32
        %add3A_609 = arith.addi %mul3A_206, %add3A_608 : i32
        %add3A_610 = arith.constant 7 : i32
        %add3A_611 = arith.addi %mul3A_206, %add3A_610 : i32
        %get3A_612 = arith.index_cast %add3A_611 : i32 to index
        %get3A_613 = arith.constant 48 : index
        %get3A_614 = tpu.vector_load %arg7[%get3A_612, %get3A_613] {strides = array<i32>} : memref<200x64xf32, #tpu.memory_space<vmem>>, vector<1x16xf32>,
        %get3A_615 = vector.shape_cast %get3A_614 : vector<1x16xf32> to vector<16xf32>
        %swap3A_616 = arith.index_cast %add3A_609 : i32 to index
        %swap3A_617 = arith.constant 48 : index
        %swap3A_618 = tpu.vector_load %arg9[%swap3A_616, %swap3A_617] {strides = array<i32>} : memref<200x64xf32, #tpu.memory_space<vmem>>, vector<1x16xf32>,
        %swap3A_619 = vector.shape_cast %swap3A_618 : vector<1x16xf32> to vector<16xf32>
        %swap3A_620 = vector.shape_cast %get3A_615 : vector<16xf32> to vector<1x16xf32>
        tpu.vector_store %arg9[%swap3A_616, %swap3A_617], %swap3A_620 {add = true, strides = array<i32>} : memref<200x64xf32, #tpu.memory_space<vmem>>, vector<1x16xf32>,
      }
      %scan3A_133 = arith.constant 25 : i32
      %mul3A_134 = arith.constant 200 : i32
      %mul3A_135 = arith.muli %add3A_121, %mul3A_134 : i32
      %add3A_136 = arith.addi %mul3A_2, %mul3A_135 : i32
      %dma_start3A_137 = arith.constant 0 : i32
      %dma_start3A_138 = tpu.memref_slice %arg5[%add3A_136, %dma_start3A_137] : memref<819200x128xf32, #tpu.memory_space<hbm>> -> memref<200x64xf32, #tpu.memory_space<hbm>>
      %dma_start3A_139 = arith.constant 0 : i32
      %dma_start3A_140 = tpu.memref_slice %arg5[%add3A_136, %dma_start3A_139] : memref<819200x128xf32, #tpu.memory_space<hbm>> -> memref<200x64xf32, #tpu.memory_space<hbm>>
      tpu.enqueue_dma source(%arg9 : memref<200x64xf32, #tpu.memory_space<vmem>>) target(%dma_start3A_140 : memref<200x64xf32, #tpu.memory_space<hbm>>) target_semaphore(%arg17 : memref<!tpu.dma_semaphore, #tpu.memory_space<semaphore_mem>>)
      %lt3A = arith.constant 31 : i32
      %lt3A_141 = arith.cmpi slt, %scan3A_94, %lt3A : i32
      %convert_element_type3A = arith.extui %lt3A_141 : i1 to i32
      %cond3A = arith.constant 0 : i32
      %cond3A_142 = arith.cmpi ne, %convert_element_type3A, %cond3A : i32
      scf.if %cond3A_142 {
        %dma_wait3A_204 = arith.constant 0 : i32
        %dma_wait3A_205 = arith.constant 0 : i32
        %dma_wait3A_206 = tpu.memref_slice %arg5[%dma_wait3A_204, %dma_wait3A_205] : memref<819200x128xf32, #tpu.memory_space<hbm>> -> memref<200x64xf32, #tpu.memory_space<hbm>>
        %dma_wait3A_207 = arith.constant 0 : i32
        %dma_wait3A_208 = arith.constant 0 : i32
        %dma_wait3A_209 = tpu.memref_slice %arg5[%dma_wait3A_207, %dma_wait3A_208] : memref<819200x128xf32, #tpu.memory_space<hbm>> -> memref<200x64xf32, #tpu.memory_space<hbm>>
        tpu.wait_dma2 semaphore(%arg16 : memref<!tpu.dma_semaphore, #tpu.memory_space<semaphore_mem>>) src(%arg8 : memref<200x64xf32, #tpu.memory_space<vmem>>) dst(%dma_wait3A_209 : memref<200x64xf32, #tpu.memory_space<hbm>>)
        %mul3A_210 = arith.constant 4 : i32
        %mul3A_211 = arith.muli %scan3A_94, %mul3A_210 : i32
        %add3A_212 = arith.constant 4 : i32
        %add3A_213 = arith.addi %mul3A_211, %add3A_212 : i32
        %add3A_214 = arith.constant 0 : i32
        %add3A_215 = arith.addi %add3A_213, %add3A_214 : i32
        %mul3A_216 = arith.constant 200 : i32
        %mul3A_217 = arith.muli %add3A_215, %mul3A_216 : i32
        %dma_start3A_218 = arith.constant 0 : i32
        %dma_start3A_219 = arith.constant 0 : i32
        %dma_start3A_220 = tpu.memref_slice %arg8[%dma_start3A_218, %dma_start3A_219] : memref<200x64xf32, #tpu.memory_space<vmem>> -> memref<128x64xf32, #tpu.memory_space<vmem>>
        %dma_start3A_221 = tpu.memref_slice %arg6[%mul3A_217] : memref<25600xi32, #tpu.memory_space<vmem>> -> memref<128xi32, #tpu.memory_space<vmem>>
        %dma_start3A_222 = arith.constant 0 : i32
        %dma_start3A_223 = arith.constant 0 : i32
        %dma_start3A_224 = tpu.memref_slice %arg3[%dma_start3A_222, %dma_start3A_223] : memref<1000000x64xf32, #tpu.memory_space<hbm>> -> memref<1000000x64xf32, #tpu.memory_space<hbm>>
        tpu.enqueue_indirect_dma source(%dma_start3A_224 : memref<1000000x64xf32, #tpu.memory_space<hbm>>) target(%dma_start3A_220 : memref<128x64xf32, #tpu.memory_space<vmem>>) offsets(%dma_start3A_221 : memref<128xi32, #tpu.memory_space<vmem>>) semaphore(%arg12 : memref<!tpu.dma_semaphore, #tpu.memory_space<semaphore_mem>>)
        %add3A_225 = arith.constant 128 : i32
        %add3A_226 = arith.addi %mul3A_217, %add3A_225 : i32
        %dma_start3A_227 = arith.constant 128 : i32
        %dma_start3A_228 = arith.constant 0 : i32
        %dma_start3A_229 = tpu.memref_slice %arg8[%dma_start3A_227, %dma_start3A_228] : memref<200x64xf32, #tpu.memory_space<vmem>> -> memref<72x64xf32, #tpu.memory_space<vmem>>
        %dma_start3A_230 = tpu.memref_slice %arg6[%add3A_226] : memref<25600xi32, #tpu.memory_space<vmem>> -> memref<72xi32, #tpu.memory_space<vmem>>
        %dma_start3A_231 = arith.constant 0 : i32
        %dma_start3A_232 = arith.constant 0 : i32
        %dma_start3A_233 = tpu.memref_slice %arg3[%dma_start3A_231, %dma_start3A_232] : memref<1000000x64xf32, #tpu.memory_space<hbm>> -> memref<1000000x64xf32, #tpu.memory_space<hbm>>
        tpu.enqueue_indirect_dma source(%dma_start3A_233 : memref<1000000x64xf32, #tpu.memory_space<hbm>>) target(%dma_start3A_229 : memref<72x64xf32, #tpu.memory_space<vmem>>) offsets(%dma_start3A_230 : memref<72xi32, #tpu.memory_space<vmem>>) semaphore(%arg12 : memref<!tpu.dma_semaphore, #tpu.memory_space<semaphore_mem>>)
      } else {
      }
      %mul3A_143 = arith.constant 4 : i32
      %mul3A_144 = arith.muli %scan3A_94, %mul3A_143 : i32
      %add3A_145 = arith.constant 2 : i32
      %add3A_146 = arith.addi %mul3A_144, %add3A_145 : i32
      %dma_wait3A_147 = arith.constant 0 : i32
      %dma_wait3A_148 = arith.constant 0 : i32
      %dma_wait3A_149 = tpu.memref_slice %arg3[%dma_wait3A_147, %dma_wait3A_148] : memref<1000000x64xf32, #tpu.memory_space<hbm>> -> memref<200x64xf32, #tpu.memory_space<hbm>>
      %dma_wait3A_150 = arith.constant 0 : i32
      %dma_wait3A_151 = arith.constant 0 : i32
      %dma_wait3A_152 = tpu.memref_slice %arg3[%dma_wait3A_150, %dma_wait3A_151] : memref<1000000x64xf32, #tpu.memory_space<hbm>> -> memref<200x64xf32, #tpu.memory_space<hbm>>
      tpu.wait_dma2 semaphore(%arg14 : memref<!tpu.dma_semaphore, #tpu.memory_space<semaphore_mem>>) src(%dma_wait3A_152 : memref<200x64xf32, #tpu.memory_space<hbm>>) dst(%arg10 : memref<200x64xf32, #tpu.memory_space<vmem>>)
      %scan3A_153 = arith.constant 0 : i32
      %scan3A_154 = arith.constant 0 : i32
      %scan3A_155 = arith.constant 25 : i32
      %scan3A_156 = arith.addi %scan3A_154, %scan3A_155 : i32
      %scan3A_157 = arith.constant 1 : i32
      scf.for %scan3A_204 = %scan3A_154 to %scan3A_156 step %scan3A_157  : i32 {
        %mul3A_205 = arith.constant 8 : i32
        %mul3A_206 = arith.muli %scan3A_204, %mul3A_205 : i32
        %add3A_207 = arith.constant 0 : i32
        %add3A_208 = arith.addi %mul3A_206, %add3A_207 : i32
        %add3A_209 = arith.constant 0 : i32
        %add3A_210 = arith.addi %mul3A_206, %add3A_209 : i32
        %get3A = arith.index_cast %add3A_210 : i32 to index
        %get3A_211 = arith.constant 0 : index
        %get3A_212 = tpu.vector_load %arg7[%get3A, %get3A_211] {strides = array<i32>} : memref<200x64xf32, #tpu.memory_space<vmem>>, vector<1x16xf32>,
        %get3A_213 = vector.shape_cast %get3A_212 : vector<1x16xf32> to vector<16xf32>
        %swap3A = arith.index_cast %add3A_208 : i32 to index
        %swap3A_214 = arith.constant 0 : index
        %swap3A_215 = tpu.vector_load %arg10[%swap3A, %swap3A_214] {strides = array<i32>} : memref<200x64xf32, #tpu.memory_space<vmem>>, vector<1x16xf32>,
        %swap3A_216 = vector.shape_cast %swap3A_215 : vector<1x16xf32> to vector<16xf32>
        %swap3A_217 = vector.shape_cast %get3A_213 : vector<16xf32> to vector<1x16xf32>
        tpu.vector_store %arg10[%swap3A, %swap3A_214], %swap3A_217 {add = true, strides = array<i32>} : memref<200x64xf32, #tpu.memory_space<vmem>>, vector<1x16xf32>,
        %add3A_218 = arith.constant 0 : i32
        %add3A_219 = arith.addi %mul3A_206, %add3A_218 : i32
        %add3A_220 = arith.constant 0 : i32
        %add3A_221 = arith.addi %mul3A_206, %add3A_220 : i32
        %get3A_222 = arith.index_cast %add3A_221 : i32 to index
        %get3A_223 = arith.constant 16 : index
        %get3A_224 = tpu.vector_load %arg7[%get3A_222, %get3A_223] {strides = array<i32>} : memref<200x64xf32, #tpu.memory_space<vmem>>, vector<1x16xf32>,
        %get3A_225 = vector.shape_cast %get3A_224 : vector<1x16xf32> to vector<16xf32>
        %swap3A_226 = arith.index_cast %add3A_219 : i32 to index
        %swap3A_227 = arith.constant 16 : index
        %swap3A_228 = tpu.vector_load %arg10[%swap3A_226, %swap3A_227] {strides = array<i32>} : memref<200x64xf32, #tpu.memory_space<vmem>>, vector<1x16xf32>,
        %swap3A_229 = vector.shape_cast %swap3A_228 : vector<1x16xf32> to vector<16xf32>
        %swap3A_230 = vector.shape_cast %get3A_225 : vector<16xf32> to vector<1x16xf32>
        tpu.vector_store %arg10[%swap3A_226, %swap3A_227], %swap3A_230 {add = true, strides = array<i32>} : memref<200x64xf32, #tpu.memory_space<vmem>>, vector<1x16xf32>,
        %add3A_231 = arith.constant 0 : i32
        %add3A_232 = arith.addi %mul3A_206, %add3A_231 : i32
        %add3A_233 = arith.constant 0 : i32
        %add3A_234 = arith.addi %mul3A_206, %add3A_233 : i32
        %get3A_235 = arith.index_cast %add3A_234 : i32 to index
        %get3A_236 = arith.constant 32 : index
        %get3A_237 = tpu.vector_load %arg7[%get3A_235, %get3A_236] {strides = array<i32>} : memref<200x64xf32, #tpu.memory_space<vmem>>, vector<1x16xf32>,
        %get3A_238 = vector.shape_cast %get3A_237 : vector<1x16xf32> to vector<16xf32>
        %swap3A_239 = arith.index_cast %add3A_232 : i32 to index
        %swap3A_240 = arith.constant 32 : index
        %swap3A_241 = tpu.vector_load %arg10[%swap3A_239, %swap3A_240] {strides = array<i32>} : memref<200x64xf32, #tpu.memory_space<vmem>>, vector<1x16xf32>,
        %swap3A_242 = vector.shape_cast %swap3A_241 : vector<1x16xf32> to vector<16xf32>
        %swap3A_243 = vector.shape_cast %get3A_238 : vector<16xf32> to vector<1x16xf32>
        tpu.vector_store %arg10[%swap3A_239, %swap3A_240], %swap3A_243 {add = true, strides = array<i32>} : memref<200x64xf32, #tpu.memory_space<vmem>>, vector<1x16xf32>,
        %add3A_244 = arith.constant 0 : i32
        %add3A_245 = arith.addi %mul3A_206, %add3A_244 : i32
        %add3A_246 = arith.constant 0 : i32
        %add3A_247 = arith.addi %mul3A_206, %add3A_246 : i32
        %get3A_248 = arith.index_cast %add3A_247 : i32 to index
        %get3A_249 = arith.constant 48 : index
        %get3A_250 = tpu.vector_load %arg7[%get3A_248, %get3A_249] {strides = array<i32>} : memref<200x64xf32, #tpu.memory_space<vmem>>, vector<1x16xf32>,
        %get3A_251 = vector.shape_cast %get3A_250 : vector<1x16xf32> to vector<16xf32>
        %swap3A_252 = arith.index_cast %add3A_245 : i32 to index
        %swap3A_253 = arith.constant 48 : index
        %swap3A_254 = tpu.vector_load %arg10[%swap3A_252, %swap3A_253] {strides = array<i32>} : memref<200x64xf32, #tpu.memory_space<vmem>>, vector<1x16xf32>,
        %swap3A_255 = vector.shape_cast %swap3A_254 : vector<1x16xf32> to vector<16xf32>
        %swap3A_256 = vector.shape_cast %get3A_251 : vector<16xf32> to vector<1x16xf32>
        tpu.vector_store %arg10[%swap3A_252, %swap3A_253], %swap3A_256 {add = true, strides = array<i32>} : memref<200x64xf32, #tpu.memory_space<vmem>>, vector<1x16xf32>,
        %add3A_257 = arith.constant 1 : i32
        %add3A_258 = arith.addi %mul3A_206, %add3A_257 : i32
        %add3A_259 = arith.constant 1 : i32
        %add3A_260 = arith.addi %mul3A_206, %add3A_259 : i32
        %get3A_261 = arith.index_cast %add3A_260 : i32 to index
        %get3A_262 = arith.constant 0 : index
        %get3A_263 = tpu.vector_load %arg7[%get3A_261, %get3A_262] {strides = array<i32>} : memref<200x64xf32, #tpu.memory_space<vmem>>, vector<1x16xf32>,
        %get3A_264 = vector.shape_cast %get3A_263 : vector<1x16xf32> to vector<16xf32>
        %swap3A_265 = arith.index_cast %add3A_258 : i32 to index
        %swap3A_266 = arith.constant 0 : index
        %swap3A_267 = tpu.vector_load %arg10[%swap3A_265, %swap3A_266] {strides = array<i32>} : memref<200x64xf32, #tpu.memory_space<vmem>>, vector<1x16xf32>,
        %swap3A_268 = vector.shape_cast %swap3A_267 : vector<1x16xf32> to vector<16xf32>
        %swap3A_269 = vector.shape_cast %get3A_264 : vector<16xf32> to vector<1x16xf32>
        tpu.vector_store %arg10[%swap3A_265, %swap3A_266], %swap3A_269 {add = true, strides = array<i32>} : memref<200x64xf32, #tpu.memory_space<vmem>>, vector<1x16xf32>,
        %add3A_270 = arith.constant 1 : i32
        %add3A_271 = arith.addi %mul3A_206, %add3A_270 : i32
        %add3A_272 = arith.constant 1 : i32
        %add3A_273 = arith.addi %mul3A_206, %add3A_272 : i32
        %get3A_274 = arith.index_cast %add3A_273 : i32 to index
        %get3A_275 = arith.constant 16 : index
        %get3A_276 = tpu.vector_load %arg7[%get3A_274, %get3A_275] {strides = array<i32>} : memref<200x64xf32, #tpu.memory_space<vmem>>, vector<1x16xf32>,
        %get3A_277 = vector.shape_cast %get3A_276 : vector<1x16xf32> to vector<16xf32>
        %swap3A_278 = arith.index_cast %add3A_271 : i32 to index
        %swap3A_279 = arith.constant 16 : index
        %swap3A_280 = tpu.vector_load %arg10[%swap3A_278, %swap3A_279] {strides = array<i32>} : memref<200x64xf32, #tpu.memory_space<vmem>>, vector<1x16xf32>,
        %swap3A_281 = vector.shape_cast %swap3A_280 : vector<1x16xf32> to vector<16xf32>
        %swap3A_282 = vector.shape_cast %get3A_277 : vector<16xf32> to vector<1x16xf32>
        tpu.vector_store %arg10[%swap3A_278, %swap3A_279], %swap3A_282 {add = true, strides = array<i32>} : memref<200x64xf32, #tpu.memory_space<vmem>>, vector<1x16xf32>,
        %add3A_283 = arith.constant 1 : i32
        %add3A_284 = arith.addi %mul3A_206, %add3A_283 : i32
        %add3A_285 = arith.constant 1 : i32
        %add3A_286 = arith.addi %mul3A_206, %add3A_285 : i32
        %get3A_287 = arith.index_cast %add3A_286 : i32 to index
        %get3A_288 = arith.constant 32 : index
        %get3A_289 = tpu.vector_load %arg7[%get3A_287, %get3A_288] {strides = array<i32>} : memref<200x64xf32, #tpu.memory_space<vmem>>, vector<1x16xf32>,
        %get3A_290 = vector.shape_cast %get3A_289 : vector<1x16xf32> to vector<16xf32>
        %swap3A_291 = arith.index_cast %add3A_284 : i32 to index
        %swap3A_292 = arith.constant 32 : index
        %swap3A_293 = tpu.vector_load %arg10[%swap3A_291, %swap3A_292] {strides = array<i32>} : memref<200x64xf32, #tpu.memory_space<vmem>>, vector<1x16xf32>,
        %swap3A_294 = vector.shape_cast %swap3A_293 : vector<1x16xf32> to vector<16xf32>
        %swap3A_295 = vector.shape_cast %get3A_290 : vector<16xf32> to vector<1x16xf32>
        tpu.vector_store %arg10[%swap3A_291, %swap3A_292], %swap3A_295 {add = true, strides = array<i32>} : memref<200x64xf32, #tpu.memory_space<vmem>>, vector<1x16xf32>,
        %add3A_296 = arith.constant 1 : i32
        %add3A_297 = arith.addi %mul3A_206, %add3A_296 : i32
        %add3A_298 = arith.constant 1 : i32
        %add3A_299 = arith.addi %mul3A_206, %add3A_298 : i32
        %get3A_300 = arith.index_cast %add3A_299 : i32 to index
        %get3A_301 = arith.constant 48 : index
        %get3A_302 = tpu.vector_load %arg7[%get3A_300, %get3A_301] {strides = array<i32>} : memref<200x64xf32, #tpu.memory_space<vmem>>, vector<1x16xf32>,
        %get3A_303 = vector.shape_cast %get3A_302 : vector<1x16xf32> to vector<16xf32>
        %swap3A_304 = arith.index_cast %add3A_297 : i32 to index
        %swap3A_305 = arith.constant 48 : index
        %swap3A_306 = tpu.vector_load %arg10[%swap3A_304, %swap3A_305] {strides = array<i32>} : memref<200x64xf32, #tpu.memory_space<vmem>>, vector<1x16xf32>,
        %swap3A_307 = vector.shape_cast %swap3A_306 : vector<1x16xf32> to vector<16xf32>
        %swap3A_308 = vector.shape_cast %get3A_303 : vector<16xf32> to vector<1x16xf32>
        tpu.vector_store %arg10[%swap3A_304, %swap3A_305], %swap3A_308 {add = true, strides = array<i32>} : memref<200x64xf32, #tpu.memory_space<vmem>>, vector<1x16xf32>,
        %add3A_309 = arith.constant 2 : i32
        %add3A_310 = arith.addi %mul3A_206, %add3A_309 : i32
        %add3A_311 = arith.constant 2 : i32
        %add3A_312 = arith.addi %mul3A_206, %add3A_311 : i32
        %get3A_313 = arith.index_cast %add3A_312 : i32 to index
        %get3A_314 = arith.constant 0 : index
        %get3A_315 = tpu.vector_load %arg7[%get3A_313, %get3A_314] {strides = array<i32>} : memref<200x64xf32, #tpu.memory_space<vmem>>, vector<1x16xf32>,
        %get3A_316 = vector.shape_cast %get3A_315 : vector<1x16xf32> to vector<16xf32>
        %swap3A_317 = arith.index_cast %add3A_310 : i32 to index
        %swap3A_318 = arith.constant 0 : index
        %swap3A_319 = tpu.vector_load %arg10[%swap3A_317, %swap3A_318] {strides = array<i32>} : memref<200x64xf32, #tpu.memory_space<vmem>>, vector<1x16xf32>,
        %swap3A_320 = vector.shape_cast %swap3A_319 : vector<1x16xf32> to vector<16xf32>
        %swap3A_321 = vector.shape_cast %get3A_316 : vector<16xf32> to vector<1x16xf32>
        tpu.vector_store %arg10[%swap3A_317, %swap3A_318], %swap3A_321 {add = true, strides = array<i32>} : memref<200x64xf32, #tpu.memory_space<vmem>>, vector<1x16xf32>,
        %add3A_322 = arith.constant 2 : i32
        %add3A_323 = arith.addi %mul3A_206, %add3A_322 : i32
        %add3A_324 = arith.constant 2 : i32
        %add3A_325 = arith.addi %mul3A_206, %add3A_324 : i32
        %get3A_326 = arith.index_cast %add3A_325 : i32 to index
        %get3A_327 = arith.constant 16 : index
        %get3A_328 = tpu.vector_load %arg7[%get3A_326, %get3A_327] {strides = array<i32>} : memref<200x64xf32, #tpu.memory_space<vmem>>, vector<1x16xf32>,
        %get3A_329 = vector.shape_cast %get3A_328 : vector<1x16xf32> to vector<16xf32>
        %swap3A_330 = arith.index_cast %add3A_323 : i32 to index
        %swap3A_331 = arith.constant 16 : index
        %swap3A_332 = tpu.vector_load %arg10[%swap3A_330, %swap3A_331] {strides = array<i32>} : memref<200x64xf32, #tpu.memory_space<vmem>>, vector<1x16xf32>,
        %swap3A_333 = vector.shape_cast %swap3A_332 : vector<1x16xf32> to vector<16xf32>
        %swap3A_334 = vector.shape_cast %get3A_329 : vector<16xf32> to vector<1x16xf32>
        tpu.vector_store %arg10[%swap3A_330, %swap3A_331], %swap3A_334 {add = true, strides = array<i32>} : memref<200x64xf32, #tpu.memory_space<vmem>>, vector<1x16xf32>,
        %add3A_335 = arith.constant 2 : i32
        %add3A_336 = arith.addi %mul3A_206, %add3A_335 : i32
        %add3A_337 = arith.constant 2 : i32
        %add3A_338 = arith.addi %mul3A_206, %add3A_337 : i32
        %get3A_339 = arith.index_cast %add3A_338 : i32 to index
        %get3A_340 = arith.constant 32 : index
        %get3A_341 = tpu.vector_load %arg7[%get3A_339, %get3A_340] {strides = array<i32>} : memref<200x64xf32, #tpu.memory_space<vmem>>, vector<1x16xf32>,
        %get3A_342 = vector.shape_cast %get3A_341 : vector<1x16xf32> to vector<16xf32>
        %swap3A_343 = arith.index_cast %add3A_336 : i32 to index
        %swap3A_344 = arith.constant 32 : index
        %swap3A_345 = tpu.vector_load %arg10[%swap3A_343, %swap3A_344] {strides = array<i32>} : memref<200x64xf32, #tpu.memory_space<vmem>>, vector<1x16xf32>,
        %swap3A_346 = vector.shape_cast %swap3A_345 : vector<1x16xf32> to vector<16xf32>
        %swap3A_347 = vector.shape_cast %get3A_342 : vector<16xf32> to vector<1x16xf32>
        tpu.vector_store %arg10[%swap3A_343, %swap3A_344], %swap3A_347 {add = true, strides = array<i32>} : memref<200x64xf32, #tpu.memory_space<vmem>>, vector<1x16xf32>,
        %add3A_348 = arith.constant 2 : i32
        %add3A_349 = arith.addi %mul3A_206, %add3A_348 : i32
        %add3A_350 = arith.constant 2 : i32
        %add3A_351 = arith.addi %mul3A_206, %add3A_350 : i32
        %get3A_352 = arith.index_cast %add3A_351 : i32 to index
        %get3A_353 = arith.constant 48 : index
        %get3A_354 = tpu.vector_load %arg7[%get3A_352, %get3A_353] {strides = array<i32>} : memref<200x64xf32, #tpu.memory_space<vmem>>, vector<1x16xf32>,
        %get3A_355 = vector.shape_cast %get3A_354 : vector<1x16xf32> to vector<16xf32>
        %swap3A_356 = arith.index_cast %add3A_349 : i32 to index
        %swap3A_357 = arith.constant 48 : index
        %swap3A_358 = tpu.vector_load %arg10[%swap3A_356, %swap3A_357] {strides = array<i32>} : memref<200x64xf32, #tpu.memory_space<vmem>>, vector<1x16xf32>,
        %swap3A_359 = vector.shape_cast %swap3A_358 : vector<1x16xf32> to vector<16xf32>
        %swap3A_360 = vector.shape_cast %get3A_355 : vector<16xf32> to vector<1x16xf32>
        tpu.vector_store %arg10[%swap3A_356, %swap3A_357], %swap3A_360 {add = true, strides = array<i32>} : memref<200x64xf32, #tpu.memory_space<vmem>>, vector<1x16xf32>,
        %add3A_361 = arith.constant 3 : i32
        %add3A_362 = arith.addi %mul3A_206, %add3A_361 : i32
        %add3A_363 = arith.constant 3 : i32
        %add3A_364 = arith.addi %mul3A_206, %add3A_363 : i32
        %get3A_365 = arith.index_cast %add3A_364 : i32 to index
        %get3A_366 = arith.constant 0 : index
        %get3A_367 = tpu.vector_load %arg7[%get3A_365, %get3A_366] {strides = array<i32>} : memref<200x64xf32, #tpu.memory_space<vmem>>, vector<1x16xf32>,
        %get3A_368 = vector.shape_cast %get3A_367 : vector<1x16xf32> to vector<16xf32>
        %swap3A_369 = arith.index_cast %add3A_362 : i32 to index
        %swap3A_370 = arith.constant 0 : index
        %swap3A_371 = tpu.vector_load %arg10[%swap3A_369, %swap3A_370] {strides = array<i32>} : memref<200x64xf32, #tpu.memory_space<vmem>>, vector<1x16xf32>,
        %swap3A_372 = vector.shape_cast %swap3A_371 : vector<1x16xf32> to vector<16xf32>
        %swap3A_373 = vector.shape_cast %get3A_368 : vector<16xf32> to vector<1x16xf32>
        tpu.vector_store %arg10[%swap3A_369, %swap3A_370], %swap3A_373 {add = true, strides = array<i32>} : memref<200x64xf32, #tpu.memory_space<vmem>>, vector<1x16xf32>,
        %add3A_374 = arith.constant 3 : i32
        %add3A_375 = arith.addi %mul3A_206, %add3A_374 : i32
        %add3A_376 = arith.constant 3 : i32
        %add3A_377 = arith.addi %mul3A_206, %add3A_376 : i32
        %get3A_378 = arith.index_cast %add3A_377 : i32 to index
        %get3A_379 = arith.constant 16 : index
        %get3A_380 = tpu.vector_load %arg7[%get3A_378, %get3A_379] {strides = array<i32>} : memref<200x64xf32, #tpu.memory_space<vmem>>, vector<1x16xf32>,
        %get3A_381 = vector.shape_cast %get3A_380 : vector<1x16xf32> to vector<16xf32>
        %swap3A_382 = arith.index_cast %add3A_375 : i32 to index
        %swap3A_383 = arith.constant 16 : index
        %swap3A_384 = tpu.vector_load %arg10[%swap3A_382, %swap3A_383] {strides = array<i32>} : memref<200x64xf32, #tpu.memory_space<vmem>>, vector<1x16xf32>,
        %swap3A_385 = vector.shape_cast %swap3A_384 : vector<1x16xf32> to vector<16xf32>
        %swap3A_386 = vector.shape_cast %get3A_381 : vector<16xf32> to vector<1x16xf32>
        tpu.vector_store %arg10[%swap3A_382, %swap3A_383], %swap3A_386 {add = true, strides = array<i32>} : memref<200x64xf32, #tpu.memory_space<vmem>>, vector<1x16xf32>,
        %add3A_387 = arith.constant 3 : i32
        %add3A_388 = arith.addi %mul3A_206, %add3A_387 : i32
        %add3A_389 = arith.constant 3 : i32
        %add3A_390 = arith.addi %mul3A_206, %add3A_389 : i32
        %get3A_391 = arith.index_cast %add3A_390 : i32 to index
        %get3A_392 = arith.constant 32 : index
        %get3A_393 = tpu.vector_load %arg7[%get3A_391, %get3A_392] {strides = array<i32>} : memref<200x64xf32, #tpu.memory_space<vmem>>, vector<1x16xf32>,
        %get3A_394 = vector.shape_cast %get3A_393 : vector<1x16xf32> to vector<16xf32>
        %swap3A_395 = arith.index_cast %add3A_388 : i32 to index
        %swap3A_396 = arith.constant 32 : index
        %swap3A_397 = tpu.vector_load %arg10[%swap3A_395, %swap3A_396] {strides = array<i32>} : memref<200x64xf32, #tpu.memory_space<vmem>>, vector<1x16xf32>,
        %swap3A_398 = vector.shape_cast %swap3A_397 : vector<1x16xf32> to vector<16xf32>
        %swap3A_399 = vector.shape_cast %get3A_394 : vector<16xf32> to vector<1x16xf32>
        tpu.vector_store %arg10[%swap3A_395, %swap3A_396], %swap3A_399 {add = true, strides = array<i32>} : memref<200x64xf32, #tpu.memory_space<vmem>>, vector<1x16xf32>,
        %add3A_400 = arith.constant 3 : i32
        %add3A_401 = arith.addi %mul3A_206, %add3A_400 : i32
        %add3A_402 = arith.constant 3 : i32
        %add3A_403 = arith.addi %mul3A_206, %add3A_402 : i32
        %get3A_404 = arith.index_cast %add3A_403 : i32 to index
        %get3A_405 = arith.constant 48 : index
        %get3A_406 = tpu.vector_load %arg7[%get3A_404, %get3A_405] {strides = array<i32>} : memref<200x64xf32, #tpu.memory_space<vmem>>, vector<1x16xf32>,
        %get3A_407 = vector.shape_cast %get3A_406 : vector<1x16xf32> to vector<16xf32>
        %swap3A_408 = arith.index_cast %add3A_401 : i32 to index
        %swap3A_409 = arith.constant 48 : index
        %swap3A_410 = tpu.vector_load %arg10[%swap3A_408, %swap3A_409] {strides = array<i32>} : memref<200x64xf32, #tpu.memory_space<vmem>>, vector<1x16xf32>,
        %swap3A_411 = vector.shape_cast %swap3A_410 : vector<1x16xf32> to vector<16xf32>
        %swap3A_412 = vector.shape_cast %get3A_407 : vector<16xf32> to vector<1x16xf32>
        tpu.vector_store %arg10[%swap3A_408, %swap3A_409], %swap3A_412 {add = true, strides = array<i32>} : memref<200x64xf32, #tpu.memory_space<vmem>>, vector<1x16xf32>,
        %add3A_413 = arith.constant 4 : i32
        %add3A_414 = arith.addi %mul3A_206, %add3A_413 : i32
        %add3A_415 = arith.constant 4 : i32
        %add3A_416 = arith.addi %mul3A_206, %add3A_415 : i32
        %get3A_417 = arith.index_cast %add3A_416 : i32 to index
        %get3A_418 = arith.constant 0 : index
        %get3A_419 = tpu.vector_load %arg7[%get3A_417, %get3A_418] {strides = array<i32>} : memref<200x64xf32, #tpu.memory_space<vmem>>, vector<1x16xf32>,
        %get3A_420 = vector.shape_cast %get3A_419 : vector<1x16xf32> to vector<16xf32>
        %swap3A_421 = arith.index_cast %add3A_414 : i32 to index
        %swap3A_422 = arith.constant 0 : index
        %swap3A_423 = tpu.vector_load %arg10[%swap3A_421, %swap3A_422] {strides = array<i32>} : memref<200x64xf32, #tpu.memory_space<vmem>>, vector<1x16xf32>,
        %swap3A_424 = vector.shape_cast %swap3A_423 : vector<1x16xf32> to vector<16xf32>
        %swap3A_425 = vector.shape_cast %get3A_420 : vector<16xf32> to vector<1x16xf32>
        tpu.vector_store %arg10[%swap3A_421, %swap3A_422], %swap3A_425 {add = true, strides = array<i32>} : memref<200x64xf32, #tpu.memory_space<vmem>>, vector<1x16xf32>,
        %add3A_426 = arith.constant 4 : i32
        %add3A_427 = arith.addi %mul3A_206, %add3A_426 : i32
        %add3A_428 = arith.constant 4 : i32
        %add3A_429 = arith.addi %mul3A_206, %add3A_428 : i32
        %get3A_430 = arith.index_cast %add3A_429 : i32 to index
        %get3A_431 = arith.constant 16 : index
        %get3A_432 = tpu.vector_load %arg7[%get3A_430, %get3A_431] {strides = array<i32>} : memref<200x64xf32, #tpu.memory_space<vmem>>, vector<1x16xf32>,
        %get3A_433 = vector.shape_cast %get3A_432 : vector<1x16xf32> to vector<16xf32>
        %swap3A_434 = arith.index_cast %add3A_427 : i32 to index
        %swap3A_435 = arith.constant 16 : index
        %swap3A_436 = tpu.vector_load %arg10[%swap3A_434, %swap3A_435] {strides = array<i32>} : memref<200x64xf32, #tpu.memory_space<vmem>>, vector<1x16xf32>,
        %swap3A_437 = vector.shape_cast %swap3A_436 : vector<1x16xf32> to vector<16xf32>
        %swap3A_438 = vector.shape_cast %get3A_433 : vector<16xf32> to vector<1x16xf32>
        tpu.vector_store %arg10[%swap3A_434, %swap3A_435], %swap3A_438 {add = true, strides = array<i32>} : memref<200x64xf32, #tpu.memory_space<vmem>>, vector<1x16xf32>,
        %add3A_439 = arith.constant 4 : i32
        %add3A_440 = arith.addi %mul3A_206, %add3A_439 : i32
        %add3A_441 = arith.constant 4 : i32
        %add3A_442 = arith.addi %mul3A_206, %add3A_441 : i32
        %get3A_443 = arith.index_cast %add3A_442 : i32 to index
        %get3A_444 = arith.constant 32 : index
        %get3A_445 = tpu.vector_load %arg7[%get3A_443, %get3A_444] {strides = array<i32>} : memref<200x64xf32, #tpu.memory_space<vmem>>, vector<1x16xf32>,
        %get3A_446 = vector.shape_cast %get3A_445 : vector<1x16xf32> to vector<16xf32>
        %swap3A_447 = arith.index_cast %add3A_440 : i32 to index
        %swap3A_448 = arith.constant 32 : index
        %swap3A_449 = tpu.vector_load %arg10[%swap3A_447, %swap3A_448] {strides = array<i32>} : memref<200x64xf32, #tpu.memory_space<vmem>>, vector<1x16xf32>,
        %swap3A_450 = vector.shape_cast %swap3A_449 : vector<1x16xf32> to vector<16xf32>
        %swap3A_451 = vector.shape_cast %get3A_446 : vector<16xf32> to vector<1x16xf32>
        tpu.vector_store %arg10[%swap3A_447, %swap3A_448], %swap3A_451 {add = true, strides = array<i32>} : memref<200x64xf32, #tpu.memory_space<vmem>>, vector<1x16xf32>,
        %add3A_452 = arith.constant 4 : i32
        %add3A_453 = arith.addi %mul3A_206, %add3A_452 : i32
        %add3A_454 = arith.constant 4 : i32
        %add3A_455 = arith.addi %mul3A_206, %add3A_454 : i32
        %get3A_456 = arith.index_cast %add3A_455 : i32 to index
        %get3A_457 = arith.constant 48 : index
        %get3A_458 = tpu.vector_load %arg7[%get3A_456, %get3A_457] {strides = array<i32>} : memref<200x64xf32, #tpu.memory_space<vmem>>, vector<1x16xf32>,
        %get3A_459 = vector.shape_cast %get3A_458 : vector<1x16xf32> to vector<16xf32>
        %swap3A_460 = arith.index_cast %add3A_453 : i32 to index
        %swap3A_461 = arith.constant 48 : index
        %swap3A_462 = tpu.vector_load %arg10[%swap3A_460, %swap3A_461] {strides = array<i32>} : memref<200x64xf32, #tpu.memory_space<vmem>>, vector<1x16xf32>,
        %swap3A_463 = vector.shape_cast %swap3A_462 : vector<1x16xf32> to vector<16xf32>
        %swap3A_464 = vector.shape_cast %get3A_459 : vector<16xf32> to vector<1x16xf32>
        tpu.vector_store %arg10[%swap3A_460, %swap3A_461], %swap3A_464 {add = true, strides = array<i32>} : memref<200x64xf32, #tpu.memory_space<vmem>>, vector<1x16xf32>,
        %add3A_465 = arith.constant 5 : i32
        %add3A_466 = arith.addi %mul3A_206, %add3A_465 : i32
        %add3A_467 = arith.constant 5 : i32
        %add3A_468 = arith.addi %mul3A_206, %add3A_467 : i32
        %get3A_469 = arith.index_cast %add3A_468 : i32 to index
        %get3A_470 = arith.constant 0 : index
        %get3A_471 = tpu.vector_load %arg7[%get3A_469, %get3A_470] {strides = array<i32>} : memref<200x64xf32, #tpu.memory_space<vmem>>, vector<1x16xf32>,
        %get3A_472 = vector.shape_cast %get3A_471 : vector<1x16xf32> to vector<16xf32>
        %swap3A_473 = arith.index_cast %add3A_466 : i32 to index
        %swap3A_474 = arith.constant 0 : index
        %swap3A_475 = tpu.vector_load %arg10[%swap3A_473, %swap3A_474] {strides = array<i32>} : memref<200x64xf32, #tpu.memory_space<vmem>>, vector<1x16xf32>,
        %swap3A_476 = vector.shape_cast %swap3A_475 : vector<1x16xf32> to vector<16xf32>
        %swap3A_477 = vector.shape_cast %get3A_472 : vector<16xf32> to vector<1x16xf32>
        tpu.vector_store %arg10[%swap3A_473, %swap3A_474], %swap3A_477 {add = true, strides = array<i32>} : memref<200x64xf32, #tpu.memory_space<vmem>>, vector<1x16xf32>,
        %add3A_478 = arith.constant 5 : i32
        %add3A_479 = arith.addi %mul3A_206, %add3A_478 : i32
        %add3A_480 = arith.constant 5 : i32
        %add3A_481 = arith.addi %mul3A_206, %add3A_480 : i32
        %get3A_482 = arith.index_cast %add3A_481 : i32 to index
        %get3A_483 = arith.constant 16 : index
        %get3A_484 = tpu.vector_load %arg7[%get3A_482, %get3A_483] {strides = array<i32>} : memref<200x64xf32, #tpu.memory_space<vmem>>, vector<1x16xf32>,
        %get3A_485 = vector.shape_cast %get3A_484 : vector<1x16xf32> to vector<16xf32>
        %swap3A_486 = arith.index_cast %add3A_479 : i32 to index
        %swap3A_487 = arith.constant 16 : index
        %swap3A_488 = tpu.vector_load %arg10[%swap3A_486, %swap3A_487] {strides = array<i32>} : memref<200x64xf32, #tpu.memory_space<vmem>>, vector<1x16xf32>,
        %swap3A_489 = vector.shape_cast %swap3A_488 : vector<1x16xf32> to vector<16xf32>
        %swap3A_490 = vector.shape_cast %get3A_485 : vector<16xf32> to vector<1x16xf32>
        tpu.vector_store %arg10[%swap3A_486, %swap3A_487], %swap3A_490 {add = true, strides = array<i32>} : memref<200x64xf32, #tpu.memory_space<vmem>>, vector<1x16xf32>,
        %add3A_491 = arith.constant 5 : i32
        %add3A_492 = arith.addi %mul3A_206, %add3A_491 : i32
        %add3A_493 = arith.constant 5 : i32
        %add3A_494 = arith.addi %mul3A_206, %add3A_493 : i32
        %get3A_495 = arith.index_cast %add3A_494 : i32 to index
        %get3A_496 = arith.constant 32 : index
        %get3A_497 = tpu.vector_load %arg7[%get3A_495, %get3A_496] {strides = array<i32>} : memref<200x64xf32, #tpu.memory_space<vmem>>, vector<1x16xf32>,
        %get3A_498 = vector.shape_cast %get3A_497 : vector<1x16xf32> to vector<16xf32>
        %swap3A_499 = arith.index_cast %add3A_492 : i32 to index
        %swap3A_500 = arith.constant 32 : index
        %swap3A_501 = tpu.vector_load %arg10[%swap3A_499, %swap3A_500] {strides = array<i32>} : memref<200x64xf32, #tpu.memory_space<vmem>>, vector<1x16xf32>,
        %swap3A_502 = vector.shape_cast %swap3A_501 : vector<1x16xf32> to vector<16xf32>
        %swap3A_503 = vector.shape_cast %get3A_498 : vector<16xf32> to vector<1x16xf32>
        tpu.vector_store %arg10[%swap3A_499, %swap3A_500], %swap3A_503 {add = true, strides = array<i32>} : memref<200x64xf32, #tpu.memory_space<vmem>>, vector<1x16xf32>,
        %add3A_504 = arith.constant 5 : i32
        %add3A_505 = arith.addi %mul3A_206, %add3A_504 : i32
        %add3A_506 = arith.constant 5 : i32
        %add3A_507 = arith.addi %mul3A_206, %add3A_506 : i32
        %get3A_508 = arith.index_cast %add3A_507 : i32 to index
        %get3A_509 = arith.constant 48 : index
        %get3A_510 = tpu.vector_load %arg7[%get3A_508, %get3A_509] {strides = array<i32>} : memref<200x64xf32, #tpu.memory_space<vmem>>, vector<1x16xf32>,
        %get3A_511 = vector.shape_cast %get3A_510 : vector<1x16xf32> to vector<16xf32>
        %swap3A_512 = arith.index_cast %add3A_505 : i32 to index
        %swap3A_513 = arith.constant 48 : index
        %swap3A_514 = tpu.vector_load %arg10[%swap3A_512, %swap3A_513] {strides = array<i32>} : memref<200x64xf32, #tpu.memory_space<vmem>>, vector<1x16xf32>,
        %swap3A_515 = vector.shape_cast %swap3A_514 : vector<1x16xf32> to vector<16xf32>
        %swap3A_516 = vector.shape_cast %get3A_511 : vector<16xf32> to vector<1x16xf32>
        tpu.vector_store %arg10[%swap3A_512, %swap3A_513], %swap3A_516 {add = true, strides = array<i32>} : memref<200x64xf32, #tpu.memory_space<vmem>>, vector<1x16xf32>,
        %add3A_517 = arith.constant 6 : i32
        %add3A_518 = arith.addi %mul3A_206, %add3A_517 : i32
        %add3A_519 = arith.constant 6 : i32
        %add3A_520 = arith.addi %mul3A_206, %add3A_519 : i32
        %get3A_521 = arith.index_cast %add3A_520 : i32 to index
        %get3A_522 = arith.constant 0 : index
        %get3A_523 = tpu.vector_load %arg7[%get3A_521, %get3A_522] {strides = array<i32>} : memref<200x64xf32, #tpu.memory_space<vmem>>, vector<1x16xf32>,
        %get3A_524 = vector.shape_cast %get3A_523 : vector<1x16xf32> to vector<16xf32>
        %swap3A_525 = arith.index_cast %add3A_518 : i32 to index
        %swap3A_526 = arith.constant 0 : index
        %swap3A_527 = tpu.vector_load %arg10[%swap3A_525, %swap3A_526] {strides = array<i32>} : memref<200x64xf32, #tpu.memory_space<vmem>>, vector<1x16xf32>,
        %swap3A_528 = vector.shape_cast %swap3A_527 : vector<1x16xf32> to vector<16xf32>
        %swap3A_529 = vector.shape_cast %get3A_524 : vector<16xf32> to vector<1x16xf32>
        tpu.vector_store %arg10[%swap3A_525, %swap3A_526], %swap3A_529 {add = true, strides = array<i32>} : memref<200x64xf32, #tpu.memory_space<vmem>>, vector<1x16xf32>,
        %add3A_530 = arith.constant 6 : i32
        %add3A_531 = arith.addi %mul3A_206, %add3A_530 : i32
        %add3A_532 = arith.constant 6 : i32
        %add3A_533 = arith.addi %mul3A_206, %add3A_532 : i32
        %get3A_534 = arith.index_cast %add3A_533 : i32 to index
        %get3A_535 = arith.constant 16 : index
        %get3A_536 = tpu.vector_load %arg7[%get3A_534, %get3A_535] {strides = array<i32>} : memref<200x64xf32, #tpu.memory_space<vmem>>, vector<1x16xf32>,
        %get3A_537 = vector.shape_cast %get3A_536 : vector<1x16xf32> to vector<16xf32>
        %swap3A_538 = arith.index_cast %add3A_531 : i32 to index
        %swap3A_539 = arith.constant 16 : index
        %swap3A_540 = tpu.vector_load %arg10[%swap3A_538, %swap3A_539] {strides = array<i32>} : memref<200x64xf32, #tpu.memory_space<vmem>>, vector<1x16xf32>,
        %swap3A_541 = vector.shape_cast %swap3A_540 : vector<1x16xf32> to vector<16xf32>
        %swap3A_542 = vector.shape_cast %get3A_537 : vector<16xf32> to vector<1x16xf32>
        tpu.vector_store %arg10[%swap3A_538, %swap3A_539], %swap3A_542 {add = true, strides = array<i32>} : memref<200x64xf32, #tpu.memory_space<vmem>>, vector<1x16xf32>,
        %add3A_543 = arith.constant 6 : i32
        %add3A_544 = arith.addi %mul3A_206, %add3A_543 : i32
        %add3A_545 = arith.constant 6 : i32
        %add3A_546 = arith.addi %mul3A_206, %add3A_545 : i32
        %get3A_547 = arith.index_cast %add3A_546 : i32 to index
        %get3A_548 = arith.constant 32 : index
        %get3A_549 = tpu.vector_load %arg7[%get3A_547, %get3A_548] {strides = array<i32>} : memref<200x64xf32, #tpu.memory_space<vmem>>, vector<1x16xf32>,
        %get3A_550 = vector.shape_cast %get3A_549 : vector<1x16xf32> to vector<16xf32>
        %swap3A_551 = arith.index_cast %add3A_544 : i32 to index
        %swap3A_552 = arith.constant 32 : index
        %swap3A_553 = tpu.vector_load %arg10[%swap3A_551, %swap3A_552] {strides = array<i32>} : memref<200x64xf32, #tpu.memory_space<vmem>>, vector<1x16xf32>,
        %swap3A_554 = vector.shape_cast %swap3A_553 : vector<1x16xf32> to vector<16xf32>
        %swap3A_555 = vector.shape_cast %get3A_550 : vector<16xf32> to vector<1x16xf32>
        tpu.vector_store %arg10[%swap3A_551, %swap3A_552], %swap3A_555 {add = true, strides = array<i32>} : memref<200x64xf32, #tpu.memory_space<vmem>>, vector<1x16xf32>,
        %add3A_556 = arith.constant 6 : i32
        %add3A_557 = arith.addi %mul3A_206, %add3A_556 : i32
        %add3A_558 = arith.constant 6 : i32
        %add3A_559 = arith.addi %mul3A_206, %add3A_558 : i32
        %get3A_560 = arith.index_cast %add3A_559 : i32 to index
        %get3A_561 = arith.constant 48 : index
        %get3A_562 = tpu.vector_load %arg7[%get3A_560, %get3A_561] {strides = array<i32>} : memref<200x64xf32, #tpu.memory_space<vmem>>, vector<1x16xf32>,
        %get3A_563 = vector.shape_cast %get3A_562 : vector<1x16xf32> to vector<16xf32>
        %swap3A_564 = arith.index_cast %add3A_557 : i32 to index
        %swap3A_565 = arith.constant 48 : index
        %swap3A_566 = tpu.vector_load %arg10[%swap3A_564, %swap3A_565] {strides = array<i32>} : memref<200x64xf32, #tpu.memory_space<vmem>>, vector<1x16xf32>,
        %swap3A_567 = vector.shape_cast %swap3A_566 : vector<1x16xf32> to vector<16xf32>
        %swap3A_568 = vector.shape_cast %get3A_563 : vector<16xf32> to vector<1x16xf32>
        tpu.vector_store %arg10[%swap3A_564, %swap3A_565], %swap3A_568 {add = true, strides = array<i32>} : memref<200x64xf32, #tpu.memory_space<vmem>>, vector<1x16xf32>,
        %add3A_569 = arith.constant 7 : i32
        %add3A_570 = arith.addi %mul3A_206, %add3A_569 : i32
        %add3A_571 = arith.constant 7 : i32
        %add3A_572 = arith.addi %mul3A_206, %add3A_571 : i32
        %get3A_573 = arith.index_cast %add3A_572 : i32 to index
        %get3A_574 = arith.constant 0 : index
        %get3A_575 = tpu.vector_load %arg7[%get3A_573, %get3A_574] {strides = array<i32>} : memref<200x64xf32, #tpu.memory_space<vmem>>, vector<1x16xf32>,
        %get3A_576 = vector.shape_cast %get3A_575 : vector<1x16xf32> to vector<16xf32>
        %swap3A_577 = arith.index_cast %add3A_570 : i32 to index
        %swap3A_578 = arith.constant 0 : index
        %swap3A_579 = tpu.vector_load %arg10[%swap3A_577, %swap3A_578] {strides = array<i32>} : memref<200x64xf32, #tpu.memory_space<vmem>>, vector<1x16xf32>,
        %swap3A_580 = vector.shape_cast %swap3A_579 : vector<1x16xf32> to vector<16xf32>
        %swap3A_581 = vector.shape_cast %get3A_576 : vector<16xf32> to vector<1x16xf32>
        tpu.vector_store %arg10[%swap3A_577, %swap3A_578], %swap3A_581 {add = true, strides = array<i32>} : memref<200x64xf32, #tpu.memory_space<vmem>>, vector<1x16xf32>,
        %add3A_582 = arith.constant 7 : i32
        %add3A_583 = arith.addi %mul3A_206, %add3A_582 : i32
        %add3A_584 = arith.constant 7 : i32
        %add3A_585 = arith.addi %mul3A_206, %add3A_584 : i32
        %get3A_586 = arith.index_cast %add3A_585 : i32 to index
        %get3A_587 = arith.constant 16 : index
        %get3A_588 = tpu.vector_load %arg7[%get3A_586, %get3A_587] {strides = array<i32>} : memref<200x64xf32, #tpu.memory_space<vmem>>, vector<1x16xf32>,
        %get3A_589 = vector.shape_cast %get3A_588 : vector<1x16xf32> to vector<16xf32>
        %swap3A_590 = arith.index_cast %add3A_583 : i32 to index
        %swap3A_591 = arith.constant 16 : index
        %swap3A_592 = tpu.vector_load %arg10[%swap3A_590, %swap3A_591] {strides = array<i32>} : memref<200x64xf32, #tpu.memory_space<vmem>>, vector<1x16xf32>,
        %swap3A_593 = vector.shape_cast %swap3A_592 : vector<1x16xf32> to vector<16xf32>
        %swap3A_594 = vector.shape_cast %get3A_589 : vector<16xf32> to vector<1x16xf32>
        tpu.vector_store %arg10[%swap3A_590, %swap3A_591], %swap3A_594 {add = true, strides = array<i32>} : memref<200x64xf32, #tpu.memory_space<vmem>>, vector<1x16xf32>,
        %add3A_595 = arith.constant 7 : i32
        %add3A_596 = arith.addi %mul3A_206, %add3A_595 : i32
        %add3A_597 = arith.constant 7 : i32
        %add3A_598 = arith.addi %mul3A_206, %add3A_597 : i32
        %get3A_599 = arith.index_cast %add3A_598 : i32 to index
        %get3A_600 = arith.constant 32 : index
        %get3A_601 = tpu.vector_load %arg7[%get3A_599, %get3A_600] {strides = array<i32>} : memref<200x64xf32, #tpu.memory_space<vmem>>, vector<1x16xf32>,
        %get3A_602 = vector.shape_cast %get3A_601 : vector<1x16xf32> to vector<16xf32>
        %swap3A_603 = arith.index_cast %add3A_596 : i32 to index
        %swap3A_604 = arith.constant 32 : index
        %swap3A_605 = tpu.vector_load %arg10[%swap3A_603, %swap3A_604] {strides = array<i32>} : memref<200x64xf32, #tpu.memory_space<vmem>>, vector<1x16xf32>,
        %swap3A_606 = vector.shape_cast %swap3A_605 : vector<1x16xf32> to vector<16xf32>
        %swap3A_607 = vector.shape_cast %get3A_602 : vector<16xf32> to vector<1x16xf32>
        tpu.vector_store %arg10[%swap3A_603, %swap3A_604], %swap3A_607 {add = true, strides = array<i32>} : memref<200x64xf32, #tpu.memory_space<vmem>>, vector<1x16xf32>,
        %add3A_608 = arith.constant 7 : i32
        %add3A_609 = arith.addi %mul3A_206, %add3A_608 : i32
        %add3A_610 = arith.constant 7 : i32
        %add3A_611 = arith.addi %mul3A_206, %add3A_610 : i32
        %get3A_612 = arith.index_cast %add3A_611 : i32 to index
        %get3A_613 = arith.constant 48 : index
        %get3A_614 = tpu.vector_load %arg7[%get3A_612, %get3A_613] {strides = array<i32>} : memref<200x64xf32, #tpu.memory_space<vmem>>, vector<1x16xf32>,
        %get3A_615 = vector.shape_cast %get3A_614 : vector<1x16xf32> to vector<16xf32>
        %swap3A_616 = arith.index_cast %add3A_609 : i32 to index
        %swap3A_617 = arith.constant 48 : index
        %swap3A_618 = tpu.vector_load %arg10[%swap3A_616, %swap3A_617] {strides = array<i32>} : memref<200x64xf32, #tpu.memory_space<vmem>>, vector<1x16xf32>,
        %swap3A_619 = vector.shape_cast %swap3A_618 : vector<1x16xf32> to vector<16xf32>
        %swap3A_620 = vector.shape_cast %get3A_615 : vector<16xf32> to vector<1x16xf32>
        tpu.vector_store %arg10[%swap3A_616, %swap3A_617], %swap3A_620 {add = true, strides = array<i32>} : memref<200x64xf32, #tpu.memory_space<vmem>>, vector<1x16xf32>,
      }
      %scan3A_158 = arith.constant 25 : i32
      %mul3A_159 = arith.constant 200 : i32
      %mul3A_160 = arith.muli %add3A_146, %mul3A_159 : i32
      %add3A_161 = arith.addi %mul3A_2, %mul3A_160 : i32
      %dma_start3A_162 = arith.constant 0 : i32
      %dma_start3A_163 = tpu.memref_slice %arg5[%add3A_161, %dma_start3A_162] : memref<819200x128xf32, #tpu.memory_space<hbm>> -> memref<200x64xf32, #tpu.memory_space<hbm>>
      %dma_start3A_164 = arith.constant 0 : i32
      %dma_start3A_165 = tpu.memref_slice %arg5[%add3A_161, %dma_start3A_164] : memref<819200x128xf32, #tpu.memory_space<hbm>> -> memref<200x64xf32, #tpu.memory_space<hbm>>
      tpu.enqueue_dma source(%arg10 : memref<200x64xf32, #tpu.memory_space<vmem>>) target(%dma_start3A_165 : memref<200x64xf32, #tpu.memory_space<hbm>>) target_semaphore(%arg18 : memref<!tpu.dma_semaphore, #tpu.memory_space<semaphore_mem>>)
      %lt3A_166 = arith.constant 31 : i32
      %lt3A_167 = arith.cmpi slt, %scan3A_94, %lt3A_166 : i32
      %convert_element_type3A_168 = arith.extui %lt3A_167 : i1 to i32
      %cond3A_169 = arith.constant 0 : i32
      %cond3A_170 = arith.cmpi ne, %convert_element_type3A_168, %cond3A_169 : i32
      scf.if %cond3A_170 {
        %dma_wait3A_204 = arith.constant 0 : i32
        %dma_wait3A_205 = arith.constant 0 : i32
        %dma_wait3A_206 = tpu.memref_slice %arg5[%dma_wait3A_204, %dma_wait3A_205] : memref<819200x128xf32, #tpu.memory_space<hbm>> -> memref<200x64xf32, #tpu.memory_space<hbm>>
        %dma_wait3A_207 = arith.constant 0 : i32
        %dma_wait3A_208 = arith.constant 0 : i32
        %dma_wait3A_209 = tpu.memref_slice %arg5[%dma_wait3A_207, %dma_wait3A_208] : memref<819200x128xf32, #tpu.memory_space<hbm>> -> memref<200x64xf32, #tpu.memory_space<hbm>>
        tpu.wait_dma2 semaphore(%arg17 : memref<!tpu.dma_semaphore, #tpu.memory_space<semaphore_mem>>) src(%arg9 : memref<200x64xf32, #tpu.memory_space<vmem>>) dst(%dma_wait3A_209 : memref<200x64xf32, #tpu.memory_space<hbm>>)
        %mul3A_210 = arith.constant 4 : i32
        %mul3A_211 = arith.muli %scan3A_94, %mul3A_210 : i32
        %add3A_212 = arith.constant 4 : i32
        %add3A_213 = arith.addi %mul3A_211, %add3A_212 : i32
        %add3A_214 = arith.constant 1 : i32
        %add3A_215 = arith.addi %add3A_213, %add3A_214 : i32
        %mul3A_216 = arith.constant 200 : i32
        %mul3A_217 = arith.muli %add3A_215, %mul3A_216 : i32
        %dma_start3A_218 = arith.constant 0 : i32
        %dma_start3A_219 = arith.constant 0 : i32
        %dma_start3A_220 = tpu.memref_slice %arg9[%dma_start3A_218, %dma_start3A_219] : memref<200x64xf32, #tpu.memory_space<vmem>> -> memref<128x64xf32, #tpu.memory_space<vmem>>
        %dma_start3A_221 = tpu.memref_slice %arg6[%mul3A_217] : memref<25600xi32, #tpu.memory_space<vmem>> -> memref<128xi32, #tpu.memory_space<vmem>>
        %dma_start3A_222 = arith.constant 0 : i32
        %dma_start3A_223 = arith.constant 0 : i32
        %dma_start3A_224 = tpu.memref_slice %arg3[%dma_start3A_222, %dma_start3A_223] : memref<1000000x64xf32, #tpu.memory_space<hbm>> -> memref<1000000x64xf32, #tpu.memory_space<hbm>>
        tpu.enqueue_indirect_dma source(%dma_start3A_224 : memref<1000000x64xf32, #tpu.memory_space<hbm>>) target(%dma_start3A_220 : memref<128x64xf32, #tpu.memory_space<vmem>>) offsets(%dma_start3A_221 : memref<128xi32, #tpu.memory_space<vmem>>) semaphore(%arg13 : memref<!tpu.dma_semaphore, #tpu.memory_space<semaphore_mem>>)
        %add3A_225 = arith.constant 128 : i32
        %add3A_226 = arith.addi %mul3A_217, %add3A_225 : i32
        %dma_start3A_227 = arith.constant 128 : i32
        %dma_start3A_228 = arith.constant 0 : i32
        %dma_start3A_229 = tpu.memref_slice %arg9[%dma_start3A_227, %dma_start3A_228] : memref<200x64xf32, #tpu.memory_space<vmem>> -> memref<72x64xf32, #tpu.memory_space<vmem>>
        %dma_start3A_230 = tpu.memref_slice %arg6[%add3A_226] : memref<25600xi32, #tpu.memory_space<vmem>> -> memref<72xi32, #tpu.memory_space<vmem>>
        %dma_start3A_231 = arith.constant 0 : i32
        %dma_start3A_232 = arith.constant 0 : i32
        %dma_start3A_233 = tpu.memref_slice %arg3[%dma_start3A_231, %dma_start3A_232] : memref<1000000x64xf32, #tpu.memory_space<hbm>> -> memref<1000000x64xf32, #tpu.memory_space<hbm>>
        tpu.enqueue_indirect_dma source(%dma_start3A_233 : memref<1000000x64xf32, #tpu.memory_space<hbm>>) target(%dma_start3A_229 : memref<72x64xf32, #tpu.memory_space<vmem>>) offsets(%dma_start3A_230 : memref<72xi32, #tpu.memory_space<vmem>>) semaphore(%arg13 : memref<!tpu.dma_semaphore, #tpu.memory_space<semaphore_mem>>)
      } else {
      }
      %mul3A_171 = arith.constant 4 : i32
      %mul3A_172 = arith.muli %scan3A_94, %mul3A_171 : i32
      %add3A_173 = arith.constant 3 : i32
      %add3A_174 = arith.addi %mul3A_172, %add3A_173 : i32
      %dma_wait3A_175 = arith.constant 0 : i32
      %dma_wait3A_176 = arith.constant 0 : i32
      %dma_wait3A_177 = tpu.memref_slice %arg3[%dma_wait3A_175, %dma_wait3A_176] : memref<1000000x64xf32, #tpu.memory_space<hbm>> -> memref<200x64xf32, #tpu.memory_space<hbm>>
      %dma_wait3A_178 = arith.constant 0 : i32
      %dma_wait3A_179 = arith.constant 0 : i32
      %dma_wait3A_180 = tpu.memref_slice %arg3[%dma_wait3A_178, %dma_wait3A_179] : memref<1000000x64xf32, #tpu.memory_space<hbm>> -> memref<200x64xf32, #tpu.memory_space<hbm>>
      tpu.wait_dma2 semaphore(%arg15 : memref<!tpu.dma_semaphore, #tpu.memory_space<semaphore_mem>>) src(%dma_wait3A_180 : memref<200x64xf32, #tpu.memory_space<hbm>>) dst(%arg11 : memref<200x64xf32, #tpu.memory_space<vmem>>)
      %scan3A_181 = arith.constant 0 : i32
      %scan3A_182 = arith.constant 0 : i32
      %scan3A_183 = arith.constant 25 : i32
      %scan3A_184 = arith.addi %scan3A_182, %scan3A_183 : i32
      %scan3A_185 = arith.constant 1 : i32
      scf.for %scan3A_204 = %scan3A_182 to %scan3A_184 step %scan3A_185  : i32 {
        %mul3A_205 = arith.constant 8 : i32
        %mul3A_206 = arith.muli %scan3A_204, %mul3A_205 : i32
        %add3A_207 = arith.constant 0 : i32
        %add3A_208 = arith.addi %mul3A_206, %add3A_207 : i32
        %add3A_209 = arith.constant 0 : i32
        %add3A_210 = arith.addi %mul3A_206, %add3A_209 : i32
        %get3A = arith.index_cast %add3A_210 : i32 to index
        %get3A_211 = arith.constant 0 : index
        %get3A_212 = tpu.vector_load %arg7[%get3A, %get3A_211] {strides = array<i32>} : memref<200x64xf32, #tpu.memory_space<vmem>>, vector<1x16xf32>,
        %get3A_213 = vector.shape_cast %get3A_212 : vector<1x16xf32> to vector<16xf32>
        %swap3A = arith.index_cast %add3A_208 : i32 to index
        %swap3A_214 = arith.constant 0 : index
        %swap3A_215 = tpu.vector_load %arg11[%swap3A, %swap3A_214] {strides = array<i32>} : memref<200x64xf32, #tpu.memory_space<vmem>>, vector<1x16xf32>,
        %swap3A_216 = vector.shape_cast %swap3A_215 : vector<1x16xf32> to vector<16xf32>
        %swap3A_217 = vector.shape_cast %get3A_213 : vector<16xf32> to vector<1x16xf32>
        tpu.vector_store %arg11[%swap3A, %swap3A_214], %swap3A_217 {add = true, strides = array<i32>} : memref<200x64xf32, #tpu.memory_space<vmem>>, vector<1x16xf32>,
        %add3A_218 = arith.constant 0 : i32
        %add3A_219 = arith.addi %mul3A_206, %add3A_218 : i32
        %add3A_220 = arith.constant 0 : i32
        %add3A_221 = arith.addi %mul3A_206, %add3A_220 : i32
        %get3A_222 = arith.index_cast %add3A_221 : i32 to index
        %get3A_223 = arith.constant 16 : index
        %get3A_224 = tpu.vector_load %arg7[%get3A_222, %get3A_223] {strides = array<i32>} : memref<200x64xf32, #tpu.memory_space<vmem>>, vector<1x16xf32>,
        %get3A_225 = vector.shape_cast %get3A_224 : vector<1x16xf32> to vector<16xf32>
        %swap3A_226 = arith.index_cast %add3A_219 : i32 to index
        %swap3A_227 = arith.constant 16 : index
        %swap3A_228 = tpu.vector_load %arg11[%swap3A_226, %swap3A_227] {strides = array<i32>} : memref<200x64xf32, #tpu.memory_space<vmem>>, vector<1x16xf32>,
        %swap3A_229 = vector.shape_cast %swap3A_228 : vector<1x16xf32> to vector<16xf32>
        %swap3A_230 = vector.shape_cast %get3A_225 : vector<16xf32> to vector<1x16xf32>
        tpu.vector_store %arg11[%swap3A_226, %swap3A_227], %swap3A_230 {add = true, strides = array<i32>} : memref<200x64xf32, #tpu.memory_space<vmem>>, vector<1x16xf32>,
        %add3A_231 = arith.constant 0 : i32
        %add3A_232 = arith.addi %mul3A_206, %add3A_231 : i32
        %add3A_233 = arith.constant 0 : i32
        %add3A_234 = arith.addi %mul3A_206, %add3A_233 : i32
        %get3A_235 = arith.index_cast %add3A_234 : i32 to index
        %get3A_236 = arith.constant 32 : index
        %get3A_237 = tpu.vector_load %arg7[%get3A_235, %get3A_236] {strides = array<i32>} : memref<200x64xf32, #tpu.memory_space<vmem>>, vector<1x16xf32>,
        %get3A_238 = vector.shape_cast %get3A_237 : vector<1x16xf32> to vector<16xf32>
        %swap3A_239 = arith.index_cast %add3A_232 : i32 to index
        %swap3A_240 = arith.constant 32 : index
        %swap3A_241 = tpu.vector_load %arg11[%swap3A_239, %swap3A_240] {strides = array<i32>} : memref<200x64xf32, #tpu.memory_space<vmem>>, vector<1x16xf32>,
        %swap3A_242 = vector.shape_cast %swap3A_241 : vector<1x16xf32> to vector<16xf32>
        %swap3A_243 = vector.shape_cast %get3A_238 : vector<16xf32> to vector<1x16xf32>
        tpu.vector_store %arg11[%swap3A_239, %swap3A_240], %swap3A_243 {add = true, strides = array<i32>} : memref<200x64xf32, #tpu.memory_space<vmem>>, vector<1x16xf32>,
        %add3A_244 = arith.constant 0 : i32
        %add3A_245 = arith.addi %mul3A_206, %add3A_244 : i32
        %add3A_246 = arith.constant 0 : i32
        %add3A_247 = arith.addi %mul3A_206, %add3A_246 : i32
        %get3A_248 = arith.index_cast %add3A_247 : i32 to index
        %get3A_249 = arith.constant 48 : index
        %get3A_250 = tpu.vector_load %arg7[%get3A_248, %get3A_249] {strides = array<i32>} : memref<200x64xf32, #tpu.memory_space<vmem>>, vector<1x16xf32>,
        %get3A_251 = vector.shape_cast %get3A_250 : vector<1x16xf32> to vector<16xf32>
        %swap3A_252 = arith.index_cast %add3A_245 : i32 to index
        %swap3A_253 = arith.constant 48 : index
        %swap3A_254 = tpu.vector_load %arg11[%swap3A_252, %swap3A_253] {strides = array<i32>} : memref<200x64xf32, #tpu.memory_space<vmem>>, vector<1x16xf32>,
        %swap3A_255 = vector.shape_cast %swap3A_254 : vector<1x16xf32> to vector<16xf32>
        %swap3A_256 = vector.shape_cast %get3A_251 : vector<16xf32> to vector<1x16xf32>
        tpu.vector_store %arg11[%swap3A_252, %swap3A_253], %swap3A_256 {add = true, strides = array<i32>} : memref<200x64xf32, #tpu.memory_space<vmem>>, vector<1x16xf32>,
        %add3A_257 = arith.constant 1 : i32
        %add3A_258 = arith.addi %mul3A_206, %add3A_257 : i32
        %add3A_259 = arith.constant 1 : i32
        %add3A_260 = arith.addi %mul3A_206, %add3A_259 : i32
        %get3A_261 = arith.index_cast %add3A_260 : i32 to index
        %get3A_262 = arith.constant 0 : index
        %get3A_263 = tpu.vector_load %arg7[%get3A_261, %get3A_262] {strides = array<i32>} : memref<200x64xf32, #tpu.memory_space<vmem>>, vector<1x16xf32>,
        %get3A_264 = vector.shape_cast %get3A_263 : vector<1x16xf32> to vector<16xf32>
        %swap3A_265 = arith.index_cast %add3A_258 : i32 to index
        %swap3A_266 = arith.constant 0 : index
        %swap3A_267 = tpu.vector_load %arg11[%swap3A_265, %swap3A_266] {strides = array<i32>} : memref<200x64xf32, #tpu.memory_space<vmem>>, vector<1x16xf32>,
        %swap3A_268 = vector.shape_cast %swap3A_267 : vector<1x16xf32> to vector<16xf32>
        %swap3A_269 = vector.shape_cast %get3A_264 : vector<16xf32> to vector<1x16xf32>
        tpu.vector_store %arg11[%swap3A_265, %swap3A_266], %swap3A_269 {add = true, strides = array<i32>} : memref<200x64xf32, #tpu.memory_space<vmem>>, vector<1x16xf32>,
        %add3A_270 = arith.constant 1 : i32
        %add3A_271 = arith.addi %mul3A_206, %add3A_270 : i32
        %add3A_272 = arith.constant 1 : i32
        %add3A_273 = arith.addi %mul3A_206, %add3A_272 : i32
        %get3A_274 = arith.index_cast %add3A_273 : i32 to index
        %get3A_275 = arith.constant 16 : index
        %get3A_276 = tpu.vector_load %arg7[%get3A_274, %get3A_275] {strides = array<i32>} : memref<200x64xf32, #tpu.memory_space<vmem>>, vector<1x16xf32>,
        %get3A_277 = vector.shape_cast %get3A_276 : vector<1x16xf32> to vector<16xf32>
        %swap3A_278 = arith.index_cast %add3A_271 : i32 to index
        %swap3A_279 = arith.constant 16 : index
        %swap3A_280 = tpu.vector_load %arg11[%swap3A_278, %swap3A_279] {strides = array<i32>} : memref<200x64xf32, #tpu.memory_space<vmem>>, vector<1x16xf32>,
        %swap3A_281 = vector.shape_cast %swap3A_280 : vector<1x16xf32> to vector<16xf32>
        %swap3A_282 = vector.shape_cast %get3A_277 : vector<16xf32> to vector<1x16xf32>
        tpu.vector_store %arg11[%swap3A_278, %swap3A_279], %swap3A_282 {add = true, strides = array<i32>} : memref<200x64xf32, #tpu.memory_space<vmem>>, vector<1x16xf32>,
        %add3A_283 = arith.constant 1 : i32
        %add3A_284 = arith.addi %mul3A_206, %add3A_283 : i32
        %add3A_285 = arith.constant 1 : i32
        %add3A_286 = arith.addi %mul3A_206, %add3A_285 : i32
        %get3A_287 = arith.index_cast %add3A_286 : i32 to index
        %get3A_288 = arith.constant 32 : index
        %get3A_289 = tpu.vector_load %arg7[%get3A_287, %get3A_288] {strides = array<i32>} : memref<200x64xf32, #tpu.memory_space<vmem>>, vector<1x16xf32>,
        %get3A_290 = vector.shape_cast %get3A_289 : vector<1x16xf32> to vector<16xf32>
        %swap3A_291 = arith.index_cast %add3A_284 : i32 to index
        %swap3A_292 = arith.constant 32 : index
        %swap3A_293 = tpu.vector_load %arg11[%swap3A_291, %swap3A_292] {strides = array<i32>} : memref<200x64xf32, #tpu.memory_space<vmem>>, vector<1x16xf32>,
        %swap3A_294 = vector.shape_cast %swap3A_293 : vector<1x16xf32> to vector<16xf32>
        %swap3A_295 = vector.shape_cast %get3A_290 : vector<16xf32> to vector<1x16xf32>
        tpu.vector_store %arg11[%swap3A_291, %swap3A_292], %swap3A_295 {add = true, strides = array<i32>} : memref<200x64xf32, #tpu.memory_space<vmem>>, vector<1x16xf32>,
        %add3A_296 = arith.constant 1 : i32
        %add3A_297 = arith.addi %mul3A_206, %add3A_296 : i32
        %add3A_298 = arith.constant 1 : i32
        %add3A_299 = arith.addi %mul3A_206, %add3A_298 : i32
        %get3A_300 = arith.index_cast %add3A_299 : i32 to index
        %get3A_301 = arith.constant 48 : index
        %get3A_302 = tpu.vector_load %arg7[%get3A_300, %get3A_301] {strides = array<i32>} : memref<200x64xf32, #tpu.memory_space<vmem>>, vector<1x16xf32>,
        %get3A_303 = vector.shape_cast %get3A_302 : vector<1x16xf32> to vector<16xf32>
        %swap3A_304 = arith.index_cast %add3A_297 : i32 to index
        %swap3A_305 = arith.constant 48 : index
        %swap3A_306 = tpu.vector_load %arg11[%swap3A_304, %swap3A_305] {strides = array<i32>} : memref<200x64xf32, #tpu.memory_space<vmem>>, vector<1x16xf32>,
        %swap3A_307 = vector.shape_cast %swap3A_306 : vector<1x16xf32> to vector<16xf32>
        %swap3A_308 = vector.shape_cast %get3A_303 : vector<16xf32> to vector<1x16xf32>
        tpu.vector_store %arg11[%swap3A_304, %swap3A_305], %swap3A_308 {add = true, strides = array<i32>} : memref<200x64xf32, #tpu.memory_space<vmem>>, vector<1x16xf32>,
        %add3A_309 = arith.constant 2 : i32
        %add3A_310 = arith.addi %mul3A_206, %add3A_309 : i32
        %add3A_311 = arith.constant 2 : i32
        %add3A_312 = arith.addi %mul3A_206, %add3A_311 : i32
        %get3A_313 = arith.index_cast %add3A_312 : i32 to index
        %get3A_314 = arith.constant 0 : index
        %get3A_315 = tpu.vector_load %arg7[%get3A_313, %get3A_314] {strides = array<i32>} : memref<200x64xf32, #tpu.memory_space<vmem>>, vector<1x16xf32>,
        %get3A_316 = vector.shape_cast %get3A_315 : vector<1x16xf32> to vector<16xf32>
        %swap3A_317 = arith.index_cast %add3A_310 : i32 to index
        %swap3A_318 = arith.constant 0 : index
        %swap3A_319 = tpu.vector_load %arg11[%swap3A_317, %swap3A_318] {strides = array<i32>} : memref<200x64xf32, #tpu.memory_space<vmem>>, vector<1x16xf32>,
        %swap3A_320 = vector.shape_cast %swap3A_319 : vector<1x16xf32> to vector<16xf32>
        %swap3A_321 = vector.shape_cast %get3A_316 : vector<16xf32> to vector<1x16xf32>
        tpu.vector_store %arg11[%swap3A_317, %swap3A_318], %swap3A_321 {add = true, strides = array<i32>} : memref<200x64xf32, #tpu.memory_space<vmem>>, vector<1x16xf32>,
        %add3A_322 = arith.constant 2 : i32
        %add3A_323 = arith.addi %mul3A_206, %add3A_322 : i32
        %add3A_324 = arith.constant 2 : i32
        %add3A_325 = arith.addi %mul3A_206, %add3A_324 : i32
        %get3A_326 = arith.index_cast %add3A_325 : i32 to index
        %get3A_327 = arith.constant 16 : index
        %get3A_328 = tpu.vector_load %arg7[%get3A_326, %get3A_327] {strides = array<i32>} : memref<200x64xf32, #tpu.memory_space<vmem>>, vector<1x16xf32>,
        %get3A_329 = vector.shape_cast %get3A_328 : vector<1x16xf32> to vector<16xf32>
        %swap3A_330 = arith.index_cast %add3A_323 : i32 to index
        %swap3A_331 = arith.constant 16 : index
        %swap3A_332 = tpu.vector_load %arg11[%swap3A_330, %swap3A_331] {strides = array<i32>} : memref<200x64xf32, #tpu.memory_space<vmem>>, vector<1x16xf32>,
        %swap3A_333 = vector.shape_cast %swap3A_332 : vector<1x16xf32> to vector<16xf32>
        %swap3A_334 = vector.shape_cast %get3A_329 : vector<16xf32> to vector<1x16xf32>
        tpu.vector_store %arg11[%swap3A_330, %swap3A_331], %swap3A_334 {add = true, strides = array<i32>} : memref<200x64xf32, #tpu.memory_space<vmem>>, vector<1x16xf32>,
        %add3A_335 = arith.constant 2 : i32
        %add3A_336 = arith.addi %mul3A_206, %add3A_335 : i32
        %add3A_337 = arith.constant 2 : i32
        %add3A_338 = arith.addi %mul3A_206, %add3A_337 : i32
        %get3A_339 = arith.index_cast %add3A_338 : i32 to index
        %get3A_340 = arith.constant 32 : index
        %get3A_341 = tpu.vector_load %arg7[%get3A_339, %get3A_340] {strides = array<i32>} : memref<200x64xf32, #tpu.memory_space<vmem>>, vector<1x16xf32>,
        %get3A_342 = vector.shape_cast %get3A_341 : vector<1x16xf32> to vector<16xf32>
        %swap3A_343 = arith.index_cast %add3A_336 : i32 to index
        %swap3A_344 = arith.constant 32 : index
        %swap3A_345 = tpu.vector_load %arg11[%swap3A_343, %swap3A_344] {strides = array<i32>} : memref<200x64xf32, #tpu.memory_space<vmem>>, vector<1x16xf32>,
        %swap3A_346 = vector.shape_cast %swap3A_345 : vector<1x16xf32> to vector<16xf32>
        %swap3A_347 = vector.shape_cast %get3A_342 : vector<16xf32> to vector<1x16xf32>
        tpu.vector_store %arg11[%swap3A_343, %swap3A_344], %swap3A_347 {add = true, strides = array<i32>} : memref<200x64xf32, #tpu.memory_space<vmem>>, vector<1x16xf32>,
        %add3A_348 = arith.constant 2 : i32
        %add3A_349 = arith.addi %mul3A_206, %add3A_348 : i32
        %add3A_350 = arith.constant 2 : i32
        %add3A_351 = arith.addi %mul3A_206, %add3A_350 : i32
        %get3A_352 = arith.index_cast %add3A_351 : i32 to index
        %get3A_353 = arith.constant 48 : index
        %get3A_354 = tpu.vector_load %arg7[%get3A_352, %get3A_353] {strides = array<i32>} : memref<200x64xf32, #tpu.memory_space<vmem>>, vector<1x16xf32>,
        %get3A_355 = vector.shape_cast %get3A_354 : vector<1x16xf32> to vector<16xf32>
        %swap3A_356 = arith.index_cast %add3A_349 : i32 to index
        %swap3A_357 = arith.constant 48 : index
        %swap3A_358 = tpu.vector_load %arg11[%swap3A_356, %swap3A_357] {strides = array<i32>} : memref<200x64xf32, #tpu.memory_space<vmem>>, vector<1x16xf32>,
        %swap3A_359 = vector.shape_cast %swap3A_358 : vector<1x16xf32> to vector<16xf32>
        %swap3A_360 = vector.shape_cast %get3A_355 : vector<16xf32> to vector<1x16xf32>
        tpu.vector_store %arg11[%swap3A_356, %swap3A_357], %swap3A_360 {add = true, strides = array<i32>} : memref<200x64xf32, #tpu.memory_space<vmem>>, vector<1x16xf32>,
        %add3A_361 = arith.constant 3 : i32
        %add3A_362 = arith.addi %mul3A_206, %add3A_361 : i32
        %add3A_363 = arith.constant 3 : i32
        %add3A_364 = arith.addi %mul3A_206, %add3A_363 : i32
        %get3A_365 = arith.index_cast %add3A_364 : i32 to index
        %get3A_366 = arith.constant 0 : index
        %get3A_367 = tpu.vector_load %arg7[%get3A_365, %get3A_366] {strides = array<i32>} : memref<200x64xf32, #tpu.memory_space<vmem>>, vector<1x16xf32>,
        %get3A_368 = vector.shape_cast %get3A_367 : vector<1x16xf32> to vector<16xf32>
        %swap3A_369 = arith.index_cast %add3A_362 : i32 to index
        %swap3A_370 = arith.constant 0 : index
        %swap3A_371 = tpu.vector_load %arg11[%swap3A_369, %swap3A_370] {strides = array<i32>} : memref<200x64xf32, #tpu.memory_space<vmem>>, vector<1x16xf32>,
        %swap3A_372 = vector.shape_cast %swap3A_371 : vector<1x16xf32> to vector<16xf32>
        %swap3A_373 = vector.shape_cast %get3A_368 : vector<16xf32> to vector<1x16xf32>
        tpu.vector_store %arg11[%swap3A_369, %swap3A_370], %swap3A_373 {add = true, strides = array<i32>} : memref<200x64xf32, #tpu.memory_space<vmem>>, vector<1x16xf32>,
        %add3A_374 = arith.constant 3 : i32
        %add3A_375 = arith.addi %mul3A_206, %add3A_374 : i32
        %add3A_376 = arith.constant 3 : i32
        %add3A_377 = arith.addi %mul3A_206, %add3A_376 : i32
        %get3A_378 = arith.index_cast %add3A_377 : i32 to index
        %get3A_379 = arith.constant 16 : index
        %get3A_380 = tpu.vector_load %arg7[%get3A_378, %get3A_379] {strides = array<i32>} : memref<200x64xf32, #tpu.memory_space<vmem>>, vector<1x16xf32>,
        %get3A_381 = vector.shape_cast %get3A_380 : vector<1x16xf32> to vector<16xf32>
        %swap3A_382 = arith.index_cast %add3A_375 : i32 to index
        %swap3A_383 = arith.constant 16 : index
        %swap3A_384 = tpu.vector_load %arg11[%swap3A_382, %swap3A_383] {strides = array<i32>} : memref<200x64xf32, #tpu.memory_space<vmem>>, vector<1x16xf32>,
        %swap3A_385 = vector.shape_cast %swap3A_384 : vector<1x16xf32> to vector<16xf32>
        %swap3A_386 = vector.shape_cast %get3A_381 : vector<16xf32> to vector<1x16xf32>
        tpu.vector_store %arg11[%swap3A_382, %swap3A_383], %swap3A_386 {add = true, strides = array<i32>} : memref<200x64xf32, #tpu.memory_space<vmem>>, vector<1x16xf32>,
        %add3A_387 = arith.constant 3 : i32
        %add3A_388 = arith.addi %mul3A_206, %add3A_387 : i32
        %add3A_389 = arith.constant 3 : i32
        %add3A_390 = arith.addi %mul3A_206, %add3A_389 : i32
        %get3A_391 = arith.index_cast %add3A_390 : i32 to index
        %get3A_392 = arith.constant 32 : index
        %get3A_393 = tpu.vector_load %arg7[%get3A_391, %get3A_392] {strides = array<i32>} : memref<200x64xf32, #tpu.memory_space<vmem>>, vector<1x16xf32>,
        %get3A_394 = vector.shape_cast %get3A_393 : vector<1x16xf32> to vector<16xf32>
        %swap3A_395 = arith.index_cast %add3A_388 : i32 to index
        %swap3A_396 = arith.constant 32 : index
        %swap3A_397 = tpu.vector_load %arg11[%swap3A_395, %swap3A_396] {strides = array<i32>} : memref<200x64xf32, #tpu.memory_space<vmem>>, vector<1x16xf32>,
        %swap3A_398 = vector.shape_cast %swap3A_397 : vector<1x16xf32> to vector<16xf32>
        %swap3A_399 = vector.shape_cast %get3A_394 : vector<16xf32> to vector<1x16xf32>
        tpu.vector_store %arg11[%swap3A_395, %swap3A_396], %swap3A_399 {add = true, strides = array<i32>} : memref<200x64xf32, #tpu.memory_space<vmem>>, vector<1x16xf32>,
        %add3A_400 = arith.constant 3 : i32
        %add3A_401 = arith.addi %mul3A_206, %add3A_400 : i32
        %add3A_402 = arith.constant 3 : i32
        %add3A_403 = arith.addi %mul3A_206, %add3A_402 : i32
        %get3A_404 = arith.index_cast %add3A_403 : i32 to index
        %get3A_405 = arith.constant 48 : index
        %get3A_406 = tpu.vector_load %arg7[%get3A_404, %get3A_405] {strides = array<i32>} : memref<200x64xf32, #tpu.memory_space<vmem>>, vector<1x16xf32>,
        %get3A_407 = vector.shape_cast %get3A_406 : vector<1x16xf32> to vector<16xf32>
        %swap3A_408 = arith.index_cast %add3A_401 : i32 to index
        %swap3A_409 = arith.constant 48 : index
        %swap3A_410 = tpu.vector_load %arg11[%swap3A_408, %swap3A_409] {strides = array<i32>} : memref<200x64xf32, #tpu.memory_space<vmem>>, vector<1x16xf32>,
        %swap3A_411 = vector.shape_cast %swap3A_410 : vector<1x16xf32> to vector<16xf32>
        %swap3A_412 = vector.shape_cast %get3A_407 : vector<16xf32> to vector<1x16xf32>
        tpu.vector_store %arg11[%swap3A_408, %swap3A_409], %swap3A_412 {add = true, strides = array<i32>} : memref<200x64xf32, #tpu.memory_space<vmem>>, vector<1x16xf32>,
        %add3A_413 = arith.constant 4 : i32
        %add3A_414 = arith.addi %mul3A_206, %add3A_413 : i32
        %add3A_415 = arith.constant 4 : i32
        %add3A_416 = arith.addi %mul3A_206, %add3A_415 : i32
        %get3A_417 = arith.index_cast %add3A_416 : i32 to index
        %get3A_418 = arith.constant 0 : index
        %get3A_419 = tpu.vector_load %arg7[%get3A_417, %get3A_418] {strides = array<i32>} : memref<200x64xf32, #tpu.memory_space<vmem>>, vector<1x16xf32>,
        %get3A_420 = vector.shape_cast %get3A_419 : vector<1x16xf32> to vector<16xf32>
        %swap3A_421 = arith.index_cast %add3A_414 : i32 to index
        %swap3A_422 = arith.constant 0 : index
        %swap3A_423 = tpu.vector_load %arg11[%swap3A_421, %swap3A_422] {strides = array<i32>} : memref<200x64xf32, #tpu.memory_space<vmem>>, vector<1x16xf32>,
        %swap3A_424 = vector.shape_cast %swap3A_423 : vector<1x16xf32> to vector<16xf32>
        %swap3A_425 = vector.shape_cast %get3A_420 : vector<16xf32> to vector<1x16xf32>
        tpu.vector_store %arg11[%swap3A_421, %swap3A_422], %swap3A_425 {add = true, strides = array<i32>} : memref<200x64xf32, #tpu.memory_space<vmem>>, vector<1x16xf32>,
        %add3A_426 = arith.constant 4 : i32
        %add3A_427 = arith.addi %mul3A_206, %add3A_426 : i32
        %add3A_428 = arith.constant 4 : i32
        %add3A_429 = arith.addi %mul3A_206, %add3A_428 : i32
        %get3A_430 = arith.index_cast %add3A_429 : i32 to index
        %get3A_431 = arith.constant 16 : index
        %get3A_432 = tpu.vector_load %arg7[%get3A_430, %get3A_431] {strides = array<i32>} : memref<200x64xf32, #tpu.memory_space<vmem>>, vector<1x16xf32>,
        %get3A_433 = vector.shape_cast %get3A_432 : vector<1x16xf32> to vector<16xf32>
        %swap3A_434 = arith.index_cast %add3A_427 : i32 to index
        %swap3A_435 = arith.constant 16 : index
        %swap3A_436 = tpu.vector_load %arg11[%swap3A_434, %swap3A_435] {strides = array<i32>} : memref<200x64xf32, #tpu.memory_space<vmem>>, vector<1x16xf32>,
        %swap3A_437 = vector.shape_cast %swap3A_436 : vector<1x16xf32> to vector<16xf32>
        %swap3A_438 = vector.shape_cast %get3A_433 : vector<16xf32> to vector<1x16xf32>
        tpu.vector_store %arg11[%swap3A_434, %swap3A_435], %swap3A_438 {add = true, strides = array<i32>} : memref<200x64xf32, #tpu.memory_space<vmem>>, vector<1x16xf32>,
        %add3A_439 = arith.constant 4 : i32
        %add3A_440 = arith.addi %mul3A_206, %add3A_439 : i32
        %add3A_441 = arith.constant 4 : i32
        %add3A_442 = arith.addi %mul3A_206, %add3A_441 : i32
        %get3A_443 = arith.index_cast %add3A_442 : i32 to index
        %get3A_444 = arith.constant 32 : index
        %get3A_445 = tpu.vector_load %arg7[%get3A_443, %get3A_444] {strides = array<i32>} : memref<200x64xf32, #tpu.memory_space<vmem>>, vector<1x16xf32>,
        %get3A_446 = vector.shape_cast %get3A_445 : vector<1x16xf32> to vector<16xf32>
        %swap3A_447 = arith.index_cast %add3A_440 : i32 to index
        %swap3A_448 = arith.constant 32 : index
        %swap3A_449 = tpu.vector_load %arg11[%swap3A_447, %swap3A_448] {strides = array<i32>} : memref<200x64xf32, #tpu.memory_space<vmem>>, vector<1x16xf32>,
        %swap3A_450 = vector.shape_cast %swap3A_449 : vector<1x16xf32> to vector<16xf32>
        %swap3A_451 = vector.shape_cast %get3A_446 : vector<16xf32> to vector<1x16xf32>
        tpu.vector_store %arg11[%swap3A_447, %swap3A_448], %swap3A_451 {add = true, strides = array<i32>} : memref<200x64xf32, #tpu.memory_space<vmem>>, vector<1x16xf32>,
        %add3A_452 = arith.constant 4 : i32
        %add3A_453 = arith.addi %mul3A_206, %add3A_452 : i32
        %add3A_454 = arith.constant 4 : i32
        %add3A_455 = arith.addi %mul3A_206, %add3A_454 : i32
        %get3A_456 = arith.index_cast %add3A_455 : i32 to index
        %get3A_457 = arith.constant 48 : index
        %get3A_458 = tpu.vector_load %arg7[%get3A_456, %get3A_457] {strides = array<i32>} : memref<200x64xf32, #tpu.memory_space<vmem>>, vector<1x16xf32>,
        %get3A_459 = vector.shape_cast %get3A_458 : vector<1x16xf32> to vector<16xf32>
        %swap3A_460 = arith.index_cast %add3A_453 : i32 to index
        %swap3A_461 = arith.constant 48 : index
        %swap3A_462 = tpu.vector_load %arg11[%swap3A_460, %swap3A_461] {strides = array<i32>} : memref<200x64xf32, #tpu.memory_space<vmem>>, vector<1x16xf32>,
        %swap3A_463 = vector.shape_cast %swap3A_462 : vector<1x16xf32> to vector<16xf32>
        %swap3A_464 = vector.shape_cast %get3A_459 : vector<16xf32> to vector<1x16xf32>
        tpu.vector_store %arg11[%swap3A_460, %swap3A_461], %swap3A_464 {add = true, strides = array<i32>} : memref<200x64xf32, #tpu.memory_space<vmem>>, vector<1x16xf32>,
        %add3A_465 = arith.constant 5 : i32
        %add3A_466 = arith.addi %mul3A_206, %add3A_465 : i32
        %add3A_467 = arith.constant 5 : i32
        %add3A_468 = arith.addi %mul3A_206, %add3A_467 : i32
        %get3A_469 = arith.index_cast %add3A_468 : i32 to index
        %get3A_470 = arith.constant 0 : index
        %get3A_471 = tpu.vector_load %arg7[%get3A_469, %get3A_470] {strides = array<i32>} : memref<200x64xf32, #tpu.memory_space<vmem>>, vector<1x16xf32>,
        %get3A_472 = vector.shape_cast %get3A_471 : vector<1x16xf32> to vector<16xf32>
        %swap3A_473 = arith.index_cast %add3A_466 : i32 to index
        %swap3A_474 = arith.constant 0 : index
        %swap3A_475 = tpu.vector_load %arg11[%swap3A_473, %swap3A_474] {strides = array<i32>} : memref<200x64xf32, #tpu.memory_space<vmem>>, vector<1x16xf32>,
        %swap3A_476 = vector.shape_cast %swap3A_475 : vector<1x16xf32> to vector<16xf32>
        %swap3A_477 = vector.shape_cast %get3A_472 : vector<16xf32> to vector<1x16xf32>
        tpu.vector_store %arg11[%swap3A_473, %swap3A_474], %swap3A_477 {add = true, strides = array<i32>} : memref<200x64xf32, #tpu.memory_space<vmem>>, vector<1x16xf32>,
        %add3A_478 = arith.constant 5 : i32
        %add3A_479 = arith.addi %mul3A_206, %add3A_478 : i32
        %add3A_480 = arith.constant 5 : i32
        %add3A_481 = arith.addi %mul3A_206, %add3A_480 : i32
        %get3A_482 = arith.index_cast %add3A_481 : i32 to index
        %get3A_483 = arith.constant 16 : index
        %get3A_484 = tpu.vector_load %arg7[%get3A_482, %get3A_483] {strides = array<i32>} : memref<200x64xf32, #tpu.memory_space<vmem>>, vector<1x16xf32>,
        %get3A_485 = vector.shape_cast %get3A_484 : vector<1x16xf32> to vector<16xf32>
        %swap3A_486 = arith.index_cast %add3A_479 : i32 to index
        %swap3A_487 = arith.constant 16 : index
        %swap3A_488 = tpu.vector_load %arg11[%swap3A_486, %swap3A_487] {strides = array<i32>} : memref<200x64xf32, #tpu.memory_space<vmem>>, vector<1x16xf32>,
        %swap3A_489 = vector.shape_cast %swap3A_488 : vector<1x16xf32> to vector<16xf32>
        %swap3A_490 = vector.shape_cast %get3A_485 : vector<16xf32> to vector<1x16xf32>
        tpu.vector_store %arg11[%swap3A_486, %swap3A_487], %swap3A_490 {add = true, strides = array<i32>} : memref<200x64xf32, #tpu.memory_space<vmem>>, vector<1x16xf32>,
        %add3A_491 = arith.constant 5 : i32
        %add3A_492 = arith.addi %mul3A_206, %add3A_491 : i32
        %add3A_493 = arith.constant 5 : i32
        %add3A_494 = arith.addi %mul3A_206, %add3A_493 : i32
        %get3A_495 = arith.index_cast %add3A_494 : i32 to index
        %get3A_496 = arith.constant 32 : index
        %get3A_497 = tpu.vector_load %arg7[%get3A_495, %get3A_496] {strides = array<i32>} : memref<200x64xf32, #tpu.memory_space<vmem>>, vector<1x16xf32>,
        %get3A_498 = vector.shape_cast %get3A_497 : vector<1x16xf32> to vector<16xf32>
        %swap3A_499 = arith.index_cast %add3A_492 : i32 to index
        %swap3A_500 = arith.constant 32 : index
        %swap3A_501 = tpu.vector_load %arg11[%swap3A_499, %swap3A_500] {strides = array<i32>} : memref<200x64xf32, #tpu.memory_space<vmem>>, vector<1x16xf32>,
        %swap3A_502 = vector.shape_cast %swap3A_501 : vector<1x16xf32> to vector<16xf32>
        %swap3A_503 = vector.shape_cast %get3A_498 : vector<16xf32> to vector<1x16xf32>
        tpu.vector_store %arg11[%swap3A_499, %swap3A_500], %swap3A_503 {add = true, strides = array<i32>} : memref<200x64xf32, #tpu.memory_space<vmem>>, vector<1x16xf32>,
        %add3A_504 = arith.constant 5 : i32
        %add3A_505 = arith.addi %mul3A_206, %add3A_504 : i32
        %add3A_506 = arith.constant 5 : i32
        %add3A_507 = arith.addi %mul3A_206, %add3A_506 : i32
        %get3A_508 = arith.index_cast %add3A_507 : i32 to index
        %get3A_509 = arith.constant 48 : index
        %get3A_510 = tpu.vector_load %arg7[%get3A_508, %get3A_509] {strides = array<i32>} : memref<200x64xf32, #tpu.memory_space<vmem>>, vector<1x16xf32>,
        %get3A_511 = vector.shape_cast %get3A_510 : vector<1x16xf32> to vector<16xf32>
        %swap3A_512 = arith.index_cast %add3A_505 : i32 to index
        %swap3A_513 = arith.constant 48 : index
        %swap3A_514 = tpu.vector_load %arg11[%swap3A_512, %swap3A_513] {strides = array<i32>} : memref<200x64xf32, #tpu.memory_space<vmem>>, vector<1x16xf32>,
        %swap3A_515 = vector.shape_cast %swap3A_514 : vector<1x16xf32> to vector<16xf32>
        %swap3A_516 = vector.shape_cast %get3A_511 : vector<16xf32> to vector<1x16xf32>
        tpu.vector_store %arg11[%swap3A_512, %swap3A_513], %swap3A_516 {add = true, strides = array<i32>} : memref<200x64xf32, #tpu.memory_space<vmem>>, vector<1x16xf32>,
        %add3A_517 = arith.constant 6 : i32
        %add3A_518 = arith.addi %mul3A_206, %add3A_517 : i32
        %add3A_519 = arith.constant 6 : i32
        %add3A_520 = arith.addi %mul3A_206, %add3A_519 : i32
        %get3A_521 = arith.index_cast %add3A_520 : i32 to index
        %get3A_522 = arith.constant 0 : index
        %get3A_523 = tpu.vector_load %arg7[%get3A_521, %get3A_522] {strides = array<i32>} : memref<200x64xf32, #tpu.memory_space<vmem>>, vector<1x16xf32>,
        %get3A_524 = vector.shape_cast %get3A_523 : vector<1x16xf32> to vector<16xf32>
        %swap3A_525 = arith.index_cast %add3A_518 : i32 to index
        %swap3A_526 = arith.constant 0 : index
        %swap3A_527 = tpu.vector_load %arg11[%swap3A_525, %swap3A_526] {strides = array<i32>} : memref<200x64xf32, #tpu.memory_space<vmem>>, vector<1x16xf32>,
        %swap3A_528 = vector.shape_cast %swap3A_527 : vector<1x16xf32> to vector<16xf32>
        %swap3A_529 = vector.shape_cast %get3A_524 : vector<16xf32> to vector<1x16xf32>
        tpu.vector_store %arg11[%swap3A_525, %swap3A_526], %swap3A_529 {add = true, strides = array<i32>} : memref<200x64xf32, #tpu.memory_space<vmem>>, vector<1x16xf32>,
        %add3A_530 = arith.constant 6 : i32
        %add3A_531 = arith.addi %mul3A_206, %add3A_530 : i32
        %add3A_532 = arith.constant 6 : i32
        %add3A_533 = arith.addi %mul3A_206, %add3A_532 : i32
        %get3A_534 = arith.index_cast %add3A_533 : i32 to index
        %get3A_535 = arith.constant 16 : index
        %get3A_536 = tpu.vector_load %arg7[%get3A_534, %get3A_535] {strides = array<i32>} : memref<200x64xf32, #tpu.memory_space<vmem>>, vector<1x16xf32>,
        %get3A_537 = vector.shape_cast %get3A_536 : vector<1x16xf32> to vector<16xf32>
        %swap3A_538 = arith.index_cast %add3A_531 : i32 to index
        %swap3A_539 = arith.constant 16 : index
        %swap3A_540 = tpu.vector_load %arg11[%swap3A_538, %swap3A_539] {strides = array<i32>} : memref<200x64xf32, #tpu.memory_space<vmem>>, vector<1x16xf32>,
        %swap3A_541 = vector.shape_cast %swap3A_540 : vector<1x16xf32> to vector<16xf32>
        %swap3A_542 = vector.shape_cast %get3A_537 : vector<16xf32> to vector<1x16xf32>
        tpu.vector_store %arg11[%swap3A_538, %swap3A_539], %swap3A_542 {add = true, strides = array<i32>} : memref<200x64xf32, #tpu.memory_space<vmem>>, vector<1x16xf32>,
        %add3A_543 = arith.constant 6 : i32
        %add3A_544 = arith.addi %mul3A_206, %add3A_543 : i32
        %add3A_545 = arith.constant 6 : i32
        %add3A_546 = arith.addi %mul3A_206, %add3A_545 : i32
        %get3A_547 = arith.index_cast %add3A_546 : i32 to index
        %get3A_548 = arith.constant 32 : index
        %get3A_549 = tpu.vector_load %arg7[%get3A_547, %get3A_548] {strides = array<i32>} : memref<200x64xf32, #tpu.memory_space<vmem>>, vector<1x16xf32>,
        %get3A_550 = vector.shape_cast %get3A_549 : vector<1x16xf32> to vector<16xf32>
        %swap3A_551 = arith.index_cast %add3A_544 : i32 to index
        %swap3A_552 = arith.constant 32 : index
        %swap3A_553 = tpu.vector_load %arg11[%swap3A_551, %swap3A_552] {strides = array<i32>} : memref<200x64xf32, #tpu.memory_space<vmem>>, vector<1x16xf32>,
        %swap3A_554 = vector.shape_cast %swap3A_553 : vector<1x16xf32> to vector<16xf32>
        %swap3A_555 = vector.shape_cast %get3A_550 : vector<16xf32> to vector<1x16xf32>
        tpu.vector_store %arg11[%swap3A_551, %swap3A_552], %swap3A_555 {add = true, strides = array<i32>} : memref<200x64xf32, #tpu.memory_space<vmem>>, vector<1x16xf32>,
        %add3A_556 = arith.constant 6 : i32
        %add3A_557 = arith.addi %mul3A_206, %add3A_556 : i32
        %add3A_558 = arith.constant 6 : i32
        %add3A_559 = arith.addi %mul3A_206, %add3A_558 : i32
        %get3A_560 = arith.index_cast %add3A_559 : i32 to index
        %get3A_561 = arith.constant 48 : index
        %get3A_562 = tpu.vector_load %arg7[%get3A_560, %get3A_561] {strides = array<i32>} : memref<200x64xf32, #tpu.memory_space<vmem>>, vector<1x16xf32>,
        %get3A_563 = vector.shape_cast %get3A_562 : vector<1x16xf32> to vector<16xf32>
        %swap3A_564 = arith.index_cast %add3A_557 : i32 to index
        %swap3A_565 = arith.constant 48 : index
        %swap3A_566 = tpu.vector_load %arg11[%swap3A_564, %swap3A_565] {strides = array<i32>} : memref<200x64xf32, #tpu.memory_space<vmem>>, vector<1x16xf32>,
        %swap3A_567 = vector.shape_cast %swap3A_566 : vector<1x16xf32> to vector<16xf32>
        %swap3A_568 = vector.shape_cast %get3A_563 : vector<16xf32> to vector<1x16xf32>
        tpu.vector_store %arg11[%swap3A_564, %swap3A_565], %swap3A_568 {add = true, strides = array<i32>} : memref<200x64xf32, #tpu.memory_space<vmem>>, vector<1x16xf32>,
        %add3A_569 = arith.constant 7 : i32
        %add3A_570 = arith.addi %mul3A_206, %add3A_569 : i32
        %add3A_571 = arith.constant 7 : i32
        %add3A_572 = arith.addi %mul3A_206, %add3A_571 : i32
        %get3A_573 = arith.index_cast %add3A_572 : i32 to index
        %get3A_574 = arith.constant 0 : index
        %get3A_575 = tpu.vector_load %arg7[%get3A_573, %get3A_574] {strides = array<i32>} : memref<200x64xf32, #tpu.memory_space<vmem>>, vector<1x16xf32>,
        %get3A_576 = vector.shape_cast %get3A_575 : vector<1x16xf32> to vector<16xf32>
        %swap3A_577 = arith.index_cast %add3A_570 : i32 to index
        %swap3A_578 = arith.constant 0 : index
        %swap3A_579 = tpu.vector_load %arg11[%swap3A_577, %swap3A_578] {strides = array<i32>} : memref<200x64xf32, #tpu.memory_space<vmem>>, vector<1x16xf32>,
        %swap3A_580 = vector.shape_cast %swap3A_579 : vector<1x16xf32> to vector<16xf32>
        %swap3A_581 = vector.shape_cast %get3A_576 : vector<16xf32> to vector<1x16xf32>
        tpu.vector_store %arg11[%swap3A_577, %swap3A_578], %swap3A_581 {add = true, strides = array<i32>} : memref<200x64xf32, #tpu.memory_space<vmem>>, vector<1x16xf32>,
        %add3A_582 = arith.constant 7 : i32
        %add3A_583 = arith.addi %mul3A_206, %add3A_582 : i32
        %add3A_584 = arith.constant 7 : i32
        %add3A_585 = arith.addi %mul3A_206, %add3A_584 : i32
        %get3A_586 = arith.index_cast %add3A_585 : i32 to index
        %get3A_587 = arith.constant 16 : index
        %get3A_588 = tpu.vector_load %arg7[%get3A_586, %get3A_587] {strides = array<i32>} : memref<200x64xf32, #tpu.memory_space<vmem>>, vector<1x16xf32>,
        %get3A_589 = vector.shape_cast %get3A_588 : vector<1x16xf32> to vector<16xf32>
        %swap3A_590 = arith.index_cast %add3A_583 : i32 to index
        %swap3A_591 = arith.constant 16 : index
        %swap3A_592 = tpu.vector_load %arg11[%swap3A_590, %swap3A_591] {strides = array<i32>} : memref<200x64xf32, #tpu.memory_space<vmem>>, vector<1x16xf32>,
        %swap3A_593 = vector.shape_cast %swap3A_592 : vector<1x16xf32> to vector<16xf32>
        %swap3A_594 = vector.shape_cast %get3A_589 : vector<16xf32> to vector<1x16xf32>
        tpu.vector_store %arg11[%swap3A_590, %swap3A_591], %swap3A_594 {add = true, strides = array<i32>} : memref<200x64xf32, #tpu.memory_space<vmem>>, vector<1x16xf32>,
        %add3A_595 = arith.constant 7 : i32
        %add3A_596 = arith.addi %mul3A_206, %add3A_595 : i32
        %add3A_597 = arith.constant 7 : i32
        %add3A_598 = arith.addi %mul3A_206, %add3A_597 : i32
        %get3A_599 = arith.index_cast %add3A_598 : i32 to index
        %get3A_600 = arith.constant 32 : index
        %get3A_601 = tpu.vector_load %arg7[%get3A_599, %get3A_600] {strides = array<i32>} : memref<200x64xf32, #tpu.memory_space<vmem>>, vector<1x16xf32>,
        %get3A_602 = vector.shape_cast %get3A_601 : vector<1x16xf32> to vector<16xf32>
        %swap3A_603 = arith.index_cast %add3A_596 : i32 to index
        %swap3A_604 = arith.constant 32 : index
        %swap3A_605 = tpu.vector_load %arg11[%swap3A_603, %swap3A_604] {strides = array<i32>} : memref<200x64xf32, #tpu.memory_space<vmem>>, vector<1x16xf32>,
        %swap3A_606 = vector.shape_cast %swap3A_605 : vector<1x16xf32> to vector<16xf32>
        %swap3A_607 = vector.shape_cast %get3A_602 : vector<16xf32> to vector<1x16xf32>
        tpu.vector_store %arg11[%swap3A_603, %swap3A_604], %swap3A_607 {add = true, strides = array<i32>} : memref<200x64xf32, #tpu.memory_space<vmem>>, vector<1x16xf32>,
        %add3A_608 = arith.constant 7 : i32
        %add3A_609 = arith.addi %mul3A_206, %add3A_608 : i32
        %add3A_610 = arith.constant 7 : i32
        %add3A_611 = arith.addi %mul3A_206, %add3A_610 : i32
        %get3A_612 = arith.index_cast %add3A_611 : i32 to index
        %get3A_613 = arith.constant 48 : index
        %get3A_614 = tpu.vector_load %arg7[%get3A_612, %get3A_613] {strides = array<i32>} : memref<200x64xf32, #tpu.memory_space<vmem>>, vector<1x16xf32>,
        %get3A_615 = vector.shape_cast %get3A_614 : vector<1x16xf32> to vector<16xf32>
        %swap3A_616 = arith.index_cast %add3A_609 : i32 to index
        %swap3A_617 = arith.constant 48 : index
        %swap3A_618 = tpu.vector_load %arg11[%swap3A_616, %swap3A_617] {strides = array<i32>} : memref<200x64xf32, #tpu.memory_space<vmem>>, vector<1x16xf32>,
        %swap3A_619 = vector.shape_cast %swap3A_618 : vector<1x16xf32> to vector<16xf32>
        %swap3A_620 = vector.shape_cast %get3A_615 : vector<16xf32> to vector<1x16xf32>
        tpu.vector_store %arg11[%swap3A_616, %swap3A_617], %swap3A_620 {add = true, strides = array<i32>} : memref<200x64xf32, #tpu.memory_space<vmem>>, vector<1x16xf32>,
      }
      %scan3A_186 = arith.constant 25 : i32
      %mul3A_187 = arith.constant 200 : i32
      %mul3A_188 = arith.muli %add3A_174, %mul3A_187 : i32
      %add3A_189 = arith.addi %mul3A_2, %mul3A_188 : i32
      %dma_start3A_190 = arith.constant 0 : i32
      %dma_start3A_191 = tpu.memref_slice %arg5[%add3A_189, %dma_start3A_190] : memref<819200x128xf32, #tpu.memory_space<hbm>> -> memref<200x64xf32, #tpu.memory_space<hbm>>
      %dma_start3A_192 = arith.constant 0 : i32
      %dma_start3A_193 = tpu.memref_slice %arg5[%add3A_189, %dma_start3A_192] : memref<819200x128xf32, #tpu.memory_space<hbm>> -> memref<200x64xf32, #tpu.memory_space<hbm>>
      tpu.enqueue_dma source(%arg11 : memref<200x64xf32, #tpu.memory_space<vmem>>) target(%dma_start3A_193 : memref<200x64xf32, #tpu.memory_space<hbm>>) target_semaphore(%arg19 : memref<!tpu.dma_semaphore, #tpu.memory_space<semaphore_mem>>)
      %lt3A_194 = arith.constant 31 : i32
      %lt3A_195 = arith.cmpi slt, %scan3A_94, %lt3A_194 : i32
      %convert_element_type3A_196 = arith.extui %lt3A_195 : i1 to i32
      %cond3A_197 = arith.constant 0 : i32
      %cond3A_198 = arith.cmpi ne, %convert_element_type3A_196, %cond3A_197 : i32
      scf.if %cond3A_198 {
        %dma_wait3A_204 = arith.constant 0 : i32
        %dma_wait3A_205 = arith.constant 0 : i32
        %dma_wait3A_206 = tpu.memref_slice %arg5[%dma_wait3A_204, %dma_wait3A_205] : memref<819200x128xf32, #tpu.memory_space<hbm>> -> memref<200x64xf32, #tpu.memory_space<hbm>>
        %dma_wait3A_207 = arith.constant 0 : i32
        %dma_wait3A_208 = arith.constant 0 : i32
        %dma_wait3A_209 = tpu.memref_slice %arg5[%dma_wait3A_207, %dma_wait3A_208] : memref<819200x128xf32, #tpu.memory_space<hbm>> -> memref<200x64xf32, #tpu.memory_space<hbm>>
        tpu.wait_dma2 semaphore(%arg18 : memref<!tpu.dma_semaphore, #tpu.memory_space<semaphore_mem>>) src(%arg10 : memref<200x64xf32, #tpu.memory_space<vmem>>) dst(%dma_wait3A_209 : memref<200x64xf32, #tpu.memory_space<hbm>>)
        %mul3A_210 = arith.constant 4 : i32
        %mul3A_211 = arith.muli %scan3A_94, %mul3A_210 : i32
        %add3A_212 = arith.constant 4 : i32
        %add3A_213 = arith.addi %mul3A_211, %add3A_212 : i32
        %add3A_214 = arith.constant 2 : i32
        %add3A_215 = arith.addi %add3A_213, %add3A_214 : i32
        %mul3A_216 = arith.constant 200 : i32
        %mul3A_217 = arith.muli %add3A_215, %mul3A_216 : i32
        %dma_start3A_218 = arith.constant 0 : i32
        %dma_start3A_219 = arith.constant 0 : i32
        %dma_start3A_220 = tpu.memref_slice %arg10[%dma_start3A_218, %dma_start3A_219] : memref<200x64xf32, #tpu.memory_space<vmem>> -> memref<128x64xf32, #tpu.memory_space<vmem>>
        %dma_start3A_221 = tpu.memref_slice %arg6[%mul3A_217] : memref<25600xi32, #tpu.memory_space<vmem>> -> memref<128xi32, #tpu.memory_space<vmem>>
        %dma_start3A_222 = arith.constant 0 : i32
        %dma_start3A_223 = arith.constant 0 : i32
        %dma_start3A_224 = tpu.memref_slice %arg3[%dma_start3A_222, %dma_start3A_223] : memref<1000000x64xf32, #tpu.memory_space<hbm>> -> memref<1000000x64xf32, #tpu.memory_space<hbm>>
        tpu.enqueue_indirect_dma source(%dma_start3A_224 : memref<1000000x64xf32, #tpu.memory_space<hbm>>) target(%dma_start3A_220 : memref<128x64xf32, #tpu.memory_space<vmem>>) offsets(%dma_start3A_221 : memref<128xi32, #tpu.memory_space<vmem>>) semaphore(%arg14 : memref<!tpu.dma_semaphore, #tpu.memory_space<semaphore_mem>>)
        %add3A_225 = arith.constant 128 : i32
        %add3A_226 = arith.addi %mul3A_217, %add3A_225 : i32
        %dma_start3A_227 = arith.constant 128 : i32
        %dma_start3A_228 = arith.constant 0 : i32
        %dma_start3A_229 = tpu.memref_slice %arg10[%dma_start3A_227, %dma_start3A_228] : memref<200x64xf32, #tpu.memory_space<vmem>> -> memref<72x64xf32, #tpu.memory_space<vmem>>
        %dma_start3A_230 = tpu.memref_slice %arg6[%add3A_226] : memref<25600xi32, #tpu.memory_space<vmem>> -> memref<72xi32, #tpu.memory_space<vmem>>
        %dma_start3A_231 = arith.constant 0 : i32
        %dma_start3A_232 = arith.constant 0 : i32
        %dma_start3A_233 = tpu.memref_slice %arg3[%dma_start3A_231, %dma_start3A_232] : memref<1000000x64xf32, #tpu.memory_space<hbm>> -> memref<1000000x64xf32, #tpu.memory_space<hbm>>
        tpu.enqueue_indirect_dma source(%dma_start3A_233 : memref<1000000x64xf32, #tpu.memory_space<hbm>>) target(%dma_start3A_229 : memref<72x64xf32, #tpu.memory_space<vmem>>) offsets(%dma_start3A_230 : memref<72xi32, #tpu.memory_space<vmem>>) semaphore(%arg14 : memref<!tpu.dma_semaphore, #tpu.memory_space<semaphore_mem>>)
      } else {
      }
      %lt3A_199 = arith.constant 31 : i32
      %lt3A_200 = arith.cmpi slt, %scan3A_94, %lt3A_199 : i32
      %convert_element_type3A_201 = arith.extui %lt3A_200 : i1 to i32
      %cond3A_202 = arith.constant 0 : i32
      %cond3A_203 = arith.cmpi ne, %convert_element_type3A_201, %cond3A_202 : i32
      scf.if %cond3A_203 {
        %dma_wait3A_204 = arith.constant 0 : i32
        %dma_wait3A_205 = arith.constant 0 : i32
        %dma_wait3A_206 = tpu.memref_slice %arg5[%dma_wait3A_204, %dma_wait3A_205] : memref<819200x128xf32, #tpu.memory_space<hbm>> -> memref<200x64xf32, #tpu.memory_space<hbm>>
        %dma_wait3A_207 = arith.constant 0 : i32
        %dma_wait3A_208 = arith.constant 0 : i32
        %dma_wait3A_209 = tpu.memref_slice %arg5[%dma_wait3A_207, %dma_wait3A_208] : memref<819200x128xf32, #tpu.memory_space<hbm>> -> memref<200x64xf32, #tpu.memory_space<hbm>>
        tpu.wait_dma2 semaphore(%arg19 : memref<!tpu.dma_semaphore, #tpu.memory_space<semaphore_mem>>) src(%arg11 : memref<200x64xf32, #tpu.memory_space<vmem>>) dst(%dma_wait3A_209 : memref<200x64xf32, #tpu.memory_space<hbm>>)
        %mul3A_210 = arith.constant 4 : i32
        %mul3A_211 = arith.muli %scan3A_94, %mul3A_210 : i32
        %add3A_212 = arith.constant 4 : i32
        %add3A_213 = arith.addi %mul3A_211, %add3A_212 : i32
        %add3A_214 = arith.constant 3 : i32
        %add3A_215 = arith.addi %add3A_213, %add3A_214 : i32
        %mul3A_216 = arith.constant 200 : i32
        %mul3A_217 = arith.muli %add3A_215, %mul3A_216 : i32
        %dma_start3A_218 = arith.constant 0 : i32
        %dma_start3A_219 = arith.constant 0 : i32
        %dma_start3A_220 = tpu.memref_slice %arg11[%dma_start3A_218, %dma_start3A_219] : memref<200x64xf32, #tpu.memory_space<vmem>> -> memref<128x64xf32, #tpu.memory_space<vmem>>
        %dma_start3A_221 = tpu.memref_slice %arg6[%mul3A_217] : memref<25600xi32, #tpu.memory_space<vmem>> -> memref<128xi32, #tpu.memory_space<vmem>>
        %dma_start3A_222 = arith.constant 0 : i32
        %dma_start3A_223 = arith.constant 0 : i32
        %dma_start3A_224 = tpu.memref_slice %arg3[%dma_start3A_222, %dma_start3A_223] : memref<1000000x64xf32, #tpu.memory_space<hbm>> -> memref<1000000x64xf32, #tpu.memory_space<hbm>>
        tpu.enqueue_indirect_dma source(%dma_start3A_224 : memref<1000000x64xf32, #tpu.memory_space<hbm>>) target(%dma_start3A_220 : memref<128x64xf32, #tpu.memory_space<vmem>>) offsets(%dma_start3A_221 : memref<128xi32, #tpu.memory_space<vmem>>) semaphore(%arg15 : memref<!tpu.dma_semaphore, #tpu.memory_space<semaphore_mem>>)
        %add3A_225 = arith.constant 128 : i32
        %add3A_226 = arith.addi %mul3A_217, %add3A_225 : i32
        %dma_start3A_227 = arith.constant 128 : i32
        %dma_start3A_228 = arith.constant 0 : i32
        %dma_start3A_229 = tpu.memref_slice %arg11[%dma_start3A_227, %dma_start3A_228] : memref<200x64xf32, #tpu.memory_space<vmem>> -> memref<72x64xf32, #tpu.memory_space<vmem>>
        %dma_start3A_230 = tpu.memref_slice %arg6[%add3A_226] : memref<25600xi32, #tpu.memory_space<vmem>> -> memref<72xi32, #tpu.memory_space<vmem>>
        %dma_start3A_231 = arith.constant 0 : i32
        %dma_start3A_232 = arith.constant 0 : i32
        %dma_start3A_233 = tpu.memref_slice %arg3[%dma_start3A_231, %dma_start3A_232] : memref<1000000x64xf32, #tpu.memory_space<hbm>> -> memref<1000000x64xf32, #tpu.memory_space<hbm>>
        tpu.enqueue_indirect_dma source(%dma_start3A_233 : memref<1000000x64xf32, #tpu.memory_space<hbm>>) target(%dma_start3A_229 : memref<72x64xf32, #tpu.memory_space<vmem>>) offsets(%dma_start3A_230 : memref<72xi32, #tpu.memory_space<vmem>>) semaphore(%arg15 : memref<!tpu.dma_semaphore, #tpu.memory_space<semaphore_mem>>)
      } else {
      }
    }
    %scan3A_70 = arith.constant 32 : i32
    %dma_wait3A = arith.constant 0 : i32
    %dma_wait3A_71 = arith.constant 0 : i32
    %dma_wait3A_72 = tpu.memref_slice %arg5[%dma_wait3A, %dma_wait3A_71] : memref<819200x128xf32, #tpu.memory_space<hbm>> -> memref<200x64xf32, #tpu.memory_space<hbm>>
    %dma_wait3A_73 = arith.constant 0 : i32
    %dma_wait3A_74 = arith.constant 0 : i32
    %dma_wait3A_75 = tpu.memref_slice %arg5[%dma_wait3A_73, %dma_wait3A_74] : memref<819200x128xf32, #tpu.memory_space<hbm>> -> memref<200x64xf32, #tpu.memory_space<hbm>>
    tpu.wait_dma2 semaphore(%arg16 : memref<!tpu.dma_semaphore, #tpu.memory_space<semaphore_mem>>) src(%arg8 : memref<200x64xf32, #tpu.memory_space<vmem>>) dst(%dma_wait3A_75 : memref<200x64xf32, #tpu.memory_space<hbm>>)
    %dma_wait3A_76 = arith.constant 0 : i32
    %dma_wait3A_77 = arith.constant 0 : i32
    %dma_wait3A_78 = tpu.memref_slice %arg5[%dma_wait3A_76, %dma_wait3A_77] : memref<819200x128xf32, #tpu.memory_space<hbm>> -> memref<200x64xf32, #tpu.memory_space<hbm>>
    %dma_wait3A_79 = arith.constant 0 : i32
    %dma_wait3A_80 = arith.constant 0 : i32
    %dma_wait3A_81 = tpu.memref_slice %arg5[%dma_wait3A_79, %dma_wait3A_80] : memref<819200x128xf32, #tpu.memory_space<hbm>> -> memref<200x64xf32, #tpu.memory_space<hbm>>
    tpu.wait_dma2 semaphore(%arg17 : memref<!tpu.dma_semaphore, #tpu.memory_space<semaphore_mem>>) src(%arg9 : memref<200x64xf32, #tpu.memory_space<vmem>>) dst(%dma_wait3A_81 : memref<200x64xf32, #tpu.memory_space<hbm>>)
    %dma_wait3A_82 = arith.constant 0 : i32
    %dma_wait3A_83 = arith.constant 0 : i32
    %dma_wait3A_84 = tpu.memref_slice %arg5[%dma_wait3A_82, %dma_wait3A_83] : memref<819200x128xf32, #tpu.memory_space<hbm>> -> memref<200x64xf32, #tpu.memory_space<hbm>>
    %dma_wait3A_85 = arith.constant 0 : i32
    %dma_wait3A_86 = arith.constant 0 : i32
    %dma_wait3A_87 = tpu.memref_slice %arg5[%dma_wait3A_85, %dma_wait3A_86] : memref<819200x128xf32, #tpu.memory_space<hbm>> -> memref<200x64xf32, #tpu.memory_space<hbm>>
    tpu.wait_dma2 semaphore(%arg18 : memref<!tpu.dma_semaphore, #tpu.memory_space<semaphore_mem>>) src(%arg10 : memref<200x64xf32, #tpu.memory_space<vmem>>) dst(%dma_wait3A_87 : memref<200x64xf32, #tpu.memory_space<hbm>>)
    %dma_wait3A_88 = arith.constant 0 : i32
    %dma_wait3A_89 = arith.constant 0 : i32
    %dma_wait3A_90 = tpu.memref_slice %arg5[%dma_wait3A_88, %dma_wait3A_89] : memref<819200x128xf32, #tpu.memory_space<hbm>> -> memref<200x64xf32, #tpu.memory_space<hbm>>
    %dma_wait3A_91 = arith.constant 0 : i32
    %dma_wait3A_92 = arith.constant 0 : i32
    %dma_wait3A_93 = tpu.memref_slice %arg5[%dma_wait3A_91, %dma_wait3A_92] : memref<819200x128xf32, #tpu.memory_space<hbm>> -> memref<200x64xf32, #tpu.memory_space<hbm>>
    tpu.wait_dma2 semaphore(%arg19 : memref<!tpu.dma_semaphore, #tpu.memory_space<semaphore_mem>>) src(%arg11 : memref<200x64xf32, #tpu.memory_space<vmem>>) dst(%dma_wait3A_93 : memref<200x64xf32, #tpu.memory_space<hbm>>)
    return
  }
}

</mosaic_0001>

<sc_bundles>
// kernel: _run.3.cloned.1.call-start
scs
__scs_entry_jumppad:
0x0: {  	(pc) =	sbr.rel $0x88, $3  }
0x1: {  	(tag) =	ssettag $0x0;
	lr =	simm.s32 $0x1  }
0x2: {  	[smem:$0x3F9E] =	sst lr;
	_ =	strace $0xD0000000  }
0x3: {  	_ = 	snop  }
0x4: {  	_ = 	snop  }
0x5: {  	_ = 	snop  }
0x6: {  	_ = 	snop  }
0x7: {  	_ = 	snop  }
__scs_overlays_trampoline_lowered:
0x8: {  	[smem:$0x3FAD] =	sst s0  }
0x9: {  	[smem:$0x3FAE] =	sst s1  }
0xa: {  	[smem:$0x3FAF] =	sst s2  }
0xb: {  	[smem:$0x3FB0] =	sst s3  }
0xc: {  	[smem:$0x3FB1] =	sst s4  }
0xd: {  	[smem:$0x3FB2] =	sst s5  }
0xe: {  	[smem:$0x3FB3] =	sst s6  }
0xf: {  	[smem:$0x3FB4] =	sst s7  }
0x10: {  	[smem:$0x3FB5] =	sst s8  }
0x11: {  	[smem:$0x3FB6] =	sst s9;
	s0 =	simm.s32 @!p0 $0x0  }
0x12: {  	s1 =	sld [smem:$0x3F9C];
	s0 =	simm.s32 @p0 $0x1  }
0x13: {  	[smem:$0x3FB7] =	sst s0;
	s0 =	simm.s32 @!p1 $0x0  }
0x14: {  	s2 =	sld [smem:$0x3F9B];
	s0 =	simm.s32 @p1 $0x1  }
0x15: {  	[smem:$0x3FB8] =	sst s0;
	s0 =	simm.s32 @!p2 $0x0  }
0x16: {  	s3 =	sld [smem:$0x3FDB];
	s0 =	simm.s32 @p2 $0x1  }
0x17: {  	s4 =	simm.s32 $0x1BF5;
	[smem:$0x3FBA] =	sst s0  }
0x18: {  	s0 =	sld [smem:$0x3F9D];
	_ =	swait.ge [sflag:s4], $0x0  }
0x19: {  	s7 =	sld [smem:$0x3F9E]  }
0x1a: {  	s8 =	sadd.s32 $0xFFFFE003, lr  }
0x1b: {  	s9 =	sadd.s32 $0xFFFFFEF7, lr;
	s5 =	simm.s32 $0xFFFFFFFF;
	p2 =	slt.u32 s8, $0xFFFFF086  }
0x1c: {  	p1 =	slt.u32 s9, $0xF7A;
	s5 =	simm.s32 @!p2 $0x0  }
0x1d: {  	s5 =	simm.s32 @p1 $0x1;
	p0 =	seq.s32 s7, s2  }
0x1e: {  	s7 =	smul.u32 @!p0 $0xF7A, s2;
	p2 =	seq.s32 @!p0 s5, $0x0  }
0x1f: {  	s9 =	smul.u32 $0xF7A, s1;
	s8 =	simm.s32 @!p0 $0x1BF5;
	p2 =	por !p2, p0  }
0x20: {  	[sflag:s8] =	ssyncset.s32 @!p0 $0xFFFFF086;
	s6 =	sadd.s32 @!p0 s3, s7;
	s7 =	simm.s32 @!p0 $0x108  }
0x21: {  	s3 =	sadd.s32 s3, s9;
	s6 =	sadd.s32 @!p0 $0x88, s6;
	s7 =	simm.s32 @p2 $0x1082  }
0x22: {  	[simem:s7], [sflag:s8] =	dma.local @!p0 [hbm:s6], $0xF7A  }
0x23: {  	s9 =	sor.u32 $0xD0000000, s2;
	s6 =	simm.s32 $0x108;
	_ =	swait.ge @!p0 [sflag:s8], $0x0  }
0x24: {  	s3 =	sadd.s32 $0x88, s3;
	s6 =	simm.s32 @!p1 $0x1082;
	[sflag:s4] =	ssyncset.s32 $0xFFFFF086  }
0x25: {  	[simem:s6], [sflag:s4] =	dma.local [hbm:s3], $0xF7A  }
0x26: {  	[smem:$0x3F9E] =	sst s1;
	(tag) =	ssettag s2;
	_ =	strace s9  }
0x27: {  	s1 =	sld [smem:$0x3FAE]  }
0x28: {  	s2 =	sld [smem:$0x3FAF]  }
0x29: {  	s4 =	sld [smem:$0x3FB1]  }
0x2a: {  	p0 =	seq.s32 s5, $0x0;
	s5 =	sld [smem:$0x3FB2]  }
0x2b: {  	s6 =	sld [smem:$0x3FB3]  }
0x2c: {  	s7 =	sld [smem:$0x3FB4]  }
0x2d: {  	s3 =	simm.s32 $0x108;
	s8 =	sld [smem:$0x3FB5]  }
0x2e: {  	s3 =	simm.s32 @!p0 $0x1082;
	s9 =	sld [smem:$0x3FB6]  }
0x2f: {  	lr =	sadd.s32 s0, s3;
	s0 =	sld [smem:$0x3FAD]  }
0x30: {  	s3 =	sld [smem:$0x3FB0]  }
0x31: {  	[smem:$0x3FB9] =	sst s10  }
0x32: {  	s10 =	sld [smem:$0x3FB7];
	_ =	sdelay $0x3  }
0x33: {  	p0 =	seq.s32 s10, $0x1;
	s10 =	sld [smem:$0x3FB9];
	_ =	sdelay $0x3  }
0x34: {  	[smem:$0x3FB9] =	sst s10  }
0x35: {  	s10 =	sld [smem:$0x3FB8];
	_ =	sdelay $0x3  }
0x36: {  	p1 =	seq.s32 s10, $0x1;
	s10 =	sld [smem:$0x3FB9];
	_ =	sdelay $0x3  }
0x37: {  	[smem:$0x3FB9] =	sst s10  }
0x38: {  	s10 =	sld [smem:$0x3FBA]  }
0x39: {  	_ = 	snop;
	(pc) =	sbr.ind lr, $3  }
0x3a: {  	_ = 	snop  }
0x3b: {  	_ = 	snop  }
0x3c: {  	p2 =	seq.s32 s10, $0x1;
	s10 =	sld [smem:$0x3FB9]  }
0x3d: {  	_ =	shalt  }
0x3e: {  	_ =	shalt  }
0x3f: {  	_ =	shalt  }
0x40: {  	_ =	shalt  }
0x41: {  	_ =	shalt  }
0x42: {  	_ =	shalt  }
0x43: {  	_ =	shalt  }
0x44: {  	_ =	shalt  }
0x45: {  	_ =	shalt  }
0x46: {  	_ =	shalt  }
0x47: {  	_ =	shalt  }
0x48: {  	_ =	shalt  }
0x49: {  	_ =	shalt  }
0x4a: {  	_ =	shalt  }
0x4b: {  	_ =	shalt  }
0x4c: {  	_ =	shalt  }
0x4d: {  	_ =	shalt  }
0x4e: {  	_ =	shalt  }
0x4f: {  	_ =	shalt  }
0x50: {  	_ =	shalt  }
0x51: {  	_ =	shalt  }
0x52: {  	_ =	shalt  }
0x53: {  	_ =	shalt  }
0x54: {  	_ =	shalt  }
0x55: {  	_ =	shalt  }
0x56: {  	_ =	shalt  }
0x57: {  	_ =	shalt  }
0x58: {  	_ =	shalt  }
0x59: {  	_ =	shalt  }
0x5a: {  	_ =	shalt  }
0x5b: {  	_ =	shalt  }
0x5c: {  	_ =	shalt  }
0x5d: {  	_ =	shalt  }
0x5e: {  	_ =	shalt  }
0x5f: {  	_ =	shalt  }
0x60: {  	_ =	shalt  }
0x61: {  	_ =	shalt  }
0x62: {  	_ =	shalt  }
0x63: {  	_ =	shalt  }
0x64: {  	_ =	shalt  }
0x65: {  	_ =	shalt  }
0x66: {  	_ =	shalt  }
0x67: {  	_ =	shalt  }
0x68: {  	_ =	shalt  }
0x69: {  	_ =	shalt  }
0x6a: {  	_ =	shalt  }
0x6b: {  	_ =	shalt  }
0x6c: {  	_ =	shalt  }
0x6d: {  	_ =	shalt  }
0x6e: {  	_ =	shalt  }
0x6f: {  	_ =	shalt  }
0x70: {  	_ =	shalt  }
0x71: {  	_ =	shalt  }
0x72: {  	_ =	shalt  }
0x73: {  	_ =	shalt  }
0x74: {  	_ =	shalt  }
0x75: {  	_ =	shalt  }
0x76: {  	_ =	shalt  }
0x77: {  	_ =	shalt  }
0x78: {  	_ =	shalt  }
0x79: {  	_ =	shalt  }
0x7a: {  	_ =	shalt  }
0x7b: {  	_ =	shalt  }
0x7c: {  	_ =	shalt  }
0x7d: {  	_ =	shalt  }
0x7e: {  	_ =	shalt  }
0x7f: {  	_ =	shalt  }
0x80: {  	_ =	shalt  }
0x81: {  	_ =	shalt  }
0x82: {  	_ =	shalt  }
0x83: {  	_ =	shalt  }
0x84: {  	_ =	shalt  }
0x85: {  	_ =	shalt  }
0x86: {  	_ =	shalt  }
0x87: {  	_ =	shalt  }
.Lfunc_end0:
.L_simem_size_0:
called_computation_lowered:
.L_overlay_start_0:
0x88: {  	s2 =	sld [smem:$0x3FD9]  }
0x89: {  	s3 =	sld [smem:$0x3FFE];
	_ =	sdelay $0x1  }
0x8a: {  	s1 =	srdreg.scid  }
0x8b: {  	s0 =	sand.u32 $0x1, s1  }
0x8c: {  	s17 =	sshll.u32 s0, $0xA;
	s2 =	sadd.s32 s3, s2  }
0x8d: {  	s2 =	sadd.s32 s2, s17  }
0x8e: {  	[smem:$0x3FC5] =	sst s2  }
0x8f: {  	_ = 	snop  }
0x90: {  	s2 =	sld [smem:$0x3FC9]  }
0x91: {  	s18 =	sld [smem:$0x3FD0];
	(tm) =	ssettm $0x1  }
0x92: {  	s4 =	sld [smem:$0x3FFB];
	_ =	sdelay $0x3  }
0x93: {  	_ =	strace s4  }
0x94: {  	s4 =	sld [smem:$0x3FFC];
	_ =	sdelay $0x3  }
0x95: {  	_ =	strace s4  }
0x96: {  	s4 =	sld [smem:$0x3FFD];
	_ =	sdelay $0x3  }
0x97: {  	_ =	strace s4  }
0x98: {  	_ =	strace $0x8FFFFFFF  }
0x99: {  	s19 =	sld [smem:$0x3FDB];
	_ =	sdelay $0x1  }
0x9a: {  	s5 =	simm.s32 $_scs_section_size  }
0x9b: {  	s6 =	simm.s32 $_size__tile_overlayer_lowered;
	s7 =	simm.s32 $_tile_overlayer_lowered  }
0x9c: {  	s22 =	simm.s32 $0x1BFF;
	s21 =	sshll.u32 s7, $0x1;
	s4 =	sadd.s32 s5, s19  }
0x9d: {  	s8 =	simm.s32 $0x0;
	s20 =	sshll.u32 s6, $0x1;
	s6 =	sadd.s32 s21, s4  }
0x9e: {  	[timem:s8], [sflag:s22] =	dma.local [hbm:s6], s20  }
0x9f: {  	_ =	swait.ge [sflag:s22], s20  }
0xa0: {  	s5 =	ssub.s32 $0x0, s20;
	[sflag:s22] =	ssyncset.done $0x0  }
0xa1: {  	[sflag:s22] =	ssyncadd.s32 s5;
	_ =	sdelay $0x1  }
0xa2: {  	s23 =	simm.s32 $0x1B8B  }
0xa3: {  	_ =	swait.ge [sflag:s23], $0x1  }
0xa4: {  	[sflag:s23] =	ssyncset.done $0x0  }
0xa5: {  	s25 =	simm.s32 $0x1B8E;
	s24 =	sld [smem:$0x3FFE];
	[sflag:s23] =	ssyncadd.s32 $0xFFFFFFFF  }
0xa6: {  	s26 =	simm.s32 $execute0_lowered;
	[smem:$0x3FD2] =	sst s25  }
0xa7: {  	s6 =	sshll.u32 s26, $0x1;
	_ =	strace $0x80000046;
	[dreg:$0x1] =	wrdreg $0xFFFFFFFF  }
0xa8: {  	s28 =	simm.s32 $_size_execute0_lowered;
	s4 =	sadd.s32 s4, s6;
	[dreg:$0x0] =	wrdreg $0x0  }
0xa9: {  	s6 =	sshll.u32 s28, $0x1;
	[dreg:$0x2] =	wrdreg s4  }
0xaa: {  	[dreg:$0x3] =	wrdreg s6  }
0xab: {  	[dreg:$0x4] =	wrdreg $0xC0  }
0xac: {  	_ =	task [dreg:s8], $0x5FFFF  }
0xad: {  	[dreg:$0x1] =	wrdreg $0xFFFFFFFF  }
0xae: {  	[dreg:$0x0] =	wrdreg $0x60  }
0xaf: {  	[dreg:$0x2] =	wrdreg s2  }
0xb0: {  	[dreg:$0x3] =	wrdreg s24  }
0xb1: {  	[dreg:$0x4] =	wrdreg s18  }
0xb2: {  	[dreg:$0x5] =	wrdreg $0x9  }
0xb3: {  	_ =	task.clear_ibuf [dreg:s8], $0x6FFFF;
	_ =	strace $0x90000046  }
0xb4: {  	s29 =	simm.s32 $0x9;
	_ =	strace $0x80000048  }
0xb5: {  	_ =	swait.ge [sflag:s29], $0x1  }
0xb6: {  	[sflag:s29] =	ssyncadd.s32 $0xFFFFFFFF  }
0xb7: {  	_ =	strace $0x90000048  }
0xb8: {  	_ =	sfence  }
0xb9: {  	s30 =	sld [smem:$0x0];
	_ =	sdelay $0x2  }
0xba: {  	s31 =	sshll.u32 s1, $0xD;
	s1 =	sshrl.u32 s1, $0x2  }
0xbb: {  	s3 =	sand.u32 $0x4000, s31;
	s1 =	sadd.s32 s1, s30  }
0xbc: {  	s0 =	sor.u32 s3, s0;
	s1 =	sshll.u32 s1, $0x11  }
0xbd: {  	s0 =	sor.u32 s1, s0  }
0xbe: {  	s0 =	sadd.s32 $0x8F2B, s0  }
0xbf: {  	[sflag:s0] =	ssyncadd.remote.s32 $0x1  }
0xc0: {  	_ =	sfence.sel $0xFFFF  }
0xc1: {  	[dreg:$0x0] =	wrdreg $0xFFFFFFFF;
	(pc) =	sbr.abs _section_cstart, $3  }
0xc2: {  	[dreg:$0x1] =	wrdreg $0xFFFFFFFF  }
0xc3: {  	_ =	task.clear_ibuf [dreg:s8], $0x2FFFF;
	_ =	strace $0x9FFFFFFF  }
0xc4: {  	(tm) =	ssettm $0x7FFFFFFF  }
0xc5: {  	_ =	shalt  }
tec
execute0_lowered:
.L_overlay_start_1:
0x0: {  	(tag) =	ssettag $0x1  }
0x1: {  	s0 =	rddreg [dreg:$0x0]  }
0x2: {  	s1 =	rddreg [dreg:$0x1]  }
0x3: {  	s3 =	srdreg.scid;
	s5 =	stileid.u32  }
0x4: {  	s2 =	rddreg [dreg:$0x2];
	s13 =	simm.s32 $0x9;
	s14 =	simm.s32 $0x80  }
0x5: {  	s15 =	simm.s32 $0x9600;
	s16 =	simm.s32 $0x48;
	s19 =	simm.s32 $0xC800  }
0x6: {  	s23 =	simm.s32 $0xFA00;
	s28 =	simm.s32 $0x12C00;
	s30 =	simm.s32 $0x14C00  }
0x7: {  	s31 =	simm.s32 $0x1;
	s12 =	simm.s32 $0x3;
	s17 =	simm.s32 $0x4  }
0x8: {  	s18 =	simm.s32 $0x5;
	s20 =	simm.s32 $0x6;
	s21 =	simm.s32 $0x7  }
0x9: {  	s22 =	simm.s32 $0x8;
	s4 =	sand.u32 $0x1, s3;
	s3 =	simm.s32 $0x0  }
0xa: {  	s24 =	simm.s32 $0x0;
	s5 =	sshll.u32 s5, $0x1;
	[smem:$0x7FF] =	sst s3  }
0xb: {  	s5 =	sor.u32 s4, s5;
	s6 =	ssub.s32 $0x2, s4;
	_ =	strace $0x80000047  }
0xc: {  	s4 =	smul.u32 $0x6400, s5;
	s5 =	sadd.s32 $0xF42A00, s1;
	s1 =	sadd.s32 $0x600, s1  }
.Ltmp0:
0xd: {  	s7 =	sshrl.u32 s6, $0x1;
	[dreg:$0x4] =	wrdreg s1;
	(pc) =	sbr.rel .LBB2_1-.Ltmp0, $4  }
0xe: {  	s25 =	ssub.s32 s6, s7;
	s1 =	simm.s32 $0x40;
	s26 =	sshrl.u32 s4, $0x3  }
0xf: {  	s8 =	sor.u32 $0xC8, s4;
	s9 =	sor.u32 $0x190, s4;
	s29 =	smax.u32 s25, $0x1  }
0x10: {  	s10 =	sor.u32 $0x258, s4;
	s0 =	sadd.s32 s0, s26;
	[dreg:$0x6] =	wrdreg s29  }
0x11: {  	s25 =	simm.s32 $0x11A00;
	[dreg:$0x5] =	wrdreg s0;
	s0 =	simm.s32 $0x2  }
.LBB2_12:
0x12: {  	_ =	swait.ge [sflag:s18], $0x3200  }
0x13: {  	[sflag:s18] =	ssyncset.done $0x0  }
0x14: {  	[sflag:s18] =	ssyncadd.s32 $0xFFFFCE00  }
0x15: {  	_ =	swait.ge [sflag:s20], $0x3200  }
0x16: {  	[sflag:s20] =	ssyncset.done $0x0  }
0x17: {  	[sflag:s20] =	ssyncadd.s32 $0xFFFFCE00  }
0x18: {  	_ =	swait.ge [sflag:s21], $0x3200  }
0x19: {  	[sflag:s21] =	ssyncset.done $0x0  }
0x1a: {  	[sflag:s21] =	ssyncadd.s32 $0xFFFFCE00  }
0x1b: {  	_ =	swait.ge [sflag:s22], $0x3200  }
0x1c: {  	s24 =	sadd.s32 $0x1, s24;
	s6 =	rddreg [dreg:$0x6]  }
0x1d: {  	p0 =	sne.s32 s24, s6  }
.Ltmp1:
0x1e: {  	_ = 	snop;
	(pc) =	sbr.rel @!p0 .LBB2_13-.Ltmp1, $3  }
0x1f: {  	_ =	sdelay $0x1  }
0x20: {  	[sflag:s22] =	ssyncset.done $0x0  }
0x21: {  	[sflag:s22] =	ssyncadd.s32 $0xFFFFCE00  }
.LBB2_1:
0x22: {  	s6 =	rddreg [dreg:$0x4];
	s7 =	simm.s32 $0x6400  }
0x23: {  	[tilespmem:s7], [sflag:$0x9] =	stream.linear.gather [hbm4b:s6+s3], $0x3200, $0x38;
	[tilespmem:$0x15E00] =	vst v63  }
0x24: {  	_ =	swait.ge [sflag:s13], $0x3200  }
0x25: {  	[sflag:s13] =	ssyncset.done $0x0  }
0x26: {  	s29 =	rddreg [dreg:$0x5];
	[sflag:s13] =	ssyncadd.s32 $0xFFFFCE00  }
0x27: {  	[tilespmem:s3], [sflag:$0x9] =	stream.linear.gather [hbm4b:s29+s3], $0x6400, $0x38;
	[tilespmem:$0x15E00] =	vst v63  }
0x28: {  	_ =	swait.ge [sflag:s13], $0x6400  }
0x29: {  	[sflag:s13] =	ssyncset.done $0x0  }
0x2a: {  	[sflag:s13] =	ssyncadd.s32 $0xFFFF9C00  }
0x2b: {  	[tilespmem:s15], [sflag:$0x1] =	stream.indirect.gather [hbm4b:s5+s14], $0x40, s3, s14, $0xb8;
	[tilespmem:$0x15E00] =	vst v63  }
0x2c: {  	s7 =	simm.s32 $0xB600  }
0x2d: {  	[tilespmem:s7], [sflag:$0x1] =	stream.indirect.gather [hbm4b:s5+s16], $0x40, s14, s16, $0xb8;
	[tilespmem:$0x15E00] =	vst v63  }
0x2e: {  	s11 =	simm.s32 $0xC8  }
0x2f: {  	[tilespmem:s19], [sflag:$0x2] =	stream.indirect.gather [hbm4b:s5+s14], $0x40, s11, s14, $0xb8;
	[tilespmem:$0x15E00] =	vst v63  }
0x30: {  	s26 =	simm.s32 $0x148;
	s29 =	simm.s32 $0xE800  }
0x31: {  	[tilespmem:s29], [sflag:$0x2] =	stream.indirect.gather [hbm4b:s5+s16], $0x40, s26, s16, $0xb8;
	[tilespmem:$0x15E00] =	vst v63  }
0x32: {  	s7 =	simm.s32 $0x190  }
0x33: {  	[tilespmem:s23], [sflag:$0x3] =	stream.indirect.gather [hbm4b:s5+s14], $0x40, s7, s14, $0xb8;
	[tilespmem:$0x15E00] =	vst v63  }
0x34: {  	s11 =	simm.s32 $0x210  }
0x35: {  	[tilespmem:s25], [sflag:$0x3] =	stream.indirect.gather [hbm4b:s5+s16], $0x40, s11, s16, $0xb8;
	[tilespmem:$0x15E00] =	vst v63  }
0x36: {  	s26 =	simm.s32 $0x258  }
0x37: {  	[tilespmem:s28], [sflag:$0x4] =	stream.indirect.gather [hbm4b:s5+s14], $0x40, s26, s14, $0xb8;
	[tilespmem:$0x15E00] =	vst v63  }
0x38: {  	s29 =	simm.s32 $0x2D8;
	s26 =	simm.s32 $0x0  }
0x39: {  	[tilespmem:s30], [sflag:$0x4] =	stream.indirect.gather [hbm4b:s5+s16], $0x40, s29, s16, $0xb8;
	[tilespmem:$0x15E00] =	vst v63  }
.LBB2_2:
0x3a: {  	_ =	swait.ge [sflag:s31], $0x3200  }
0x3b: {  	[sflag:s31] =	ssyncset.done $0x0  }
0x3c: {  	s6 =	simm.s32 $0x0;
	s29 =	simm.s32 $0x800;
	[sflag:s31] =	ssyncadd.s32 $0xFFFFCE00  }
.LBB2_3:
0x3d: {  	p0 =	sne.s32 s29, $0xC000;
	v0 =	vld [tilespmem:s6+$0x65F0]  }
0x3e: {  	v1 =	vld [tilespmem:s6+$0x6400]  }
0x3f: {  	v2 =	vld [tilespmem:s6+$0x6410]  }
0x40: {  	v3 =	vld [tilespmem:s6+$0x6420]  }
0x41: {  	v4 =	vld [tilespmem:s6+$0x6430]  }
0x42: {  	[tilespmem:s6+$0x97F0] =	vst.add.f32.msk $0xffff, v0  }
0x43: {  	v0 =	vld [tilespmem:s6+$0x6440]  }
0x44: {  	v5 =	vld [tilespmem:s6+$0x6450]  }
0x45: {  	v6 =	vld [tilespmem:s6+$0x6460]  }
0x46: {  	v7 =	vld [tilespmem:s6+$0x6470]  }
0x47: {  	v8 =	vld [tilespmem:s6+$0x6480]  }
0x48: {  	v9 =	vld [tilespmem:s6+$0x6490]  }
0x49: {  	v10 =	vld [tilespmem:s6+$0x64A0]  }
0x4a: {  	v11 =	vld [tilespmem:s6+$0x64B0]  }
0x4b: {  	v12 =	vld [tilespmem:s6+$0x64C0]  }
0x4c: {  	v13 =	vld [tilespmem:s6+$0x64D0]  }
0x4d: {  	v14 =	vld [tilespmem:s6+$0x64E0]  }
0x4e: {  	v15 =	vld [tilespmem:s6+$0x64F0]  }
0x4f: {  	v16 =	vld [tilespmem:s6+$0x6500]  }
0x50: {  	v17 =	vld [tilespmem:s6+$0x6510]  }
0x51: {  	v18 =	vld [tilespmem:s6+$0x6520]  }
0x52: {  	v19 =	vld [tilespmem:s6+$0x6530]  }
0x53: {  	v20 =	vld [tilespmem:s6+$0x6540]  }
0x54: {  	v21 =	vld [tilespmem:s6+$0x6550]  }
0x55: {  	v22 =	vld [tilespmem:s6+$0x6560]  }
0x56: {  	v23 =	vld [tilespmem:s6+$0x6570]  }
0x57: {  	v24 =	vld [tilespmem:s6+$0x6580]  }
0x58: {  	v25 =	vld [tilespmem:s6+$0x6590]  }
0x59: {  	v26 =	vld [tilespmem:s6+$0x65A0]  }
0x5a: {  	v27 =	vld [tilespmem:s6+$0x65B0]  }
0x5b: {  	v28 =	vld [tilespmem:s6+$0x65C0]  }
0x5c: {  	v29 =	vld [tilespmem:s6+$0x65D0]  }
0x5d: {  	v30 =	vld [tilespmem:s6+$0x65E0]  }
0x5e: {  	[tilespmem:s6+$0x9600] =	vst.add.f32.msk $0xffff, v1  }
0x5f: {  	[tilespmem:s6+$0x9610] =	vst.add.f32.msk $0xffff, v2  }
0x60: {  	[tilespmem:s6+$0x9620] =	vst.add.f32.msk $0xffff, v3  }
0x61: {  	[tilespmem:s6+$0x9630] =	vst.add.f32.msk $0xffff, v4  }
0x62: {  	[tilespmem:s6+$0x9640] =	vst.add.f32.msk $0xffff, v0  }
0x63: {  	[tilespmem:s6+$0x9650] =	vst.add.f32.msk $0xffff, v5  }
0x64: {  	[tilespmem:s6+$0x9660] =	vst.add.f32.msk $0xffff, v6  }
0x65: {  	[tilespmem:s6+$0x9670] =	vst.add.f32.msk $0xffff, v7  }
0x66: {  	[tilespmem:s6+$0x9680] =	vst.add.f32.msk $0xffff, v8  }
0x67: {  	[tilespmem:s6+$0x9690] =	vst.add.f32.msk $0xffff, v9  }
0x68: {  	[tilespmem:s6+$0x96A0] =	vst.add.f32.msk $0xffff, v10  }
0x69: {  	[tilespmem:s6+$0x96B0] =	vst.add.f32.msk $0xffff, v11  }
0x6a: {  	[tilespmem:s6+$0x96C0] =	vst.add.f32.msk $0xffff, v12  }
0x6b: {  	[tilespmem:s6+$0x96D0] =	vst.add.f32.msk $0xffff, v13  }
0x6c: {  	[tilespmem:s6+$0x96E0] =	vst.add.f32.msk $0xffff, v14  }
0x6d: {  	[tilespmem:s6+$0x96F0] =	vst.add.f32.msk $0xffff, v15  }
0x6e: {  	[tilespmem:s6+$0x9700] =	vst.add.f32.msk $0xffff, v16  }
0x6f: {  	[tilespmem:s6+$0x9710] =	vst.add.f32.msk $0xffff, v17  }
0x70: {  	[tilespmem:s6+$0x9720] =	vst.add.f32.msk $0xffff, v18  }
0x71: {  	[tilespmem:s6+$0x9730] =	vst.add.f32.msk $0xffff, v19  }
0x72: {  	[tilespmem:s6+$0x9740] =	vst.add.f32.msk $0xffff, v20  }
0x73: {  	[tilespmem:s6+$0x9750] =	vst.add.f32.msk $0xffff, v21  }
0x74: {  	[tilespmem:s6+$0x9760] =	vst.add.f32.msk $0xffff, v22  }
0x75: {  	[tilespmem:s6+$0x9770] =	vst.add.f32.msk $0xffff, v23  }
0x76: {  	[tilespmem:s6+$0x9780] =	vst.add.f32.msk $0xffff, v24  }
0x77: {  	[tilespmem:s6+$0x9790] =	vst.add.f32.msk $0xffff, v25  }
.Ltmp2:
0x78: {  	[tilespmem:s6+$0x97A0] =	vst.add.f32.msk $0xffff, v26;
	(pc) =	sbr.rel @p0 .LBB2_3-.Ltmp2, $4  }
0x79: {  	[tilespmem:s6+$0x97B0] =	vst.add.f32.msk $0xffff, v27  }
0x7a: {  	[tilespmem:s6+$0x97C0] =	vst.add.f32.msk $0xffff, v28  }
0x7b: {  	[tilespmem:s6+$0x97D0] =	vst.add.f32.msk $0xffff, v29  }
0x7c: {  	[tilespmem:s6+$0x97E0] =	vst.add.f32.msk $0xffff, v30;
	s6 =	sshra.s32 s29, $0x2;
	s29 =	sadd.s32 $0x800, s29  }
0x7d: {  	v0 =	vld [tilespmem:s6+$0x65F0]  }
0x7e: {  	v1 =	vld [tilespmem:s6+$0x6400]  }
0x7f: {  	v2 =	vld [tilespmem:s6+$0x6410]  }
0x80: {  	v3 =	vld [tilespmem:s6+$0x6420]  }
0x81: {  	v4 =	vld [tilespmem:s6+$0x6430]  }
0x82: {  	v63 =	vld [tilespmem:s6+$0x6440]  }
0x83: {  	v5 =	vld [tilespmem:s6+$0x6450]  }
0x84: {  	v6 =	vld [tilespmem:s6+$0x6460]  }
0x85: {  	v7 =	vld [tilespmem:s6+$0x6470]  }
0x86: {  	v8 =	vld [tilespmem:s6+$0x6480]  }
0x87: {  	v9 =	vld [tilespmem:s6+$0x6490]  }
0x88: {  	v10 =	vld [tilespmem:s6+$0x64A0]  }
0x89: {  	v11 =	vld [tilespmem:s6+$0x64B0]  }
0x8a: {  	v12 =	vld [tilespmem:s6+$0x64C0]  }
0x8b: {  	v13 =	vld [tilespmem:s6+$0x64D0]  }
0x8c: {  	v14 =	vld [tilespmem:s6+$0x64E0]  }
0x8d: {  	v15 =	vld [tilespmem:s6+$0x64F0]  }
0x8e: {  	v16 =	vld [tilespmem:s6+$0x6500]  }
0x8f: {  	v17 =	vld [tilespmem:s6+$0x6510]  }
0x90: {  	v18 =	vld [tilespmem:s6+$0x6520]  }
0x91: {  	v19 =	vld [tilespmem:s6+$0x6530]  }
0x92: {  	v20 =	vld [tilespmem:s6+$0x6540]  }
0x93: {  	v21 =	vld [tilespmem:s6+$0x6550]  }
0x94: {  	v22 =	vld [tilespmem:s6+$0x6560]  }
0x95: {  	v23 =	vld [tilespmem:s6+$0x6570]  }
0x96: {  	v24 =	vld [tilespmem:s6+$0x6580]  }
0x97: {  	v25 =	vld [tilespmem:s6+$0x6590]  }
0x98: {  	v26 =	vld [tilespmem:s6+$0x65A0]  }
0x99: {  	v27 =	vld [tilespmem:s6+$0x65B0]  }
0x9a: {  	v28 =	vld [tilespmem:s6+$0x65C0]  }
0x9b: {  	v29 =	vld [tilespmem:s6+$0x65D0]  }
0x9c: {  	v30 =	vld [tilespmem:s6+$0x65E0]  }
0x9d: {  	[tilespmem:s6+$0x97F0] =	vst.add.f32.msk $0xffff, v0  }
0x9e: {  	[tilespmem:s6+$0x9600] =	vst.add.f32.msk $0xffff, v1  }
0x9f: {  	[tilespmem:s6+$0x9610] =	vst.add.f32.msk $0xffff, v2  }
0xa0: {  	[tilespmem:s6+$0x9620] =	vst.add.f32.msk $0xffff, v3  }
0xa1: {  	[tilespmem:s6+$0x9630] =	vst.add.f32.msk $0xffff, v4  }
0xa2: {  	[tilespmem:s6+$0x9640] =	vst.add.f32.msk $0xffff, v63  }
0xa3: {  	[tilespmem:s6+$0x9650] =	vst.add.f32.msk $0xffff, v5  }
0xa4: {  	[tilespmem:s6+$0x9660] =	vst.add.f32.msk $0xffff, v6  }
0xa5: {  	[tilespmem:s6+$0x9670] =	vst.add.f32.msk $0xffff, v7  }
0xa6: {  	[tilespmem:s6+$0x9680] =	vst.add.f32.msk $0xffff, v8  }
0xa7: {  	[tilespmem:s6+$0x9690] =	vst.add.f32.msk $0xffff, v9  }
0xa8: {  	[tilespmem:s6+$0x96A0] =	vst.add.f32.msk $0xffff, v10  }
0xa9: {  	[tilespmem:s6+$0x96B0] =	vst.add.f32.msk $0xffff, v11  }
0xaa: {  	[tilespmem:s6+$0x96C0] =	vst.add.f32.msk $0xffff, v12  }
0xab: {  	[tilespmem:s6+$0x96D0] =	vst.add.f32.msk $0xffff, v13  }
0xac: {  	[tilespmem:s6+$0x96E0] =	vst.add.f32.msk $0xffff, v14  }
0xad: {  	[tilespmem:s6+$0x96F0] =	vst.add.f32.msk $0xffff, v15  }
0xae: {  	[tilespmem:s6+$0x9700] =	vst.add.f32.msk $0xffff, v16  }
0xaf: {  	[tilespmem:s6+$0x9710] =	vst.add.f32.msk $0xffff, v17  }
0xb0: {  	[tilespmem:s6+$0x9720] =	vst.add.f32.msk $0xffff, v18  }
0xb1: {  	[tilespmem:s6+$0x9730] =	vst.add.f32.msk $0xffff, v19  }
0xb2: {  	[tilespmem:s6+$0x9740] =	vst.add.f32.msk $0xffff, v20  }
0xb3: {  	[tilespmem:s6+$0x9750] =	vst.add.f32.msk $0xffff, v21  }
0xb4: {  	[tilespmem:s6+$0x9760] =	vst.add.f32.msk $0xffff, v22  }
0xb5: {  	[tilespmem:s6+$0x9770] =	vst.add.f32.msk $0xffff, v23  }
0xb6: {  	[tilespmem:s6+$0x9780] =	vst.add.f32.msk $0xffff, v24  }
0xb7: {  	[tilespmem:s6+$0x9790] =	vst.add.f32.msk $0xffff, v25  }
0xb8: {  	s29 =	smul.u32 $0x320, s26;
	[tilespmem:s6+$0x97A0] =	vst.add.f32.msk $0xffff, v26  }
0xb9: {  	[tilespmem:s6+$0x97B0] =	vst.add.f32.msk $0xffff, v27  }
0xba: {  	s7 =	sadd.s32 s4, s29;
	[tilespmem:s6+$0x97C0] =	vst.add.f32.msk $0xffff, v28  }
0xbb: {  	s7 =	sshll.u32 s7, $0x4;
	[tilespmem:s6+$0x97D0] =	vst.add.f32.msk $0xffff, v29  }
0xbc: {  	s11 =	sadd.s32 s2, s7;
	[tilespmem:s6+$0x97E0] =	vst.add.f32.msk $0xffff, v30  }
0xbd: {  	[hbm4b:s11+s1] =	stream.strided.scatter [tilespmem:s15], [sflag:$0x5], $0x3200, s14, s1, $0x38;
	[tilespmem:$0x15E00] =	vst v63  }
0xbe: {  	_ =	swait.ge [sflag:s0], $0x3200  }
0xbf: {  	[sflag:s0] =	ssyncset.done $0x0  }
0xc0: {  	s7 =	simm.s32 $0x800;
	s6 =	simm.s32 $0x0;
	[sflag:s0] =	ssyncadd.s32 $0xFFFFCE00  }
.LBB2_5:
0xc1: {  	p0 =	sne.s32 s7, $0xC000;
	v0 =	vld [tilespmem:s6+$0x65F0]  }
0xc2: {  	v1 =	vld [tilespmem:s6+$0x6400]  }
0xc3: {  	v2 =	vld [tilespmem:s6+$0x6410]  }
0xc4: {  	v3 =	vld [tilespmem:s6+$0x6420]  }
0xc5: {  	v4 =	vld [tilespmem:s6+$0x6430]  }
0xc6: {  	[tilespmem:s6+$0xC9F0] =	vst.add.f32.msk $0xffff, v0  }
0xc7: {  	v0 =	vld [tilespmem:s6+$0x6440]  }
0xc8: {  	v5 =	vld [tilespmem:s6+$0x6450]  }
0xc9: {  	v6 =	vld [tilespmem:s6+$0x6460]  }
0xca: {  	v7 =	vld [tilespmem:s6+$0x6470]  }
0xcb: {  	v8 =	vld [tilespmem:s6+$0x6480]  }
0xcc: {  	v9 =	vld [tilespmem:s6+$0x6490]  }
0xcd: {  	v10 =	vld [tilespmem:s6+$0x64A0]  }
0xce: {  	v11 =	vld [tilespmem:s6+$0x64B0]  }
0xcf: {  	v12 =	vld [tilespmem:s6+$0x64C0]  }
0xd0: {  	v13 =	vld [tilespmem:s6+$0x64D0]  }
0xd1: {  	v14 =	vld [tilespmem:s6+$0x64E0]  }
0xd2: {  	v15 =	vld [tilespmem:s6+$0x64F0]  }
0xd3: {  	v16 =	vld [tilespmem:s6+$0x6500]  }
0xd4: {  	v17 =	vld [tilespmem:s6+$0x6510]  }
0xd5: {  	v18 =	vld [tilespmem:s6+$0x6520]  }
0xd6: {  	v19 =	vld [tilespmem:s6+$0x6530]  }
0xd7: {  	v20 =	vld [tilespmem:s6+$0x6540]  }
0xd8: {  	v21 =	vld [tilespmem:s6+$0x6550]  }
0xd9: {  	v22 =	vld [tilespmem:s6+$0x6560]  }
0xda: {  	v23 =	vld [tilespmem:s6+$0x6570]  }
0xdb: {  	v24 =	vld [tilespmem:s6+$0x6580]  }
0xdc: {  	v25 =	vld [tilespmem:s6+$0x6590]  }
0xdd: {  	v26 =	vld [tilespmem:s6+$0x65A0]  }
0xde: {  	v27 =	vld [tilespmem:s6+$0x65B0]  }
0xdf: {  	v28 =	vld [tilespmem:s6+$0x65C0]  }
0xe0: {  	v29 =	vld [tilespmem:s6+$0x65D0]  }
0xe1: {  	v30 =	vld [tilespmem:s6+$0x65E0]  }
0xe2: {  	[tilespmem:s6+$0xC800] =	vst.add.f32.msk $0xffff, v1  }
0xe3: {  	[tilespmem:s6+$0xC810] =	vst.add.f32.msk $0xffff, v2  }
0xe4: {  	[tilespmem:s6+$0xC820] =	vst.add.f32.msk $0xffff, v3  }
0xe5: {  	[tilespmem:s6+$0xC830] =	vst.add.f32.msk $0xffff, v4  }
0xe6: {  	[tilespmem:s6+$0xC840] =	vst.add.f32.msk $0xffff, v0  }
0xe7: {  	[tilespmem:s6+$0xC850] =	vst.add.f32.msk $0xffff, v5  }
0xe8: {  	[tilespmem:s6+$0xC860] =	vst.add.f32.msk $0xffff, v6  }
0xe9: {  	[tilespmem:s6+$0xC870] =	vst.add.f32.msk $0xffff, v7  }
0xea: {  	[tilespmem:s6+$0xC880] =	vst.add.f32.msk $0xffff, v8  }
0xeb: {  	[tilespmem:s6+$0xC890] =	vst.add.f32.msk $0xffff, v9  }
0xec: {  	[tilespmem:s6+$0xC8A0] =	vst.add.f32.msk $0xffff, v10  }
0xed: {  	[tilespmem:s6+$0xC8B0] =	vst.add.f32.msk $0xffff, v11  }
0xee: {  	[tilespmem:s6+$0xC8C0] =	vst.add.f32.msk $0xffff, v12  }
0xef: {  	[tilespmem:s6+$0xC8D0] =	vst.add.f32.msk $0xffff, v13  }
0xf0: {  	[tilespmem:s6+$0xC8E0] =	vst.add.f32.msk $0xffff, v14  }
0xf1: {  	[tilespmem:s6+$0xC8F0] =	vst.add.f32.msk $0xffff, v15  }
0xf2: {  	[tilespmem:s6+$0xC900] =	vst.add.f32.msk $0xffff, v16  }
0xf3: {  	[tilespmem:s6+$0xC910] =	vst.add.f32.msk $0xffff, v17  }
0xf4: {  	[tilespmem:s6+$0xC920] =	vst.add.f32.msk $0xffff, v18  }
0xf5: {  	[tilespmem:s6+$0xC930] =	vst.add.f32.msk $0xffff, v19  }
0xf6: {  	[tilespmem:s6+$0xC940] =	vst.add.f32.msk $0xffff, v20  }
0xf7: {  	[tilespmem:s6+$0xC950] =	vst.add.f32.msk $0xffff, v21  }
0xf8: {  	[tilespmem:s6+$0xC960] =	vst.add.f32.msk $0xffff, v22  }
0xf9: {  	[tilespmem:s6+$0xC970] =	vst.add.f32.msk $0xffff, v23  }
0xfa: {  	[tilespmem:s6+$0xC980] =	vst.add.f32.msk $0xffff, v24  }
0xfb: {  	[tilespmem:s6+$0xC990] =	vst.add.f32.msk $0xffff, v25  }
.Ltmp3:
0xfc: {  	[tilespmem:s6+$0xC9A0] =	vst.add.f32.msk $0xffff, v26;
	(pc) =	sbr.rel @p0 .LBB2_5-.Ltmp3, $4  }
0xfd: {  	[tilespmem:s6+$0xC9B0] =	vst.add.f32.msk $0xffff, v27  }
0xfe: {  	[tilespmem:s6+$0xC9C0] =	vst.add.f32.msk $0xffff, v28  }
0xff: {  	[tilespmem:s6+$0xC9D0] =	vst.add.f32.msk $0xffff, v29  }
0x100: {  	[tilespmem:s6+$0xC9E0] =	vst.add.f32.msk $0xffff, v30;
	s6 =	sshra.s32 s7, $0x2;
	s7 =	sadd.s32 $0x800, s7  }
0x101: {  	v0 =	vld [tilespmem:s6+$0x65F0]  }
0x102: {  	v1 =	vld [tilespmem:s6+$0x6400]  }
0x103: {  	v2 =	vld [tilespmem:s6+$0x6410]  }
0x104: {  	v3 =	vld [tilespmem:s6+$0x6420]  }
0x105: {  	v4 =	vld [tilespmem:s6+$0x6430]  }
0x106: {  	v63 =	vld [tilespmem:s6+$0x6440]  }
0x107: {  	v5 =	vld [tilespmem:s6+$0x6450]  }
0x108: {  	v6 =	vld [tilespmem:s6+$0x6460]  }
0x109: {  	v7 =	vld [tilespmem:s6+$0x6470]  }
0x10a: {  	v8 =	vld [tilespmem:s6+$0x6480]  }
0x10b: {  	v9 =	vld [tilespmem:s6+$0x6490]  }
0x10c: {  	v10 =	vld [tilespmem:s6+$0x64A0]  }
0x10d: {  	v11 =	vld [tilespmem:s6+$0x64B0]  }
0x10e: {  	v12 =	vld [tilespmem:s6+$0x64C0]  }
0x10f: {  	v13 =	vld [tilespmem:s6+$0x64D0]  }
0x110: {  	v14 =	vld [tilespmem:s6+$0x64E0]  }
0x111: {  	v15 =	vld [tilespmem:s6+$0x64F0]  }
0x112: {  	v16 =	vld [tilespmem:s6+$0x6500]  }
0x113: {  	v17 =	vld [tilespmem:s6+$0x6510]  }
0x114: {  	v18 =	vld [tilespmem:s6+$0x6520]  }
0x115: {  	v19 =	vld [tilespmem:s6+$0x6530]  }
0x116: {  	v20 =	vld [tilespmem:s6+$0x6540]  }
0x117: {  	v21 =	vld [tilespmem:s6+$0x6550]  }
0x118: {  	v22 =	vld [tilespmem:s6+$0x6560]  }
0x119: {  	v23 =	vld [tilespmem:s6+$0x6570]  }
0x11a: {  	v24 =	vld [tilespmem:s6+$0x6580]  }
0x11b: {  	v25 =	vld [tilespmem:s6+$0x6590]  }
0x11c: {  	v26 =	vld [tilespmem:s6+$0x65A0]  }
0x11d: {  	v27 =	vld [tilespmem:s6+$0x65B0]  }
0x11e: {  	v28 =	vld [tilespmem:s6+$0x65C0]  }
0x11f: {  	v29 =	vld [tilespmem:s6+$0x65D0]  }
0x120: {  	v30 =	vld [tilespmem:s6+$0x65E0]  }
0x121: {  	[tilespmem:s6+$0xC9F0] =	vst.add.f32.msk $0xffff, v0  }
0x122: {  	[tilespmem:s6+$0xC800] =	vst.add.f32.msk $0xffff, v1  }
0x123: {  	[tilespmem:s6+$0xC810] =	vst.add.f32.msk $0xffff, v2  }
0x124: {  	[tilespmem:s6+$0xC820] =	vst.add.f32.msk $0xffff, v3  }
0x125: {  	[tilespmem:s6+$0xC830] =	vst.add.f32.msk $0xffff, v4  }
0x126: {  	[tilespmem:s6+$0xC840] =	vst.add.f32.msk $0xffff, v63  }
0x127: {  	[tilespmem:s6+$0xC850] =	vst.add.f32.msk $0xffff, v5  }
0x128: {  	[tilespmem:s6+$0xC860] =	vst.add.f32.msk $0xffff, v6  }
0x129: {  	[tilespmem:s6+$0xC870] =	vst.add.f32.msk $0xffff, v7  }
0x12a: {  	[tilespmem:s6+$0xC880] =	vst.add.f32.msk $0xffff, v8  }
0x12b: {  	[tilespmem:s6+$0xC890] =	vst.add.f32.msk $0xffff, v9  }
0x12c: {  	[tilespmem:s6+$0xC8A0] =	vst.add.f32.msk $0xffff, v10  }
0x12d: {  	[tilespmem:s6+$0xC8B0] =	vst.add.f32.msk $0xffff, v11  }
0x12e: {  	[tilespmem:s6+$0xC8C0] =	vst.add.f32.msk $0xffff, v12  }
0x12f: {  	[tilespmem:s6+$0xC8D0] =	vst.add.f32.msk $0xffff, v13  }
0x130: {  	[tilespmem:s6+$0xC8E0] =	vst.add.f32.msk $0xffff, v14  }
0x131: {  	[tilespmem:s6+$0xC8F0] =	vst.add.f32.msk $0xffff, v15  }
0x132: {  	[tilespmem:s6+$0xC900] =	vst.add.f32.msk $0xffff, v16  }
0x133: {  	[tilespmem:s6+$0xC910] =	vst.add.f32.msk $0xffff, v17  }
0x134: {  	[tilespmem:s6+$0xC920] =	vst.add.f32.msk $0xffff, v18  }
0x135: {  	[tilespmem:s6+$0xC930] =	vst.add.f32.msk $0xffff, v19  }
0x136: {  	[tilespmem:s6+$0xC940] =	vst.add.f32.msk $0xffff, v20  }
0x137: {  	[tilespmem:s6+$0xC950] =	vst.add.f32.msk $0xffff, v21  }
0x138: {  	[tilespmem:s6+$0xC960] =	vst.add.f32.msk $0xffff, v22  }
0x139: {  	[tilespmem:s6+$0xC970] =	vst.add.f32.msk $0xffff, v23  }
0x13a: {  	[tilespmem:s6+$0xC980] =	vst.add.f32.msk $0xffff, v24  }
0x13b: {  	[tilespmem:s6+$0xC990] =	vst.add.f32.msk $0xffff, v25  }
0x13c: {  	[tilespmem:s6+$0xC9A0] =	vst.add.f32.msk $0xffff, v26  }
0x13d: {  	s7 =	sadd.s32 s29, s8;
	[tilespmem:s6+$0xC9B0] =	vst.add.f32.msk $0xffff, v27  }
0x13e: {  	s7 =	sshll.u32 s7, $0x4;
	[tilespmem:s6+$0xC9C0] =	vst.add.f32.msk $0xffff, v28  }
0x13f: {  	p0 =	seq.s32 s26, $0x1F;
	s7 =	sand.u32 $0x1FFFFE80, s7;
	[tilespmem:s6+$0xC9D0] =	vst.add.f32.msk $0xffff, v29  }
0x140: {  	s11 =	sadd.s32 s2, s7;
	[tilespmem:s6+$0xC9E0] =	vst.add.f32.msk $0xffff, v30;
	s6 =	simm.s32 @!p0 $0x5  }
0x141: {  	[hbm4b:s11+s1] =	stream.strided.scatter [tilespmem:s19], [sflag:$0x6], $0x3200, s14, s1, $0x38;
	[tilespmem:$0x15E00] =	vst v63  }
0x142: {  	_ =	swait.ge @!p0 [sflag:s6], $0x3200  }
0x143: {  	s7 =	simm.s32 @!p0 $0x80;
	[sflag:s6] =	ssyncset.done @!p0 $0x0  }
0x144: {  	s11 =	simm.s32 @!p0 $0x9600;
	[sflag:s6] =	ssyncadd.s32 @!p0 $0xFFFFCE00;
	s6 =	sadd.s32 @!p0 $0x320, s29  }
0x145: {  	[tilespmem:s11], [sflag:$0x1] =	stream.indirect.gather @!p0 [hbm4b:s5+s7], $0x40, s6, s7, $0xb8;
	[tilespmem:$0x15E00] =	vst v63  }
0x146: {  	s6 =	sadd.s32 @!p0 $0x3A0, s29;
	s7 =	simm.s32 @!p0 $0x48;
	s11 =	simm.s32 @!p0 $0xB600  }
0x147: {  	[tilespmem:s11], [sflag:$0x1] =	stream.indirect.gather @!p0 [hbm4b:s5+s7], $0x40, s6, s7, $0xb8;
	[tilespmem:$0x15E00] =	vst v63  }
0x148: {  	_ =	swait.ge [sflag:s12], $0x3200  }
0x149: {  	[sflag:s12] =	ssyncset.done $0x0  }
0x14a: {  	s6 =	simm.s32 $0x0;
	s7 =	simm.s32 $0x800;
	[sflag:s12] =	ssyncadd.s32 $0xFFFFCE00  }
.LBB2_7:
0x14b: {  	p1 =	sne.s32 s7, $0xC000;
	v0 =	vld [tilespmem:s6+$0x65F0]  }
0x14c: {  	v1 =	vld [tilespmem:s6+$0x6400]  }
0x14d: {  	v2 =	vld [tilespmem:s6+$0x6410]  }
0x14e: {  	v3 =	vld [tilespmem:s6+$0x6420]  }
0x14f: {  	v4 =	vld [tilespmem:s6+$0x6430]  }
0x150: {  	[tilespmem:s6+$0xFBF0] =	vst.add.f32.msk $0xffff, v0  }
0x151: {  	v0 =	vld [tilespmem:s6+$0x6440]  }
0x152: {  	v5 =	vld [tilespmem:s6+$0x6450]  }
0x153: {  	v6 =	vld [tilespmem:s6+$0x6460]  }
0x154: {  	v7 =	vld [tilespmem:s6+$0x6470]  }
0x155: {  	v8 =	vld [tilespmem:s6+$0x6480]  }
0x156: {  	v9 =	vld [tilespmem:s6+$0x6490]  }
0x157: {  	v10 =	vld [tilespmem:s6+$0x64A0]  }
0x158: {  	v11 =	vld [tilespmem:s6+$0x64B0]  }
0x159: {  	v12 =	vld [tilespmem:s6+$0x64C0]  }
0x15a: {  	v13 =	vld [tilespmem:s6+$0x64D0]  }
0x15b: {  	v14 =	vld [tilespmem:s6+$0x64E0]  }
0x15c: {  	v15 =	vld [tilespmem:s6+$0x64F0]  }
0x15d: {  	v16 =	vld [tilespmem:s6+$0x6500]  }
0x15e: {  	v17 =	vld [tilespmem:s6+$0x6510]  }
0x15f: {  	v18 =	vld [tilespmem:s6+$0x6520]  }
0x160: {  	v19 =	vld [tilespmem:s6+$0x6530]  }
0x161: {  	v20 =	vld [tilespmem:s6+$0x6540]  }
0x162: {  	v21 =	vld [tilespmem:s6+$0x6550]  }
0x163: {  	v22 =	vld [tilespmem:s6+$0x6560]  }
0x164: {  	v23 =	vld [tilespmem:s6+$0x6570]  }
0x165: {  	v24 =	vld [tilespmem:s6+$0x6580]  }
0x166: {  	v25 =	vld [tilespmem:s6+$0x6590]  }
0x167: {  	v26 =	vld [tilespmem:s6+$0x65A0]  }
0x168: {  	v27 =	vld [tilespmem:s6+$0x65B0]  }
0x169: {  	v28 =	vld [tilespmem:s6+$0x65C0]  }
0x16a: {  	v29 =	vld [tilespmem:s6+$0x65D0]  }
0x16b: {  	v30 =	vld [tilespmem:s6+$0x65E0]  }
0x16c: {  	[tilespmem:s6+$0xFA00] =	vst.add.f32.msk $0xffff, v1  }
0x16d: {  	[tilespmem:s6+$0xFA10] =	vst.add.f32.msk $0xffff, v2  }
0x16e: {  	[tilespmem:s6+$0xFA20] =	vst.add.f32.msk $0xffff, v3  }
0x16f: {  	[tilespmem:s6+$0xFA30] =	vst.add.f32.msk $0xffff, v4  }
0x170: {  	[tilespmem:s6+$0xFA40] =	vst.add.f32.msk $0xffff, v0  }
0x171: {  	[tilespmem:s6+$0xFA50] =	vst.add.f32.msk $0xffff, v5  }
0x172: {  	[tilespmem:s6+$0xFA60] =	vst.add.f32.msk $0xffff, v6  }
0x173: {  	[tilespmem:s6+$0xFA70] =	vst.add.f32.msk $0xffff, v7  }
0x174: {  	[tilespmem:s6+$0xFA80] =	vst.add.f32.msk $0xffff, v8  }
0x175: {  	[tilespmem:s6+$0xFA90] =	vst.add.f32.msk $0xffff, v9  }
0x176: {  	[tilespmem:s6+$0xFAA0] =	vst.add.f32.msk $0xffff, v10  }
0x177: {  	[tilespmem:s6+$0xFAB0] =	vst.add.f32.msk $0xffff, v11  }
0x178: {  	[tilespmem:s6+$0xFAC0] =	vst.add.f32.msk $0xffff, v12  }
0x179: {  	[tilespmem:s6+$0xFAD0] =	vst.add.f32.msk $0xffff, v13  }
0x17a: {  	[tilespmem:s6+$0xFAE0] =	vst.add.f32.msk $0xffff, v14  }
0x17b: {  	[tilespmem:s6+$0xFAF0] =	vst.add.f32.msk $0xffff, v15  }
0x17c: {  	[tilespmem:s6+$0xFB00] =	vst.add.f32.msk $0xffff, v16  }
0x17d: {  	[tilespmem:s6+$0xFB10] =	vst.add.f32.msk $0xffff, v17  }
0x17e: {  	[tilespmem:s6+$0xFB20] =	vst.add.f32.msk $0xffff, v18  }
0x17f: {  	[tilespmem:s6+$0xFB30] =	vst.add.f32.msk $0xffff, v19  }
0x180: {  	[tilespmem:s6+$0xFB40] =	vst.add.f32.msk $0xffff, v20  }
0x181: {  	[tilespmem:s6+$0xFB50] =	vst.add.f32.msk $0xffff, v21  }
0x182: {  	[tilespmem:s6+$0xFB60] =	vst.add.f32.msk $0xffff, v22  }
0x183: {  	[tilespmem:s6+$0xFB70] =	vst.add.f32.msk $0xffff, v23  }
0x184: {  	[tilespmem:s6+$0xFB80] =	vst.add.f32.msk $0xffff, v24  }
0x185: {  	[tilespmem:s6+$0xFB90] =	vst.add.f32.msk $0xffff, v25  }
.Ltmp4:
0x186: {  	[tilespmem:s6+$0xFBA0] =	vst.add.f32.msk $0xffff, v26;
	(pc) =	sbr.rel @p1 .LBB2_7-.Ltmp4, $4  }
0x187: {  	[tilespmem:s6+$0xFBB0] =	vst.add.f32.msk $0xffff, v27  }
0x188: {  	[tilespmem:s6+$0xFBC0] =	vst.add.f32.msk $0xffff, v28  }
0x189: {  	[tilespmem:s6+$0xFBD0] =	vst.add.f32.msk $0xffff, v29  }
0x18a: {  	[tilespmem:s6+$0xFBE0] =	vst.add.f32.msk $0xffff, v30;
	s6 =	sshra.s32 s7, $0x2;
	s7 =	sadd.s32 $0x800, s7  }
0x18b: {  	v0 =	vld [tilespmem:s6+$0x65F0]  }
0x18c: {  	v1 =	vld [tilespmem:s6+$0x6400]  }
0x18d: {  	v2 =	vld [tilespmem:s6+$0x6410]  }
0x18e: {  	v3 =	vld [tilespmem:s6+$0x6420]  }
0x18f: {  	v4 =	vld [tilespmem:s6+$0x6430]  }
0x190: {  	v63 =	vld [tilespmem:s6+$0x6440]  }
0x191: {  	v5 =	vld [tilespmem:s6+$0x6450]  }
0x192: {  	v6 =	vld [tilespmem:s6+$0x6460]  }
0x193: {  	v7 =	vld [tilespmem:s6+$0x6470]  }
0x194: {  	v8 =	vld [tilespmem:s6+$0x6480]  }
0x195: {  	v9 =	vld [tilespmem:s6+$0x6490]  }
0x196: {  	v10 =	vld [tilespmem:s6+$0x64A0]  }
0x197: {  	v11 =	vld [tilespmem:s6+$0x64B0]  }
0x198: {  	v12 =	vld [tilespmem:s6+$0x64C0]  }
0x199: {  	v13 =	vld [tilespmem:s6+$0x64D0]  }
0x19a: {  	v14 =	vld [tilespmem:s6+$0x64E0]  }
0x19b: {  	v15 =	vld [tilespmem:s6+$0x64F0]  }
0x19c: {  	v16 =	vld [tilespmem:s6+$0x6500]  }
0x19d: {  	v17 =	vld [tilespmem:s6+$0x6510]  }
0x19e: {  	v18 =	vld [tilespmem:s6+$0x6520]  }
0x19f: {  	v19 =	vld [tilespmem:s6+$0x6530]  }
0x1a0: {  	v20 =	vld [tilespmem:s6+$0x6540]  }
0x1a1: {  	v21 =	vld [tilespmem:s6+$0x6550]  }
0x1a2: {  	v22 =	vld [tilespmem:s6+$0x6560]  }
0x1a3: {  	v23 =	vld [tilespmem:s6+$0x6570]  }
0x1a4: {  	v24 =	vld [tilespmem:s6+$0x6580]  }
0x1a5: {  	v25 =	vld [tilespmem:s6+$0x6590]  }
0x1a6: {  	v26 =	vld [tilespmem:s6+$0x65A0]  }
0x1a7: {  	v27 =	vld [tilespmem:s6+$0x65B0]  }
0x1a8: {  	v28 =	vld [tilespmem:s6+$0x65C0]  }
0x1a9: {  	v29 =	vld [tilespmem:s6+$0x65D0]  }
0x1aa: {  	v30 =	vld [tilespmem:s6+$0x65E0]  }
0x1ab: {  	[tilespmem:s6+$0xFBF0] =	vst.add.f32.msk $0xffff, v0  }
0x1ac: {  	[tilespmem:s6+$0xFA00] =	vst.add.f32.msk $0xffff, v1  }
0x1ad: {  	[tilespmem:s6+$0xFA10] =	vst.add.f32.msk $0xffff, v2  }
0x1ae: {  	[tilespmem:s6+$0xFA20] =	vst.add.f32.msk $0xffff, v3  }
0x1af: {  	[tilespmem:s6+$0xFA30] =	vst.add.f32.msk $0xffff, v4  }
0x1b0: {  	[tilespmem:s6+$0xFA40] =	vst.add.f32.msk $0xffff, v63  }
0x1b1: {  	[tilespmem:s6+$0xFA50] =	vst.add.f32.msk $0xffff, v5  }
0x1b2: {  	[tilespmem:s6+$0xFA60] =	vst.add.f32.msk $0xffff, v6  }
0x1b3: {  	[tilespmem:s6+$0xFA70] =	vst.add.f32.msk $0xffff, v7  }
0x1b4: {  	[tilespmem:s6+$0xFA80] =	vst.add.f32.msk $0xffff, v8  }
0x1b5: {  	[tilespmem:s6+$0xFA90] =	vst.add.f32.msk $0xffff, v9  }
0x1b6: {  	[tilespmem:s6+$0xFAA0] =	vst.add.f32.msk $0xffff, v10  }
0x1b7: {  	[tilespmem:s6+$0xFAB0] =	vst.add.f32.msk $0xffff, v11  }
0x1b8: {  	[tilespmem:s6+$0xFAC0] =	vst.add.f32.msk $0xffff, v12  }
0x1b9: {  	[tilespmem:s6+$0xFAD0] =	vst.add.f32.msk $0xffff, v13  }
0x1ba: {  	[tilespmem:s6+$0xFAE0] =	vst.add.f32.msk $0xffff, v14  }
0x1bb: {  	[tilespmem:s6+$0xFAF0] =	vst.add.f32.msk $0xffff, v15  }
0x1bc: {  	[tilespmem:s6+$0xFB00] =	vst.add.f32.msk $0xffff, v16  }
0x1bd: {  	[tilespmem:s6+$0xFB10] =	vst.add.f32.msk $0xffff, v17  }
0x1be: {  	[tilespmem:s6+$0xFB20] =	vst.add.f32.msk $0xffff, v18  }
0x1bf: {  	[tilespmem:s6+$0xFB30] =	vst.add.f32.msk $0xffff, v19  }
0x1c0: {  	[tilespmem:s6+$0xFB40] =	vst.add.f32.msk $0xffff, v20  }
0x1c1: {  	[tilespmem:s6+$0xFB50] =	vst.add.f32.msk $0xffff, v21  }
0x1c2: {  	[tilespmem:s6+$0xFB60] =	vst.add.f32.msk $0xffff, v22  }
0x1c3: {  	[tilespmem:s6+$0xFB70] =	vst.add.f32.msk $0xffff, v23  }
0x1c4: {  	[tilespmem:s6+$0xFB80] =	vst.add.f32.msk $0xffff, v24  }
0x1c5: {  	[tilespmem:s6+$0xFB90] =	vst.add.f32.msk $0xffff, v25  }
0x1c6: {  	[tilespmem:s6+$0xFBA0] =	vst.add.f32.msk $0xffff, v26  }
0x1c7: {  	s7 =	sadd.s32 s29, s9;
	[tilespmem:s6+$0xFBB0] =	vst.add.f32.msk $0xffff, v27  }
0x1c8: {  	s7 =	sshll.u32 s7, $0x4;
	[tilespmem:s6+$0xFBC0] =	vst.add.f32.msk $0xffff, v28  }
0x1c9: {  	s7 =	sand.u32 $0x1FFFFF00, s7;
	[tilespmem:s6+$0xFBD0] =	vst.add.f32.msk $0xffff, v29  }
0x1ca: {  	s11 =	sadd.s32 s2, s7;
	[tilespmem:s6+$0xFBE0] =	vst.add.f32.msk $0xffff, v30;
	s6 =	simm.s32 @!p0 $0x6  }
0x1cb: {  	[hbm4b:s11+s1] =	stream.strided.scatter [tilespmem:s23], [sflag:$0x7], $0x3200, s14, s1, $0x38;
	[tilespmem:$0x15E00] =	vst v63  }
0x1cc: {  	_ =	swait.ge @!p0 [sflag:s6], $0x3200  }
0x1cd: {  	s7 =	simm.s32 @!p0 $0x80;
	[sflag:s6] =	ssyncset.done @!p0 $0x0  }
0x1ce: {  	s11 =	simm.s32 @!p0 $0xC800;
	[sflag:s6] =	ssyncadd.s32 @!p0 $0xFFFFCE00;
	s6 =	sadd.s32 @!p0 $0x3E8, s29  }
0x1cf: {  	[tilespmem:s11], [sflag:$0x2] =	stream.indirect.gather @!p0 [hbm4b:s5+s7], $0x40, s6, s7, $0xb8;
	[tilespmem:$0x15E00] =	vst v63  }
0x1d0: {  	s6 =	sadd.s32 @!p0 $0x468, s29;
	s7 =	simm.s32 @!p0 $0x48;
	s11 =	simm.s32 @!p0 $0xE800  }
0x1d1: {  	[tilespmem:s11], [sflag:$0x2] =	stream.indirect.gather @!p0 [hbm4b:s5+s7], $0x40, s6, s7, $0xb8;
	[tilespmem:$0x15E00] =	vst v63  }
0x1d2: {  	_ =	swait.ge [sflag:s17], $0x3200  }
0x1d3: {  	[sflag:s17] =	ssyncset.done $0x0  }
0x1d4: {  	s6 =	simm.s32 $0x0;
	s7 =	simm.s32 $0x800;
	[sflag:s17] =	ssyncadd.s32 $0xFFFFCE00  }
.LBB2_9:
0x1d5: {  	p1 =	sne.s32 s7, $0xC000;
	v0 =	vld [tilespmem:s6+$0x65F0]  }
0x1d6: {  	v1 =	vld [tilespmem:s6+$0x6400]  }
0x1d7: {  	v2 =	vld [tilespmem:s6+$0x6410]  }
0x1d8: {  	v3 =	vld [tilespmem:s6+$0x6420]  }
0x1d9: {  	v4 =	vld [tilespmem:s6+$0x6430]  }
0x1da: {  	[tilespmem:s6+$0x12DF0] =	vst.add.f32.msk $0xffff, v0  }
0x1db: {  	v0 =	vld [tilespmem:s6+$0x6440]  }
0x1dc: {  	v5 =	vld [tilespmem:s6+$0x6450]  }
0x1dd: {  	v6 =	vld [tilespmem:s6+$0x6460]  }
0x1de: {  	v7 =	vld [tilespmem:s6+$0x6470]  }
0x1df: {  	v8 =	vld [tilespmem:s6+$0x6480]  }
0x1e0: {  	v9 =	vld [tilespmem:s6+$0x6490]  }
0x1e1: {  	v10 =	vld [tilespmem:s6+$0x64A0]  }
0x1e2: {  	v11 =	vld [tilespmem:s6+$0x64B0]  }
0x1e3: {  	v12 =	vld [tilespmem:s6+$0x64C0]  }
0x1e4: {  	v13 =	vld [tilespmem:s6+$0x64D0]  }
0x1e5: {  	v14 =	vld [tilespmem:s6+$0x64E0]  }
0x1e6: {  	v15 =	vld [tilespmem:s6+$0x64F0]  }
0x1e7: {  	v16 =	vld [tilespmem:s6+$0x6500]  }
0x1e8: {  	v17 =	vld [tilespmem:s6+$0x6510]  }
0x1e9: {  	v18 =	vld [tilespmem:s6+$0x6520]  }
0x1ea: {  	v19 =	vld [tilespmem:s6+$0x6530]  }
0x1eb: {  	v20 =	vld [tilespmem:s6+$0x6540]  }
0x1ec: {  	v21 =	vld [tilespmem:s6+$0x6550]  }
0x1ed: {  	v22 =	vld [tilespmem:s6+$0x6560]  }
0x1ee: {  	v23 =	vld [tilespmem:s6+$0x6570]  }
0x1ef: {  	v24 =	vld [tilespmem:s6+$0x6580]  }
0x1f0: {  	v25 =	vld [tilespmem:s6+$0x6590]  }
0x1f1: {  	v26 =	vld [tilespmem:s6+$0x65A0]  }
0x1f2: {  	v27 =	vld [tilespmem:s6+$0x65B0]  }
0x1f3: {  	v28 =	vld [tilespmem:s6+$0x65C0]  }
0x1f4: {  	v29 =	vld [tilespmem:s6+$0x65D0]  }
0x1f5: {  	v30 =	vld [tilespmem:s6+$0x65E0]  }
0x1f6: {  	[tilespmem:s6+$0x12C00] =	vst.add.f32.msk $0xffff, v1  }
0x1f7: {  	[tilespmem:s6+$0x12C10] =	vst.add.f32.msk $0xffff, v2  }
0x1f8: {  	[tilespmem:s6+$0x12C20] =	vst.add.f32.msk $0xffff, v3  }
0x1f9: {  	[tilespmem:s6+$0x12C30] =	vst.add.f32.msk $0xffff, v4  }
0x1fa: {  	[tilespmem:s6+$0x12C40] =	vst.add.f32.msk $0xffff, v0  }
0x1fb: {  	[tilespmem:s6+$0x12C50] =	vst.add.f32.msk $0xffff, v5  }
0x1fc: {  	[tilespmem:s6+$0x12C60] =	vst.add.f32.msk $0xffff, v6  }
0x1fd: {  	[tilespmem:s6+$0x12C70] =	vst.add.f32.msk $0xffff, v7  }
0x1fe: {  	[tilespmem:s6+$0x12C80] =	vst.add.f32.msk $0xffff, v8  }
0x1ff: {  	[tilespmem:s6+$0x12C90] =	vst.add.f32.msk $0xffff, v9  }
0x200: {  	[tilespmem:s6+$0x12CA0] =	vst.add.f32.msk $0xffff, v10  }
0x201: {  	[tilespmem:s6+$0x12CB0] =	vst.add.f32.msk $0xffff, v11  }
0x202: {  	[tilespmem:s6+$0x12CC0] =	vst.add.f32.msk $0xffff, v12  }
0x203: {  	[tilespmem:s6+$0x12CD0] =	vst.add.f32.msk $0xffff, v13  }
0x204: {  	[tilespmem:s6+$0x12CE0] =	vst.add.f32.msk $0xffff, v14  }
0x205: {  	[tilespmem:s6+$0x12CF0] =	vst.add.f32.msk $0xffff, v15  }
0x206: {  	[tilespmem:s6+$0x12D00] =	vst.add.f32.msk $0xffff, v16  }
0x207: {  	[tilespmem:s6+$0x12D10] =	vst.add.f32.msk $0xffff, v17  }
0x208: {  	[tilespmem:s6+$0x12D20] =	vst.add.f32.msk $0xffff, v18  }
0x209: {  	[tilespmem:s6+$0x12D30] =	vst.add.f32.msk $0xffff, v19  }
0x20a: {  	[tilespmem:s6+$0x12D40] =	vst.add.f32.msk $0xffff, v20  }
0x20b: {  	[tilespmem:s6+$0x12D50] =	vst.add.f32.msk $0xffff, v21  }
0x20c: {  	[tilespmem:s6+$0x12D60] =	vst.add.f32.msk $0xffff, v22  }
0x20d: {  	[tilespmem:s6+$0x12D70] =	vst.add.f32.msk $0xffff, v23  }
0x20e: {  	[tilespmem:s6+$0x12D80] =	vst.add.f32.msk $0xffff, v24  }
0x20f: {  	[tilespmem:s6+$0x12D90] =	vst.add.f32.msk $0xffff, v25  }
.Ltmp5:
0x210: {  	[tilespmem:s6+$0x12DA0] =	vst.add.f32.msk $0xffff, v26;
	(pc) =	sbr.rel @p1 .LBB2_9-.Ltmp5, $4  }
0x211: {  	[tilespmem:s6+$0x12DB0] =	vst.add.f32.msk $0xffff, v27  }
0x212: {  	[tilespmem:s6+$0x12DC0] =	vst.add.f32.msk $0xffff, v28  }
0x213: {  	[tilespmem:s6+$0x12DD0] =	vst.add.f32.msk $0xffff, v29  }
0x214: {  	[tilespmem:s6+$0x12DE0] =	vst.add.f32.msk $0xffff, v30;
	s6 =	sshra.s32 s7, $0x2;
	s7 =	sadd.s32 $0x800, s7  }
0x215: {  	v0 =	vld [tilespmem:s6+$0x65F0]  }
0x216: {  	v1 =	vld [tilespmem:s6+$0x6400]  }
0x217: {  	v2 =	vld [tilespmem:s6+$0x6410]  }
0x218: {  	v3 =	vld [tilespmem:s6+$0x6420]  }
0x219: {  	v4 =	vld [tilespmem:s6+$0x6430]  }
0x21a: {  	v63 =	vld [tilespmem:s6+$0x6440]  }
0x21b: {  	v5 =	vld [tilespmem:s6+$0x6450]  }
0x21c: {  	v6 =	vld [tilespmem:s6+$0x6460]  }
0x21d: {  	v7 =	vld [tilespmem:s6+$0x6470]  }
0x21e: {  	v8 =	vld [tilespmem:s6+$0x6480]  }
0x21f: {  	v9 =	vld [tilespmem:s6+$0x6490]  }
0x220: {  	v10 =	vld [tilespmem:s6+$0x64A0]  }
0x221: {  	v11 =	vld [tilespmem:s6+$0x64B0]  }
0x222: {  	v12 =	vld [tilespmem:s6+$0x64C0]  }
0x223: {  	v13 =	vld [tilespmem:s6+$0x64D0]  }
0x224: {  	v14 =	vld [tilespmem:s6+$0x64E0]  }
0x225: {  	v15 =	vld [tilespmem:s6+$0x64F0]  }
0x226: {  	v16 =	vld [tilespmem:s6+$0x6500]  }
0x227: {  	v17 =	vld [tilespmem:s6+$0x6510]  }
0x228: {  	v18 =	vld [tilespmem:s6+$0x6520]  }
0x229: {  	v19 =	vld [tilespmem:s6+$0x6530]  }
0x22a: {  	v20 =	vld [tilespmem:s6+$0x6540]  }
0x22b: {  	v21 =	vld [tilespmem:s6+$0x6550]  }
0x22c: {  	v22 =	vld [tilespmem:s6+$0x6560]  }
0x22d: {  	v23 =	vld [tilespmem:s6+$0x6570]  }
0x22e: {  	v24 =	vld [tilespmem:s6+$0x6580]  }
0x22f: {  	v25 =	vld [tilespmem:s6+$0x6590]  }
0x230: {  	v26 =	vld [tilespmem:s6+$0x65A0]  }
0x231: {  	v27 =	vld [tilespmem:s6+$0x65B0]  }
0x232: {  	v28 =	vld [tilespmem:s6+$0x65C0]  }
0x233: {  	v29 =	vld [tilespmem:s6+$0x65D0]  }
0x234: {  	v30 =	vld [tilespmem:s6+$0x65E0]  }
0x235: {  	[tilespmem:s6+$0x12DF0] =	vst.add.f32.msk $0xffff, v0  }
0x236: {  	[tilespmem:s6+$0x12C00] =	vst.add.f32.msk $0xffff, v1  }
0x237: {  	[tilespmem:s6+$0x12C10] =	vst.add.f32.msk $0xffff, v2  }
0x238: {  	[tilespmem:s6+$0x12C20] =	vst.add.f32.msk $0xffff, v3  }
0x239: {  	[tilespmem:s6+$0x12C30] =	vst.add.f32.msk $0xffff, v4  }
0x23a: {  	[tilespmem:s6+$0x12C40] =	vst.add.f32.msk $0xffff, v63  }
0x23b: {  	[tilespmem:s6+$0x12C50] =	vst.add.f32.msk $0xffff, v5  }
0x23c: {  	[tilespmem:s6+$0x12C60] =	vst.add.f32.msk $0xffff, v6  }
0x23d: {  	[tilespmem:s6+$0x12C70] =	vst.add.f32.msk $0xffff, v7  }
0x23e: {  	[tilespmem:s6+$0x12C80] =	vst.add.f32.msk $0xffff, v8  }
0x23f: {  	[tilespmem:s6+$0x12C90] =	vst.add.f32.msk $0xffff, v9  }
0x240: {  	[tilespmem:s6+$0x12CA0] =	vst.add.f32.msk $0xffff, v10  }
0x241: {  	[tilespmem:s6+$0x12CB0] =	vst.add.f32.msk $0xffff, v11  }
0x242: {  	[tilespmem:s6+$0x12CC0] =	vst.add.f32.msk $0xffff, v12  }
0x243: {  	[tilespmem:s6+$0x12CD0] =	vst.add.f32.msk $0xffff, v13  }
0x244: {  	[tilespmem:s6+$0x12CE0] =	vst.add.f32.msk $0xffff, v14  }
0x245: {  	[tilespmem:s6+$0x12CF0] =	vst.add.f32.msk $0xffff, v15  }
0x246: {  	[tilespmem:s6+$0x12D00] =	vst.add.f32.msk $0xffff, v16  }
0x247: {  	[tilespmem:s6+$0x12D10] =	vst.add.f32.msk $0xffff, v17  }
0x248: {  	[tilespmem:s6+$0x12D20] =	vst.add.f32.msk $0xffff, v18  }
0x249: {  	[tilespmem:s6+$0x12D30] =	vst.add.f32.msk $0xffff, v19  }
0x24a: {  	[tilespmem:s6+$0x12D40] =	vst.add.f32.msk $0xffff, v20  }
0x24b: {  	[tilespmem:s6+$0x12D50] =	vst.add.f32.msk $0xffff, v21  }
0x24c: {  	[tilespmem:s6+$0x12D60] =	vst.add.f32.msk $0xffff, v22  }
0x24d: {  	[tilespmem:s6+$0x12D70] =	vst.add.f32.msk $0xffff, v23  }
0x24e: {  	[tilespmem:s6+$0x12D80] =	vst.add.f32.msk $0xffff, v24  }
0x24f: {  	[tilespmem:s6+$0x12D90] =	vst.add.f32.msk $0xffff, v25  }
0x250: {  	[tilespmem:s6+$0x12DA0] =	vst.add.f32.msk $0xffff, v26  }
.Ltmp6:
0x251: {  	s7 =	sadd.s32 s29, s10;
	[tilespmem:s6+$0x12DB0] =	vst.add.f32.msk $0xffff, v27;
	(pc) =	sbr.rel @p0 .LBB2_12-.Ltmp6, $4  }
0x252: {  	s7 =	sshll.u32 s7, $0x4;
	[tilespmem:s6+$0x12DC0] =	vst.add.f32.msk $0xffff, v28  }
0x253: {  	s7 =	sand.u32 $0x1FFFFF80, s7;
	[tilespmem:s6+$0x12DD0] =	vst.add.f32.msk $0xffff, v29  }
0x254: {  	s11 =	sadd.s32 s2, s7;
	[tilespmem:s6+$0x12DE0] =	vst.add.f32.msk $0xffff, v30  }
0x255: {  	[hbm4b:s11+s1] =	stream.strided.scatter [tilespmem:s28], [sflag:$0x8], $0x3200, s14, s1, $0x38;
	[tilespmem:$0x15E00] =	vst v63  }
0x256: {  	_ =	swait.ge [sflag:s21], $0x3200  }
0x257: {  	[sflag:s21] =	ssyncset.done $0x0  }
0x258: {  	s6 =	sadd.s32 $0x4B0, s29;
	[sflag:s21] =	ssyncadd.s32 $0xFFFFCE00  }
0x259: {  	[tilespmem:s23], [sflag:$0x3] =	stream.indirect.gather [hbm4b:s5+s14], $0x40, s6, s14, $0xb8;
	[tilespmem:$0x15E00] =	vst v63  }
0x25a: {  	s7 =	sadd.s32 $0x530, s29  }
0x25b: {  	[tilespmem:s25], [sflag:$0x3] =	stream.indirect.gather [hbm4b:s5+s16], $0x40, s7, s16, $0xb8;
	[tilespmem:$0x15E00] =	vst v63  }
0x25c: {  	_ =	swait.ge [sflag:s22], $0x3200  }
.Ltmp7:
0x25d: {  	[sflag:s22] =	ssyncset.done $0x0;
	(pc) =	sbr.rel .LBB2_2-.Ltmp7, $4  }
0x25e: {  	s11 =	sadd.s32 $0x578, s29;
	[sflag:s22] =	ssyncadd.s32 $0xFFFFCE00  }
0x25f: {  	[tilespmem:s28], [sflag:$0x4] =	stream.indirect.gather [hbm4b:s5+s14], $0x40, s11, s14, $0xb8;
	[tilespmem:$0x15E00] =	vst v63  }
0x260: {  	s29 =	sadd.s32 $0x5F8, s29;
	s26 =	sadd.s32 $0x1, s26  }
0x261: {  	[tilespmem:s30], [sflag:$0x4] =	stream.indirect.gather [hbm4b:s5+s16], $0x40, s29, s16, $0xb8;
	[tilespmem:$0x15E00] =	vst v63  }
.LBB2_13:
0x262: {  	_ =	sfence.sel $0x180000  }
0x263: {  	[bflag:$0x0] =	sbarrier.arrive $0xFFFF  }
0x264: {  	_ =	strace $0x90000047  }
0x265: {  	s0 =	stileid.u32;
	[bflag:$0x2] =	sbarrier.arrive $0xFFFF  }
0x266: {  	p0 =	sne.s32 s0, $0x0;
	s0 =	rddreg [dreg:$0x3]  }
0x267: {  	s0 =	sadd.s32 @!p0 $0x100000, s0  }
0x268: {  	[sflag:s0] =	ssyncadd.tile.s32 @!p0 $0x1;
	_ =	shalt  }
.Lfunc_end2:
_tile_overlayer_lowered:
.L_overlay_start_2:
0x269: {  	(tag) =	ssettag $0x2  }
0x26a: {  	s0 =	rddreg [dreg:$0x0];
	s2 =	stileid.u32  }
0x26b: {  	s1 =	rddreg [dreg:$0x1];
	p0 =	sne.s32 s2, $0x0  }
0x26c: {  	s3 =	rddreg [dreg:$0x2];
	[bflag:$0x3] =	sbarrier.arrive $0xFFFF;
	s2 =	simm.s32 @!p0 $0x1C09  }
0x26d: {  	[timem:s3], [sflag:s2] =	dma.local @!p0 [hbm:s0], s1  }
0x26e: {  	s0 =	simm.s32 @!p0 $0x9  }
0x26f: {  	_ =	swait.ge @!p0 [sflag:s0], s1  }
0x270: {  	s1 =	ssub.s32 @!p0 $0x0, s1;
	[sflag:s0] =	ssyncset.done @!p0 $0x0  }
0x271: {  	[sflag:s0] =	ssyncadd.s32 @!p0 s1  }
0x272: {  	[bflag:$0x3] =	sbarrier.arrive $0xFFFF  }
0x273: {  	_ =	shalt  }

</sc_bundles>
